<compile_context>
chip_gen: v7x
topology: tpu7x:2x2x1
jax: 0.10.2.dev20260603
libtpu: 0.0.44.dev20260713+nightly
codegen_flags: <defaults>
</compile_context>

<pallas_src>
import functools

import jax
import jax.numpy as jnp
from jax import lax
from jax.experimental import pallas as pl
from jax.experimental.pallas import tpu as pltpu
from jax.experimental.pallas import tpu_sc as plsc

NC = 2
NS = 16
NW = NC * NS
LANES = 16
D_HID = 16
NB = 4


def _round_up(v, m):
    return (v + m - 1) // m * m




def _make_sc_deg(n_pad, per_w):
    rows_per_sub = n_pad // NS
    mesh = plsc.VectorSubcoreMesh(core_axis_name="c", subcore_axis_name="s")

    @functools.partial(
        pl.kernel,
        out_type=jax.ShapeDtypeStruct((NC, n_pad), jnp.float32),
        mesh=mesh,
        scratch_types=[
            pltpu.VMEM_SHARED((n_pad,), jnp.float32),
            pltpu.VMEM((8, 128), jnp.int32),
            pltpu.VMEM((128,), jnp.float32),
            pltpu.VMEM((128,), jnp.float32),
        ],
    )
    def deg_kernel(dst_hbm, degp_hbm, acc, idx, ones_b, zbuf):
        cid = lax.axis_index("c")
        sid = lax.axis_index("s")
        wid = cid * NS + sid

        def fill(i, _):
            ones_b[pl.ds(i * LANES, LANES)] = jnp.ones((LANES,), jnp.float32)
            zbuf[pl.ds(i * LANES, LANES)] = jnp.zeros((LANES,), jnp.float32)
            return 0

        lax.fori_loop(0, 128 // LANES, fill, 0)

        base = sid * rows_per_sub

        def zloop(i, _):
            pltpu.sync_copy(zbuf, acc.at[pl.ds(base + i * 128, 128)])
            return 0

        lax.fori_loop(0, rows_per_sub // 128, zloop, 0)
        plsc.subcore_barrier()

        row0 = wid * (per_w // 128)

        def eloop(j, _):
            pltpu.sync_copy(dst_hbm.at[pl.ds(row0 + j * 8, 8)], idx)
            for k in range(8):
                pltpu.sync_copy(ones_b, acc.at[idx.at[k]], add=True)
            return 0

        lax.fori_loop(0, per_w // 1024, eloop, 0)
        plsc.subcore_barrier()
        pltpu.sync_copy(
            acc.at[pl.ds(base, rows_per_sub)],
            degp_hbm.at[cid, pl.ds(base, rows_per_sub)],
        )

    return deg_kernel


def _make_sc_msgpass(n_pad, per_w):
    rows_per_sub = n_pad // NS
    mesh = plsc.VectorSubcoreMesh(core_axis_name="c", subcore_axis_name="s")

    n_chunks = per_w // (NB * 128)

    @functools.partial(
        pl.kernel,
        out_type=jax.ShapeDtypeStruct((NC, n_pad, D_HID), jnp.float32),
        mesh=mesh,
        scratch_types=[
            pltpu.VMEM_SHARED((n_pad, D_HID), jnp.float32),
            pltpu.VMEM((2, NB, 128), jnp.int32),
            pltpu.VMEM((2, NB, 128), jnp.int32),
            pltpu.VMEM((2, NB, 128, D_HID), jnp.float32),
            pltpu.VMEM((128, D_HID), jnp.float32),
            pltpu.SemaphoreType.DMA,
            pltpu.SemaphoreType.DMA,
        ],
        compiler_params=pltpu.CompilerParams(use_tc_tiling_on_sc=False),
    )
    def mp_kernel(hs_hbm, src_hbm, dst_hbm, aggp_hbm, acc, idx_s, idx_d, rows,
                  zbuf, sem_g, sem_i):
        cid = lax.axis_index("c")
        sid = lax.axis_index("s")
        wid = cid * NS + sid

        def fillz(i, _):
            zbuf[i, :] = jnp.zeros((LANES,), jnp.float32)
            return 0

        lax.fori_loop(0, 128, fillz, 0)

        base = sid * rows_per_sub

        def zloop(i, _):
            pltpu.sync_copy(zbuf, acc.at[pl.ds(base + i * 128, 128)])
            return 0

        lax.fori_loop(0, rows_per_sub // 128, zloop, 0)
        plsc.subcore_barrier()

        row0 = wid * (per_w // 128)

        def fire_idx(j, p):
            r = row0 + j * NB
            pltpu.async_copy(src_hbm.at[pl.ds(r, NB)], idx_s.at[p], sem_i)
            pltpu.async_copy(dst_hbm.at[pl.ds(r, NB)], idx_d.at[p], sem_i)

        def wait_idx(j, p):
            r = row0 + j * NB
            pltpu.make_async_copy(src_hbm.at[pl.ds(r, NB)], idx_s.at[p],
                                  sem_i).wait()
            pltpu.make_async_copy(dst_hbm.at[pl.ds(r, NB)], idx_d.at[p],
                                  sem_i).wait()

        def fire_gathers(p):
            for k in range(NB):
                pltpu.async_copy(hs_hbm.at[idx_s.at[p, k]], rows.at[p, k],
                                 sem_g)

        def wait_gathers(p):
            for k in range(NB):
                pltpu.make_async_copy(hs_hbm.at[idx_s.at[p, k]],
                                      rows.at[p, k], sem_g).wait()

        def scatter(p):
            for k in range(NB):
                pltpu.sync_copy(rows.at[p, k], acc.at[idx_d.at[p, k]],
                                add=True)

        wait_idx_0 = pltpu.async_copy(src_hbm.at[pl.ds(row0, NB)],
                                      idx_s.at[0], sem_i)
        wait_idx_0d = pltpu.async_copy(dst_hbm.at[pl.ds(row0, NB)],
                                       idx_d.at[0], sem_i)
        fire_idx(1, 1)
        wait_idx_0.wait()
        wait_idx_0d.wait()
        fire_gathers(0)

        def eloop(j, _):
            p = lax.rem(j, 2)
            wait_gathers(p)

            @pl.when(j < n_chunks - 1)
            def _():
                wait_idx(j + 1, 1 - p)
                fire_gathers(1 - p)

            scatter(p)

            @pl.when(j < n_chunks - 2)
            def _():
                fire_idx(j + 2, p)

            return 0

        lax.fori_loop(0, n_chunks, eloop, 0)
        plsc.subcore_barrier()
        pltpu.sync_copy(
            acc.at[pl.ds(base, rows_per_sub)],
            aggp_hbm.at[cid, pl.ds(base, rows_per_sub)],
        )

    return mp_kernel



_BLK = 1024


def _tc_a_body(x_ref, w1_ref, degp_ref, hs1_ref):
    h = jnp.dot(x_ref[...], w1_ref[...], preferred_element_type=jnp.float32)
    deg = degp_ref[0] + degp_ref[1] + 1.0
    dinv = lax.rsqrt(deg)
    hs1_ref[...] = h * dinv[:, None]


def _tc_b_body(aggp_ref, hs1_ref, degp_ref, b1_ref, w2_ref, hs2_ref):
    deg = degp_ref[0] + degp_ref[1] + 1.0
    dinv = lax.rsqrt(deg)
    agg = aggp_ref[0] + aggp_ref[1]
    z1 = dinv[:, None] * (agg + hs1_ref[...]) + b1_ref[...]
    a1 = jnp.maximum(z1, 0.0)
    h2 = jnp.dot(a1, w2_ref[...], preferred_element_type=jnp.float32)
    hs2_ref[...] = h2 * dinv[:, None]


def _tc_c_body(aggp_ref, hs2_ref, degp_ref, b2_ref, out_ref):
    deg = degp_ref[0] + degp_ref[1] + 1.0
    dinv = lax.rsqrt(deg)
    z = dinv[:, None] * (aggp_ref[0] + aggp_ref[1] + hs2_ref[...]) + b2_ref[...]
    m = jnp.max(z, axis=1, keepdims=True)
    lse = jnp.log(jnp.sum(jnp.exp(z - m), axis=1, keepdims=True)) + m
    out_ref[...] = z - lse




def kernel(x, edge_index, W1, b1, W2, b2):
    n, d_in = x.shape
    e = edge_index.shape[1]
    d_hid = W1.shape[1]

    n_pad = _round_up(n, _BLK)
    per_w = _round_up((e + NW - 1) // NW, _BLK)
    e_pad = per_w * NW

    src = edge_index[0].astype(jnp.int32)
    dst = edge_index[1].astype(jnp.int32)
    npad_e = e_pad - e
    if npad_e:
        spread = max(n_pad - n, 1)
        pad_idx = n + (jnp.arange(npad_e, dtype=jnp.int32) % spread)
        src = jnp.concatenate([src, pad_idx])
        dst = jnp.concatenate([dst, pad_idx])
    src2d = src.reshape(e_pad // 128, 128)
    dst2d = dst.reshape(e_pad // 128, 128)

    sc_deg = _make_sc_deg(n_pad, per_w)
    sc_mp = _make_sc_msgpass(n_pad, per_w)

    degp = sc_deg(dst2d)

    grid = (n_pad // _BLK,)
    row_spec = pl.BlockSpec((_BLK, d_hid), lambda i: (i, 0))
    degp_spec = pl.BlockSpec((NC, _BLK), lambda i: (0, i))
    aggp_spec = pl.BlockSpec((NC, _BLK, d_hid), lambda i: (0, i, 0))
    bias_spec = pl.BlockSpec((1, d_hid), lambda i: (0, 0))

    hs1 = pl.pallas_call(
        _tc_a_body,
        grid=grid,
        in_specs=[
            pl.BlockSpec((_BLK, d_in), lambda i: (i, 0)),
            pl.BlockSpec((d_in, d_hid), lambda i: (0, 0)),
            degp_spec,
        ],
        out_specs=row_spec,
        out_shape=jax.ShapeDtypeStruct((n_pad, d_hid), jnp.float32),
    )(x, W1, degp)

    agg1 = sc_mp(hs1, src2d, dst2d)

    hs2 = pl.pallas_call(
        _tc_b_body,
        grid=grid,
        in_specs=[
            aggp_spec,
            row_spec,
            degp_spec,
            bias_spec,
            pl.BlockSpec((d_hid, d_hid), lambda i: (0, 0)),
        ],
        out_specs=row_spec,
        out_shape=jax.ShapeDtypeStruct((n_pad, d_hid), jnp.float32),
    )(agg1, hs1, degp, b1.reshape(1, d_hid), W2)

    agg2 = sc_mp(hs2, src2d, dst2d)

    out = pl.pallas_call(
        _tc_c_body,
        grid=grid,
        in_specs=[aggp_spec, row_spec, degp_spec, bias_spec],
        out_specs=row_spec,
        out_shape=jax.ShapeDtypeStruct((n_pad, d_hid), jnp.float32),
    )(agg2, hs2, degp, b2.reshape(1, d_hid))

    return out[:n]

# --- scband reference (transcript-rebuilt; emitter-appended) ---
"""Pipeline reference for scband-simple-gcnmodel-87943750353508 (READ-ONLY COPY).

The authoritative reference and input builder live on the scoring server;
editing this copy changes nothing except your own understanding.
"""

import jax, jax.numpy as jnp
import numpy as np

N_NODES = 100000
N_EDGES = 3200000
D_IN = 128
D_HID = 16


def setup_inputs(seed: int = 0) -> dict:
    key = jax.random.key(seed)
    k1, k2, k3, k4, k5, k6 = jax.random.split(key, 6)
    x = jax.random.normal(k1, (N_NODES, D_IN), dtype=jnp.float32)
    edge_index = jax.random.randint(k2, (2, N_EDGES), 0, N_NODES, dtype=jnp.int64)
    # GCNConv params (glorot-ish scale)
    W1 = jax.random.normal(k3, (D_IN, D_HID), dtype=jnp.float32) * (1.0 / np.sqrt(D_IN))
    b1 = jnp.zeros((D_HID,), dtype=jnp.float32)
    W2 = jax.random.normal(k4, (D_HID, D_HID), dtype=jnp.float32) * (1.0 / np.sqrt(D_HID))
    b2 = jnp.zeros((D_HID,), dtype=jnp.float32)
    return {"x": x, "edge_index": edge_index, "W1": W1, "b1": b1, "W2": W2, "b2": b2}


def _gcn_conv(x, src, dst, W, b, n_nodes):
    # standard GCNConv: x' = D^{-1/2} (A + I) D^{-1/2} (x W) + b
    h = x @ W
    loop = jnp.arange(n_nodes, dtype=src.dtype)
    s = jnp.concatenate([src, loop])
    d = jnp.concatenate([dst, loop])
    deg = jnp.zeros((n_nodes,), dtype=h.dtype).at[d].add(1.0)
    dinv = jnp.where(deg > 0, jax.lax.rsqrt(deg), 0.0)
    norm = dinv[s] * dinv[d]
    msg = h[s] * norm[:, None]
    out = jax.ops.segment_sum(msg, d, num_segments=n_nodes)
    return out + b


def reference(x, edge_index, W1, b1, W2, b2):
    src = edge_index[0]
    dst = edge_index[1]
    n_nodes = x.shape[0]
    h = _gcn_conv(x, src, dst, W1, b1, n_nodes)
    h = jax.nn.relu(h)
    # dropout with training=False -> identity (inference reference)
    h = _gcn_conv(h, src, dst, W2, b2, n_nodes)
    return jax.nn.log_softmax(h, axis=1)

if __name__ == "__main__":
    import jax
    _d = setup_inputs()
    print(jax.jit(kernel)(*tuple(_d.values())))

</pallas_src>

<mosaic_0001>
#map = affine_map<(d0, d1) -> (0, 0)>
module attributes {stable_mosaic.version = 14 : i64} {
  func.func @deg_kernel(%arg0: i32, %arg1: i32, %arg2: memref<25088x128xi32, #tpu.memory_space<hbm>>, %arg3: memref<2x100352xf32, #tpu.memory_space<hbm>>, %arg4: memref<100352xf32, #tpu.memory_space<vmem_shared>>, %arg5: memref<8x128xi32, #tpu.memory_space<vmem>>, %arg6: memref<128xf32, #tpu.memory_space<vmem>>, %arg7: memref<128xf32, #tpu.memory_space<vmem>>) attributes {dimension_semantics = [#tpu.dimension_semantics<core_parallel>, #tpu.dimension_semantics<subcore_parallel>], iteration_bounds = array<i64: 2, 16>, scalar_prefetch = 0 : i64, scratch_operands = 4 : i64, tpu.core_type = #tpu.core_type<sc_vector_subcore>, window_params = [{transform_indices = #map}, {transform_indices = #map}]} {
    %mul3A = arith.constant 16 : i32
    %mul3A_0 = arith.muli %arg0, %mul3A : i32
    %add3A = arith.addi %mul3A_0, %arg1 : i32
    %scan3A = arith.constant 0 : i32
    %scan3A_1 = arith.constant 0 : i32
    %scan3A_2 = arith.constant 8 : i32
    %scan3A_3 = arith.addi %scan3A_1, %scan3A_2 : i32
    %scan3A_4 = arith.constant 1 : i32
    %scan3A_5 = scf.for %scan3A_26 = %scan3A_1 to %scan3A_3 step %scan3A_4 iter_args(%scan3A_27 = %scan3A) -> (i32)  : i32 {
      %broadcast_in_dim3A = arith.constant 1.000000e+00 : f32
      %broadcast_in_dim3A_28 = vector.broadcast %broadcast_in_dim3A : f32 to vector<16xf32>
      %mul3A_29 = arith.constant 16 : i32
      %mul3A_30 = arith.muli %scan3A_26, %mul3A_29 : i32
      %swap3A = arith.index_cast %mul3A_30 : i32 to index
      %swap3A_31 = tpu.vector_load %arg6[%swap3A] {strides = array<i32>} : memref<128xf32, #tpu.memory_space<vmem>>, vector<16xf32>,
      %swap3A_32 = vector.shape_cast %swap3A_31 : vector<16xf32> to vector<16xf32>
      %swap3A_33 = vector.shape_cast %broadcast_in_dim3A_28 : vector<16xf32> to vector<16xf32>
      tpu.vector_store %arg6[%swap3A], %swap3A_33 {strides = array<i32>} : memref<128xf32, #tpu.memory_space<vmem>>, vector<16xf32>,
      %broadcast_in_dim3A_34 = arith.constant 0.000000e+00 : f32
      %broadcast_in_dim3A_35 = vector.broadcast %broadcast_in_dim3A_34 : f32 to vector<16xf32>
      %mul3A_36 = arith.constant 16 : i32
      %mul3A_37 = arith.muli %scan3A_26, %mul3A_36 : i32
      %swap3A_38 = arith.index_cast %mul3A_37 : i32 to index
      %swap3A_39 = tpu.vector_load %arg7[%swap3A_38] {strides = array<i32>} : memref<128xf32, #tpu.memory_space<vmem>>, vector<16xf32>,
      %swap3A_40 = vector.shape_cast %swap3A_39 : vector<16xf32> to vector<16xf32>
      %swap3A_41 = vector.shape_cast %broadcast_in_dim3A_35 : vector<16xf32> to vector<16xf32>
      tpu.vector_store %arg7[%swap3A_38], %swap3A_41 {strides = array<i32>} : memref<128xf32, #tpu.memory_space<vmem>>, vector<16xf32>,
      %scan3A_42 = arith.constant 0 : i32
      scf.yield %scan3A_42 : i32
    }
    %scan3A_6 = arith.constant 8 : i32
    %mul3A_7 = arith.constant 6272 : i32
    %mul3A_8 = arith.muli %arg1, %mul3A_7 : i32
    %scan3A_9 = arith.constant 0 : i32
    %scan3A_10 = arith.constant 0 : i32
    %scan3A_11 = arith.constant 49 : i32
    %scan3A_12 = arith.addi %scan3A_10, %scan3A_11 : i32
    %scan3A_13 = arith.constant 1 : i32
    %scan3A_14 = scf.for %scan3A_26 = %scan3A_10 to %scan3A_12 step %scan3A_13 iter_args(%scan3A_27 = %scan3A_9) -> (i32)  : i32 {
      %mul3A_28 = arith.constant 128 : i32
      %mul3A_29 = arith.muli %scan3A_26, %mul3A_28 : i32
      %add3A_30 = arith.addi %mul3A_8, %mul3A_29 : i32
      "tpu.region"() ({
        %run_scoped3A = tpu.sem_alloc : memref<!tpu.dma_semaphore, #tpu.memory_space<semaphore_mem>>
        %dma_start3A = tpu.memref_slice %arg4[%add3A_30] : memref<100352xf32, #tpu.memory_space<vmem_shared>> -> memref<128xf32, #tpu.memory_space<vmem_shared>>
        %dma_start3A_32 = tpu.memref_slice %arg4[%add3A_30] : memref<100352xf32, #tpu.memory_space<vmem_shared>> -> memref<128xf32, #tpu.memory_space<vmem_shared>>
        tpu.enqueue_dma source(%arg7 : memref<128xf32, #tpu.memory_space<vmem>>) target(%dma_start3A_32 : memref<128xf32, #tpu.memory_space<vmem_shared>>) target_semaphore(%run_scoped3A : memref<!tpu.dma_semaphore, #tpu.memory_space<semaphore_mem>>)
        %dma_wait3A = tpu.memref_slice %arg4[%add3A_30] : memref<100352xf32, #tpu.memory_space<vmem_shared>> -> memref<128xf32, #tpu.memory_space<vmem_shared>>
        %dma_wait3A_33 = tpu.memref_slice %arg4[%add3A_30] : memref<100352xf32, #tpu.memory_space<vmem_shared>> -> memref<128xf32, #tpu.memory_space<vmem_shared>>
        tpu.wait_dma2 semaphore(%run_scoped3A : memref<!tpu.dma_semaphore, #tpu.memory_space<semaphore_mem>>) src(%arg7 : memref<128xf32, #tpu.memory_space<vmem>>) dst(%dma_wait3A_33 : memref<128xf32, #tpu.memory_space<vmem_shared>>)
        tpu.yield
      }) : () -> ()
      %scan3A_31 = arith.constant 0 : i32
      scf.yield %scan3A_31 : i32
    }
    %scan3A_15 = arith.constant 49 : i32
    %barrier3A = arith.constant 0 : index
    tpu.barrier barrier_id(%barrier3A)
    %mul3A_16 = arith.constant 784 : i32
    %mul3A_17 = arith.muli %add3A, %mul3A_16 : i32
    %scan3A_18 = arith.constant 0 : i32
    %scan3A_19 = arith.constant 0 : i32
    %scan3A_20 = arith.constant 98 : i32
    %scan3A_21 = arith.addi %scan3A_19, %scan3A_20 : i32
    %scan3A_22 = arith.constant 1 : i32
    %scan3A_23 = scf.for %scan3A_26 = %scan3A_19 to %scan3A_21 step %scan3A_22 iter_args(%scan3A_27 = %scan3A_18) -> (i32)  : i32 {
      %mul3A_28 = arith.constant 8 : i32
      %mul3A_29 = arith.muli %scan3A_26, %mul3A_28 : i32
      %add3A_30 = arith.addi %mul3A_17, %mul3A_29 : i32
      "tpu.region"() ({
        %run_scoped3A_39 = tpu.sem_alloc : memref<!tpu.dma_semaphore, #tpu.memory_space<semaphore_mem>>
        %dma_start3A = arith.constant 0 : i32
        %dma_start3A_40 = tpu.memref_slice %arg2[%add3A_30, %dma_start3A] : memref<25088x128xi32, #tpu.memory_space<hbm>> -> memref<8x128xi32, #tpu.memory_space<hbm>>
        %dma_start3A_41 = arith.constant 0 : i32
        %dma_start3A_42 = tpu.memref_slice %arg2[%add3A_30, %dma_start3A_41] : memref<25088x128xi32, #tpu.memory_space<hbm>> -> memref<8x128xi32, #tpu.memory_space<hbm>>
        tpu.enqueue_dma source(%dma_start3A_42 : memref<8x128xi32, #tpu.memory_space<hbm>>) target(%arg5 : memref<8x128xi32, #tpu.memory_space<vmem>>) target_semaphore(%run_scoped3A_39 : memref<!tpu.dma_semaphore, #tpu.memory_space<semaphore_mem>>)
        %dma_wait3A = arith.constant 0 : i32
        %dma_wait3A_43 = tpu.memref_slice %arg2[%add3A_30, %dma_wait3A] : memref<25088x128xi32, #tpu.memory_space<hbm>> -> memref<8x128xi32, #tpu.memory_space<hbm>>
        %dma_wait3A_44 = arith.constant 0 : i32
        %dma_wait3A_45 = tpu.memref_slice %arg2[%add3A_30, %dma_wait3A_44] : memref<25088x128xi32, #tpu.memory_space<hbm>> -> memref<8x128xi32, #tpu.memory_space<hbm>>
        tpu.wait_dma2 semaphore(%run_scoped3A_39 : memref<!tpu.dma_semaphore, #tpu.memory_space<semaphore_mem>>) src(%dma_wait3A_45 : memref<8x128xi32, #tpu.memory_space<hbm>>) dst(%arg5 : memref<8x128xi32, #tpu.memory_space<vmem>>)
        tpu.yield
      }) : () -> ()
      %run_scoped3A = arith.constant 0 : i32
      "tpu.region"() ({
        %run_scoped3A_39 = tpu.sem_alloc : memref<!tpu.dma_semaphore, #tpu.memory_space<semaphore_mem>>
        %dma_start3A = arith.constant 0 : i32
        %dma_start3A_40 = tpu.memref_slice %arg5[%run_scoped3A, %dma_start3A] : memref<8x128xi32, #tpu.memory_space<vmem>> -> memref<1x128xi32, #tpu.memory_space<vmem>>
        %dma_start3A_41 = tpu.memref_squeeze %dma_start3A_40 : memref<1x128xi32, #tpu.memory_space<vmem>> -> memref<128xi32, #tpu.memory_space<vmem>>
        %dma_start3A_42 = arith.constant 0 : i32
        %dma_start3A_43 = tpu.memref_slice %arg4[%dma_start3A_42] : memref<100352xf32, #tpu.memory_space<vmem_shared>> -> memref<100352xf32, #tpu.memory_space<vmem_shared>>
        tpu.enqueue_indirect_dma source(%arg6 : memref<128xf32, #tpu.memory_space<vmem>>) target(%dma_start3A_43 : memref<100352xf32, #tpu.memory_space<vmem_shared>>) offsets(%dma_start3A_41 : memref<128xi32, #tpu.memory_space<vmem>>) semaphore(%run_scoped3A_39 : memref<!tpu.dma_semaphore, #tpu.memory_space<semaphore_mem>>) {add = true}
        %dma_wait3A = arith.constant 0 : i32
        %dma_wait3A_44 = tpu.memref_slice %arg5[%run_scoped3A, %dma_wait3A] : memref<8x128xi32, #tpu.memory_space<vmem>> -> memref<1x128xi32, #tpu.memory_space<vmem>>
        %dma_wait3A_45 = tpu.memref_squeeze %dma_wait3A_44 : memref<1x128xi32, #tpu.memory_space<vmem>> -> memref<128xi32, #tpu.memory_space<vmem>>
        %dma_wait3A_46 = arith.constant 0 : i32
        %dma_wait3A_47 = tpu.memref_slice %arg4[%dma_wait3A_46] : memref<100352xf32, #tpu.memory_space<vmem_shared>> -> memref<100352xf32, #tpu.memory_space<vmem_shared>>
        tpu.wait_indirect_dma semaphore(%run_scoped3A_39 : memref<!tpu.dma_semaphore, #tpu.memory_space<semaphore_mem>>) src(%arg6 : memref<128xf32, #tpu.memory_space<vmem>>) dst(%dma_wait3A_47 : memref<100352xf32, #tpu.memory_space<vmem_shared>>)
        tpu.yield
      }) : () -> ()
      %run_scoped3A_31 = arith.constant 1 : i32
      "tpu.region"() ({
        %run_scoped3A_39 = tpu.sem_alloc : memref<!tpu.dma_semaphore, #tpu.memory_space<semaphore_mem>>
        %dma_start3A = arith.constant 0 : i32
        %dma_start3A_40 = tpu.memref_slice %arg5[%run_scoped3A_31, %dma_start3A] : memref<8x128xi32, #tpu.memory_space<vmem>> -> memref<1x128xi32, #tpu.memory_space<vmem>>
        %dma_start3A_41 = tpu.memref_squeeze %dma_start3A_40 : memref<1x128xi32, #tpu.memory_space<vmem>> -> memref<128xi32, #tpu.memory_space<vmem>>
        %dma_start3A_42 = arith.constant 0 : i32
        %dma_start3A_43 = tpu.memref_slice %arg4[%dma_start3A_42] : memref<100352xf32, #tpu.memory_space<vmem_shared>> -> memref<100352xf32, #tpu.memory_space<vmem_shared>>
        tpu.enqueue_indirect_dma source(%arg6 : memref<128xf32, #tpu.memory_space<vmem>>) target(%dma_start3A_43 : memref<100352xf32, #tpu.memory_space<vmem_shared>>) offsets(%dma_start3A_41 : memref<128xi32, #tpu.memory_space<vmem>>) semaphore(%run_scoped3A_39 : memref<!tpu.dma_semaphore, #tpu.memory_space<semaphore_mem>>) {add = true}
        %dma_wait3A = arith.constant 0 : i32
        %dma_wait3A_44 = tpu.memref_slice %arg5[%run_scoped3A_31, %dma_wait3A] : memref<8x128xi32, #tpu.memory_space<vmem>> -> memref<1x128xi32, #tpu.memory_space<vmem>>
        %dma_wait3A_45 = tpu.memref_squeeze %dma_wait3A_44 : memref<1x128xi32, #tpu.memory_space<vmem>> -> memref<128xi32, #tpu.memory_space<vmem>>
        %dma_wait3A_46 = arith.constant 0 : i32
        %dma_wait3A_47 = tpu.memref_slice %arg4[%dma_wait3A_46] : memref<100352xf32, #tpu.memory_space<vmem_shared>> -> memref<100352xf32, #tpu.memory_space<vmem_shared>>
        tpu.wait_indirect_dma semaphore(%run_scoped3A_39 : memref<!tpu.dma_semaphore, #tpu.memory_space<semaphore_mem>>) src(%arg6 : memref<128xf32, #tpu.memory_space<vmem>>) dst(%dma_wait3A_47 : memref<100352xf32, #tpu.memory_space<vmem_shared>>)
        tpu.yield
      }) : () -> ()
      %run_scoped3A_32 = arith.constant 2 : i32
      "tpu.region"() ({
        %run_scoped3A_39 = tpu.sem_alloc : memref<!tpu.dma_semaphore, #tpu.memory_space<semaphore_mem>>
        %dma_start3A = arith.constant 0 : i32
        %dma_start3A_40 = tpu.memref_slice %arg5[%run_scoped3A_32, %dma_start3A] : memref<8x128xi32, #tpu.memory_space<vmem>> -> memref<1x128xi32, #tpu.memory_space<vmem>>
        %dma_start3A_41 = tpu.memref_squeeze %dma_start3A_40 : memref<1x128xi32, #tpu.memory_space<vmem>> -> memref<128xi32, #tpu.memory_space<vmem>>
        %dma_start3A_42 = arith.constant 0 : i32
        %dma_start3A_43 = tpu.memref_slice %arg4[%dma_start3A_42] : memref<100352xf32, #tpu.memory_space<vmem_shared>> -> memref<100352xf32, #tpu.memory_space<vmem_shared>>
        tpu.enqueue_indirect_dma source(%arg6 : memref<128xf32, #tpu.memory_space<vmem>>) target(%dma_start3A_43 : memref<100352xf32, #tpu.memory_space<vmem_shared>>) offsets(%dma_start3A_41 : memref<128xi32, #tpu.memory_space<vmem>>) semaphore(%run_scoped3A_39 : memref<!tpu.dma_semaphore, #tpu.memory_space<semaphore_mem>>) {add = true}
        %dma_wait3A = arith.constant 0 : i32
        %dma_wait3A_44 = tpu.memref_slice %arg5[%run_scoped3A_32, %dma_wait3A] : memref<8x128xi32, #tpu.memory_space<vmem>> -> memref<1x128xi32, #tpu.memory_space<vmem>>
        %dma_wait3A_45 = tpu.memref_squeeze %dma_wait3A_44 : memref<1x128xi32, #tpu.memory_space<vmem>> -> memref<128xi32, #tpu.memory_space<vmem>>
        %dma_wait3A_46 = arith.constant 0 : i32
        %dma_wait3A_47 = tpu.memref_slice %arg4[%dma_wait3A_46] : memref<100352xf32, #tpu.memory_space<vmem_shared>> -> memref<100352xf32, #tpu.memory_space<vmem_shared>>
        tpu.wait_indirect_dma semaphore(%run_scoped3A_39 : memref<!tpu.dma_semaphore, #tpu.memory_space<semaphore_mem>>) src(%arg6 : memref<128xf32, #tpu.memory_space<vmem>>) dst(%dma_wait3A_47 : memref<100352xf32, #tpu.memory_space<vmem_shared>>)
        tpu.yield
      }) : () -> ()
      %run_scoped3A_33 = arith.constant 3 : i32
      "tpu.region"() ({
        %run_scoped3A_39 = tpu.sem_alloc : memref<!tpu.dma_semaphore, #tpu.memory_space<semaphore_mem>>
        %dma_start3A = arith.constant 0 : i32
        %dma_start3A_40 = tpu.memref_slice %arg5[%run_scoped3A_33, %dma_start3A] : memref<8x128xi32, #tpu.memory_space<vmem>> -> memref<1x128xi32, #tpu.memory_space<vmem>>
        %dma_start3A_41 = tpu.memref_squeeze %dma_start3A_40 : memref<1x128xi32, #tpu.memory_space<vmem>> -> memref<128xi32, #tpu.memory_space<vmem>>
        %dma_start3A_42 = arith.constant 0 : i32
        %dma_start3A_43 = tpu.memref_slice %arg4[%dma_start3A_42] : memref<100352xf32, #tpu.memory_space<vmem_shared>> -> memref<100352xf32, #tpu.memory_space<vmem_shared>>
        tpu.enqueue_indirect_dma source(%arg6 : memref<128xf32, #tpu.memory_space<vmem>>) target(%dma_start3A_43 : memref<100352xf32, #tpu.memory_space<vmem_shared>>) offsets(%dma_start3A_41 : memref<128xi32, #tpu.memory_space<vmem>>) semaphore(%run_scoped3A_39 : memref<!tpu.dma_semaphore, #tpu.memory_space<semaphore_mem>>) {add = true}
        %dma_wait3A = arith.constant 0 : i32
        %dma_wait3A_44 = tpu.memref_slice %arg5[%run_scoped3A_33, %dma_wait3A] : memref<8x128xi32, #tpu.memory_space<vmem>> -> memref<1x128xi32, #tpu.memory_space<vmem>>
        %dma_wait3A_45 = tpu.memref_squeeze %dma_wait3A_44 : memref<1x128xi32, #tpu.memory_space<vmem>> -> memref<128xi32, #tpu.memory_space<vmem>>
        %dma_wait3A_46 = arith.constant 0 : i32
        %dma_wait3A_47 = tpu.memref_slice %arg4[%dma_wait3A_46] : memref<100352xf32, #tpu.memory_space<vmem_shared>> -> memref<100352xf32, #tpu.memory_space<vmem_shared>>
        tpu.wait_indirect_dma semaphore(%run_scoped3A_39 : memref<!tpu.dma_semaphore, #tpu.memory_space<semaphore_mem>>) src(%arg6 : memref<128xf32, #tpu.memory_space<vmem>>) dst(%dma_wait3A_47 : memref<100352xf32, #tpu.memory_space<vmem_shared>>)
        tpu.yield
      }) : () -> ()
      %run_scoped3A_34 = arith.constant 4 : i32
      "tpu.region"() ({
        %run_scoped3A_39 = tpu.sem_alloc : memref<!tpu.dma_semaphore, #tpu.memory_space<semaphore_mem>>
        %dma_start3A = arith.constant 0 : i32
        %dma_start3A_40 = tpu.memref_slice %arg5[%run_scoped3A_34, %dma_start3A] : memref<8x128xi32, #tpu.memory_space<vmem>> -> memref<1x128xi32, #tpu.memory_space<vmem>>
        %dma_start3A_41 = tpu.memref_squeeze %dma_start3A_40 : memref<1x128xi32, #tpu.memory_space<vmem>> -> memref<128xi32, #tpu.memory_space<vmem>>
        %dma_start3A_42 = arith.constant 0 : i32
        %dma_start3A_43 = tpu.memref_slice %arg4[%dma_start3A_42] : memref<100352xf32, #tpu.memory_space<vmem_shared>> -> memref<100352xf32, #tpu.memory_space<vmem_shared>>
        tpu.enqueue_indirect_dma source(%arg6 : memref<128xf32, #tpu.memory_space<vmem>>) target(%dma_start3A_43 : memref<100352xf32, #tpu.memory_space<vmem_shared>>) offsets(%dma_start3A_41 : memref<128xi32, #tpu.memory_space<vmem>>) semaphore(%run_scoped3A_39 : memref<!tpu.dma_semaphore, #tpu.memory_space<semaphore_mem>>) {add = true}
        %dma_wait3A = arith.constant 0 : i32
        %dma_wait3A_44 = tpu.memref_slice %arg5[%run_scoped3A_34, %dma_wait3A] : memref<8x128xi32, #tpu.memory_space<vmem>> -> memref<1x128xi32, #tpu.memory_space<vmem>>
        %dma_wait3A_45 = tpu.memref_squeeze %dma_wait3A_44 : memref<1x128xi32, #tpu.memory_space<vmem>> -> memref<128xi32, #tpu.memory_space<vmem>>
        %dma_wait3A_46 = arith.constant 0 : i32
        %dma_wait3A_47 = tpu.memref_slice %arg4[%dma_wait3A_46] : memref<100352xf32, #tpu.memory_space<vmem_shared>> -> memref<100352xf32, #tpu.memory_space<vmem_shared>>
        tpu.wait_indirect_dma semaphore(%run_scoped3A_39 : memref<!tpu.dma_semaphore, #tpu.memory_space<semaphore_mem>>) src(%arg6 : memref<128xf32, #tpu.memory_space<vmem>>) dst(%dma_wait3A_47 : memref<100352xf32, #tpu.memory_space<vmem_shared>>)
        tpu.yield
      }) : () -> ()
      %run_scoped3A_35 = arith.constant 5 : i32
      "tpu.region"() ({
        %run_scoped3A_39 = tpu.sem_alloc : memref<!tpu.dma_semaphore, #tpu.memory_space<semaphore_mem>>
        %dma_start3A = arith.constant 0 : i32
        %dma_start3A_40 = tpu.memref_slice %arg5[%run_scoped3A_35, %dma_start3A] : memref<8x128xi32, #tpu.memory_space<vmem>> -> memref<1x128xi32, #tpu.memory_space<vmem>>
        %dma_start3A_41 = tpu.memref_squeeze %dma_start3A_40 : memref<1x128xi32, #tpu.memory_space<vmem>> -> memref<128xi32, #tpu.memory_space<vmem>>
        %dma_start3A_42 = arith.constant 0 : i32
        %dma_start3A_43 = tpu.memref_slice %arg4[%dma_start3A_42] : memref<100352xf32, #tpu.memory_space<vmem_shared>> -> memref<100352xf32, #tpu.memory_space<vmem_shared>>
        tpu.enqueue_indirect_dma source(%arg6 : memref<128xf32, #tpu.memory_space<vmem>>) target(%dma_start3A_43 : memref<100352xf32, #tpu.memory_space<vmem_shared>>) offsets(%dma_start3A_41 : memref<128xi32, #tpu.memory_space<vmem>>) semaphore(%run_scoped3A_39 : memref<!tpu.dma_semaphore, #tpu.memory_space<semaphore_mem>>) {add = true}
        %dma_wait3A = arith.constant 0 : i32
        %dma_wait3A_44 = tpu.memref_slice %arg5[%run_scoped3A_35, %dma_wait3A] : memref<8x128xi32, #tpu.memory_space<vmem>> -> memref<1x128xi32, #tpu.memory_space<vmem>>
        %dma_wait3A_45 = tpu.memref_squeeze %dma_wait3A_44 : memref<1x128xi32, #tpu.memory_space<vmem>> -> memref<128xi32, #tpu.memory_space<vmem>>
        %dma_wait3A_46 = arith.constant 0 : i32
        %dma_wait3A_47 = tpu.memref_slice %arg4[%dma_wait3A_46] : memref<100352xf32, #tpu.memory_space<vmem_shared>> -> memref<100352xf32, #tpu.memory_space<vmem_shared>>
        tpu.wait_indirect_dma semaphore(%run_scoped3A_39 : memref<!tpu.dma_semaphore, #tpu.memory_space<semaphore_mem>>) src(%arg6 : memref<128xf32, #tpu.memory_space<vmem>>) dst(%dma_wait3A_47 : memref<100352xf32, #tpu.memory_space<vmem_shared>>)
        tpu.yield
      }) : () -> ()
      %run_scoped3A_36 = arith.constant 6 : i32
      "tpu.region"() ({
        %run_scoped3A_39 = tpu.sem_alloc : memref<!tpu.dma_semaphore, #tpu.memory_space<semaphore_mem>>
        %dma_start3A = arith.constant 0 : i32
        %dma_start3A_40 = tpu.memref_slice %arg5[%run_scoped3A_36, %dma_start3A] : memref<8x128xi32, #tpu.memory_space<vmem>> -> memref<1x128xi32, #tpu.memory_space<vmem>>
        %dma_start3A_41 = tpu.memref_squeeze %dma_start3A_40 : memref<1x128xi32, #tpu.memory_space<vmem>> -> memref<128xi32, #tpu.memory_space<vmem>>
        %dma_start3A_42 = arith.constant 0 : i32
        %dma_start3A_43 = tpu.memref_slice %arg4[%dma_start3A_42] : memref<100352xf32, #tpu.memory_space<vmem_shared>> -> memref<100352xf32, #tpu.memory_space<vmem_shared>>
        tpu.enqueue_indirect_dma source(%arg6 : memref<128xf32, #tpu.memory_space<vmem>>) target(%dma_start3A_43 : memref<100352xf32, #tpu.memory_space<vmem_shared>>) offsets(%dma_start3A_41 : memref<128xi32, #tpu.memory_space<vmem>>) semaphore(%run_scoped3A_39 : memref<!tpu.dma_semaphore, #tpu.memory_space<semaphore_mem>>) {add = true}
        %dma_wait3A = arith.constant 0 : i32
        %dma_wait3A_44 = tpu.memref_slice %arg5[%run_scoped3A_36, %dma_wait3A] : memref<8x128xi32, #tpu.memory_space<vmem>> -> memref<1x128xi32, #tpu.memory_space<vmem>>
        %dma_wait3A_45 = tpu.memref_squeeze %dma_wait3A_44 : memref<1x128xi32, #tpu.memory_space<vmem>> -> memref<128xi32, #tpu.memory_space<vmem>>
        %dma_wait3A_46 = arith.constant 0 : i32
        %dma_wait3A_47 = tpu.memref_slice %arg4[%dma_wait3A_46] : memref<100352xf32, #tpu.memory_space<vmem_shared>> -> memref<100352xf32, #tpu.memory_space<vmem_shared>>
        tpu.wait_indirect_dma semaphore(%run_scoped3A_39 : memref<!tpu.dma_semaphore, #tpu.memory_space<semaphore_mem>>) src(%arg6 : memref<128xf32, #tpu.memory_space<vmem>>) dst(%dma_wait3A_47 : memref<100352xf32, #tpu.memory_space<vmem_shared>>)
        tpu.yield
      }) : () -> ()
      %run_scoped3A_37 = arith.constant 7 : i32
      "tpu.region"() ({
        %run_scoped3A_39 = tpu.sem_alloc : memref<!tpu.dma_semaphore, #tpu.memory_space<semaphore_mem>>
        %dma_start3A = arith.constant 0 : i32
        %dma_start3A_40 = tpu.memref_slice %arg5[%run_scoped3A_37, %dma_start3A] : memref<8x128xi32, #tpu.memory_space<vmem>> -> memref<1x128xi32, #tpu.memory_space<vmem>>
        %dma_start3A_41 = tpu.memref_squeeze %dma_start3A_40 : memref<1x128xi32, #tpu.memory_space<vmem>> -> memref<128xi32, #tpu.memory_space<vmem>>
        %dma_start3A_42 = arith.constant 0 : i32
        %dma_start3A_43 = tpu.memref_slice %arg4[%dma_start3A_42] : memref<100352xf32, #tpu.memory_space<vmem_shared>> -> memref<100352xf32, #tpu.memory_space<vmem_shared>>
        tpu.enqueue_indirect_dma source(%arg6 : memref<128xf32, #tpu.memory_space<vmem>>) target(%dma_start3A_43 : memref<100352xf32, #tpu.memory_space<vmem_shared>>) offsets(%dma_start3A_41 : memref<128xi32, #tpu.memory_space<vmem>>) semaphore(%run_scoped3A_39 : memref<!tpu.dma_semaphore, #tpu.memory_space<semaphore_mem>>) {add = true}
        %dma_wait3A = arith.constant 0 : i32
        %dma_wait3A_44 = tpu.memref_slice %arg5[%run_scoped3A_37, %dma_wait3A] : memref<8x128xi32, #tpu.memory_space<vmem>> -> memref<1x128xi32, #tpu.memory_space<vmem>>
        %dma_wait3A_45 = tpu.memref_squeeze %dma_wait3A_44 : memref<1x128xi32, #tpu.memory_space<vmem>> -> memref<128xi32, #tpu.memory_space<vmem>>
        %dma_wait3A_46 = arith.constant 0 : i32
        %dma_wait3A_47 = tpu.memref_slice %arg4[%dma_wait3A_46] : memref<100352xf32, #tpu.memory_space<vmem_shared>> -> memref<100352xf32, #tpu.memory_space<vmem_shared>>
        tpu.wait_indirect_dma semaphore(%run_scoped3A_39 : memref<!tpu.dma_semaphore, #tpu.memory_space<semaphore_mem>>) src(%arg6 : memref<128xf32, #tpu.memory_space<vmem>>) dst(%dma_wait3A_47 : memref<100352xf32, #tpu.memory_space<vmem_shared>>)
        tpu.yield
      }) : () -> ()
      %scan3A_38 = arith.constant 0 : i32
      scf.yield %scan3A_38 : i32
    }
    %scan3A_24 = arith.constant 98 : i32
    %barrier3A_25 = arith.constant 0 : index
    tpu.barrier barrier_id(%barrier3A_25)
    "tpu.region"() ({
      %run_scoped3A = tpu.sem_alloc : memref<!tpu.dma_semaphore, #tpu.memory_space<semaphore_mem>>
      %dma_start3A = tpu.memref_slice %arg3[%arg0, %mul3A_8] : memref<2x100352xf32, #tpu.memory_space<hbm>> -> memref<1x6272xf32, #tpu.memory_space<hbm>>
      %dma_start3A_26 = tpu.memref_squeeze %dma_start3A : memref<1x6272xf32, #tpu.memory_space<hbm>> -> memref<6272xf32, #tpu.memory_space<hbm>>
      %dma_start3A_27 = tpu.memref_slice %arg4[%mul3A_8] : memref<100352xf32, #tpu.memory_space<vmem_shared>> -> memref<6272xf32, #tpu.memory_space<vmem_shared>>
      tpu.enqueue_dma source(%dma_start3A_27 : memref<6272xf32, #tpu.memory_space<vmem_shared>>) target(%dma_start3A_26 : memref<6272xf32, #tpu.memory_space<hbm>>) target_semaphore(%run_scoped3A : memref<!tpu.dma_semaphore, #tpu.memory_space<semaphore_mem>>)
      %dma_wait3A = tpu.memref_slice %arg3[%arg0, %mul3A_8] : memref<2x100352xf32, #tpu.memory_space<hbm>> -> memref<1x6272xf32, #tpu.memory_space<hbm>>
      %dma_wait3A_28 = tpu.memref_squeeze %dma_wait3A : memref<1x6272xf32, #tpu.memory_space<hbm>> -> memref<6272xf32, #tpu.memory_space<hbm>>
      %dma_wait3A_29 = tpu.memref_slice %arg4[%mul3A_8] : memref<100352xf32, #tpu.memory_space<vmem_shared>> -> memref<6272xf32, #tpu.memory_space<vmem_shared>>
      tpu.wait_dma2 semaphore(%run_scoped3A : memref<!tpu.dma_semaphore, #tpu.memory_space<semaphore_mem>>) src(%dma_wait3A_29 : memref<6272xf32, #tpu.memory_space<vmem_shared>>) dst(%dma_wait3A_28 : memref<6272xf32, #tpu.memory_space<hbm>>)
      tpu.yield
    }) : () -> ()
    return
  }
}

#map = affine_map<(d0, d1) -> (0, 0)>
#map1 = affine_map<(d0, d1) -> (0, 0, 0)>
module attributes {stable_mosaic.version = 14 : i64} {
  func.func @mp_kernel(%arg0: i32, %arg1: i32, %arg2: memref<100352x16xf32, #tpu.memory_space<hbm>>, %arg3: memref<25088x128xi32, #tpu.memory_space<hbm>>, %arg4: memref<25088x128xi32, #tpu.memory_space<hbm>>, %arg5: memref<2x100352x16xf32, #tpu.memory_space<hbm>>, %arg6: memref<100352x16xf32, #tpu.memory_space<vmem_shared>>, %arg7: memref<2x4x128xi32, #tpu.memory_space<vmem>>, %arg8: memref<2x4x128xi32, #tpu.memory_space<vmem>>, %arg9: memref<2x4x128x16xf32, #tpu.memory_space<vmem>>, %arg10: memref<128x16xf32, #tpu.memory_space<vmem>>, %arg11: memref<!tpu.dma_semaphore, #tpu.memory_space<semaphore_mem>>, %arg12: memref<!tpu.dma_semaphore, #tpu.memory_space<semaphore_mem>>) attributes {dimension_semantics = [#tpu.dimension_semantics<core_parallel>, #tpu.dimension_semantics<subcore_parallel>], iteration_bounds = array<i64: 2, 16>, scalar_prefetch = 0 : i64, scratch_operands = 7 : i64, tpu.core_type = #tpu.core_type<sc_vector_subcore>, window_params = [{transform_indices = #map}, {transform_indices = #map}, {transform_indices = #map}, {transform_indices = #map1}]} {
    %mul3A = arith.constant 16 : i32
    %mul3A_0 = arith.muli %arg0, %mul3A : i32
    %add3A = arith.addi %mul3A_0, %arg1 : i32
    %scan3A = arith.constant 0 : i32
    %scan3A_1 = arith.constant 0 : i32
    %scan3A_2 = arith.constant 128 : i32
    %scan3A_3 = arith.addi %scan3A_1, %scan3A_2 : i32
    %scan3A_4 = arith.constant 1 : i32
    %scan3A_5 = scf.for %scan3A_160 = %scan3A_1 to %scan3A_3 step %scan3A_4 iter_args(%scan3A_161 = %scan3A) -> (i32)  : i32 {
      %broadcast_in_dim3A = arith.constant 0.000000e+00 : f32
      %broadcast_in_dim3A_162 = vector.broadcast %broadcast_in_dim3A : f32 to vector<16xf32>
      %swap3A = arith.index_cast %scan3A_160 : i32 to index
      %swap3A_163 = arith.constant 0 : index
      %swap3A_164 = tpu.vector_load %arg10[%swap3A, %swap3A_163] {strides = array<i32>} : memref<128x16xf32, #tpu.memory_space<vmem>>, vector<1x16xf32>,
      %swap3A_165 = vector.shape_cast %swap3A_164 : vector<1x16xf32> to vector<16xf32>
      %swap3A_166 = vector.shape_cast %broadcast_in_dim3A_162 : vector<16xf32> to vector<1x16xf32>
      tpu.vector_store %arg10[%swap3A, %swap3A_163], %swap3A_166 {strides = array<i32>} : memref<128x16xf32, #tpu.memory_space<vmem>>, vector<1x16xf32>,
      %scan3A_167 = arith.constant 0 : i32
      scf.yield %scan3A_167 : i32
    }
    %scan3A_6 = arith.constant 128 : i32
    %mul3A_7 = arith.constant 6272 : i32
    %mul3A_8 = arith.muli %arg1, %mul3A_7 : i32
    %scan3A_9 = arith.constant 0 : i32
    %scan3A_10 = arith.constant 0 : i32
    %scan3A_11 = arith.constant 49 : i32
    %scan3A_12 = arith.addi %scan3A_10, %scan3A_11 : i32
    %scan3A_13 = arith.constant 1 : i32
    %scan3A_14 = scf.for %scan3A_160 = %scan3A_10 to %scan3A_12 step %scan3A_13 iter_args(%scan3A_161 = %scan3A_9) -> (i32)  : i32 {
      %mul3A_162 = arith.constant 128 : i32
      %mul3A_163 = arith.muli %scan3A_160, %mul3A_162 : i32
      %add3A_164 = arith.addi %mul3A_8, %mul3A_163 : i32
      "tpu.region"() ({
        %run_scoped3A = tpu.sem_alloc : memref<!tpu.dma_semaphore, #tpu.memory_space<semaphore_mem>>
        %dma_start3A_166 = arith.constant 0 : i32
        %dma_start3A_167 = tpu.memref_slice %arg6[%add3A_164, %dma_start3A_166] : memref<100352x16xf32, #tpu.memory_space<vmem_shared>> -> memref<128x16xf32, #tpu.memory_space<vmem_shared>>
        %dma_start3A_168 = arith.constant 0 : i32
        %dma_start3A_169 = tpu.memref_slice %arg6[%add3A_164, %dma_start3A_168] : memref<100352x16xf32, #tpu.memory_space<vmem_shared>> -> memref<128x16xf32, #tpu.memory_space<vmem_shared>>
        tpu.enqueue_dma source(%arg10 : memref<128x16xf32, #tpu.memory_space<vmem>>) target(%dma_start3A_169 : memref<128x16xf32, #tpu.memory_space<vmem_shared>>) target_semaphore(%run_scoped3A : memref<!tpu.dma_semaphore, #tpu.memory_space<semaphore_mem>>)
        %dma_wait3A_170 = arith.constant 0 : i32
        %dma_wait3A_171 = tpu.memref_slice %arg6[%add3A_164, %dma_wait3A_170] : memref<100352x16xf32, #tpu.memory_space<vmem_shared>> -> memref<128x16xf32, #tpu.memory_space<vmem_shared>>
        %dma_wait3A_172 = arith.constant 0 : i32
        %dma_wait3A_173 = tpu.memref_slice %arg6[%add3A_164, %dma_wait3A_172] : memref<100352x16xf32, #tpu.memory_space<vmem_shared>> -> memref<128x16xf32, #tpu.memory_space<vmem_shared>>
        tpu.wait_dma2 semaphore(%run_scoped3A : memref<!tpu.dma_semaphore, #tpu.memory_space<semaphore_mem>>) src(%arg10 : memref<128x16xf32, #tpu.memory_space<vmem>>) dst(%dma_wait3A_173 : memref<128x16xf32, #tpu.memory_space<vmem_shared>>)
        tpu.yield
      }) : () -> ()
      %scan3A_165 = arith.constant 0 : i32
      scf.yield %scan3A_165 : i32
    }
    %scan3A_15 = arith.constant 49 : i32
    %barrier3A = arith.constant 0 : index
    tpu.barrier barrier_id(%barrier3A)
    %mul3A_16 = arith.constant 784 : i32
    %mul3A_17 = arith.muli %add3A, %mul3A_16 : i32
    %dma_start3A = arith.constant 0 : i32
    %dma_start3A_18 = arith.constant 0 : i32
    %dma_start3A_19 = arith.constant 0 : i32
    %dma_start3A_20 = tpu.memref_slice %arg7[%dma_start3A, %dma_start3A_18, %dma_start3A_19] : memref<2x4x128xi32, #tpu.memory_space<vmem>> -> memref<1x4x128xi32, #tpu.memory_space<vmem>>
    %dma_start3A_21 = tpu.memref_squeeze %dma_start3A_20 : memref<1x4x128xi32, #tpu.memory_space<vmem>> -> memref<4x128xi32, #tpu.memory_space<vmem>>
    %dma_start3A_22 = arith.constant 0 : i32
    %dma_start3A_23 = tpu.memref_slice %arg3[%mul3A_17, %dma_start3A_22] : memref<25088x128xi32, #tpu.memory_space<hbm>> -> memref<4x128xi32, #tpu.memory_space<hbm>>
    %dma_start3A_24 = arith.constant 0 : i32
    %dma_start3A_25 = arith.constant 0 : i32
    %dma_start3A_26 = tpu.memref_slice %arg7[%dma_start3A, %dma_start3A_24, %dma_start3A_25] : memref<2x4x128xi32, #tpu.memory_space<vmem>> -> memref<1x4x128xi32, #tpu.memory_space<vmem>>
    %dma_start3A_27 = tpu.memref_squeeze %dma_start3A_26 : memref<1x4x128xi32, #tpu.memory_space<vmem>> -> memref<4x128xi32, #tpu.memory_space<vmem>>
    %dma_start3A_28 = arith.constant 0 : i32
    %dma_start3A_29 = tpu.memref_slice %arg3[%mul3A_17, %dma_start3A_28] : memref<25088x128xi32, #tpu.memory_space<hbm>> -> memref<4x128xi32, #tpu.memory_space<hbm>>
    tpu.enqueue_dma source(%dma_start3A_29 : memref<4x128xi32, #tpu.memory_space<hbm>>) target(%dma_start3A_27 : memref<4x128xi32, #tpu.memory_space<vmem>>) target_semaphore(%arg12 : memref<!tpu.dma_semaphore, #tpu.memory_space<semaphore_mem>>)
    %dma_start3A_30 = arith.constant 0 : i32
    %dma_start3A_31 = arith.constant 0 : i32
    %dma_start3A_32 = arith.constant 0 : i32
    %dma_start3A_33 = tpu.memref_slice %arg8[%dma_start3A_30, %dma_start3A_31, %dma_start3A_32] : memref<2x4x128xi32, #tpu.memory_space<vmem>> -> memref<1x4x128xi32, #tpu.memory_space<vmem>>
    %dma_start3A_34 = tpu.memref_squeeze %dma_start3A_33 : memref<1x4x128xi32, #tpu.memory_space<vmem>> -> memref<4x128xi32, #tpu.memory_space<vmem>>
    %dma_start3A_35 = arith.constant 0 : i32
    %dma_start3A_36 = tpu.memref_slice %arg4[%mul3A_17, %dma_start3A_35] : memref<25088x128xi32, #tpu.memory_space<hbm>> -> memref<4x128xi32, #tpu.memory_space<hbm>>
    %dma_start3A_37 = arith.constant 0 : i32
    %dma_start3A_38 = arith.constant 0 : i32
    %dma_start3A_39 = tpu.memref_slice %arg8[%dma_start3A_30, %dma_start3A_37, %dma_start3A_38] : memref<2x4x128xi32, #tpu.memory_space<vmem>> -> memref<1x4x128xi32, #tpu.memory_space<vmem>>
    %dma_start3A_40 = tpu.memref_squeeze %dma_start3A_39 : memref<1x4x128xi32, #tpu.memory_space<vmem>> -> memref<4x128xi32, #tpu.memory_space<vmem>>
    %dma_start3A_41 = arith.constant 0 : i32
    %dma_start3A_42 = tpu.memref_slice %arg4[%mul3A_17, %dma_start3A_41] : memref<25088x128xi32, #tpu.memory_space<hbm>> -> memref<4x128xi32, #tpu.memory_space<hbm>>
    tpu.enqueue_dma source(%dma_start3A_42 : memref<4x128xi32, #tpu.memory_space<hbm>>) target(%dma_start3A_40 : memref<4x128xi32, #tpu.memory_space<vmem>>) target_semaphore(%arg12 : memref<!tpu.dma_semaphore, #tpu.memory_space<semaphore_mem>>)
    %add3A_43 = arith.constant 4 : i32
    %add3A_44 = arith.addi %mul3A_17, %add3A_43 : i32
    %dma_start3A_45 = arith.constant 1 : i32
    %dma_start3A_46 = arith.constant 0 : i32
    %dma_start3A_47 = arith.constant 0 : i32
    %dma_start3A_48 = tpu.memref_slice %arg7[%dma_start3A_45, %dma_start3A_46, %dma_start3A_47] : memref<2x4x128xi32, #tpu.memory_space<vmem>> -> memref<1x4x128xi32, #tpu.memory_space<vmem>>
    %dma_start3A_49 = tpu.memref_squeeze %dma_start3A_48 : memref<1x4x128xi32, #tpu.memory_space<vmem>> -> memref<4x128xi32, #tpu.memory_space<vmem>>
    %dma_start3A_50 = arith.constant 0 : i32
    %dma_start3A_51 = tpu.memref_slice %arg3[%add3A_44, %dma_start3A_50] : memref<25088x128xi32, #tpu.memory_space<hbm>> -> memref<4x128xi32, #tpu.memory_space<hbm>>
    %dma_start3A_52 = arith.constant 0 : i32
    %dma_start3A_53 = arith.constant 0 : i32
    %dma_start3A_54 = tpu.memref_slice %arg7[%dma_start3A_45, %dma_start3A_52, %dma_start3A_53] : memref<2x4x128xi32, #tpu.memory_space<vmem>> -> memref<1x4x128xi32, #tpu.memory_space<vmem>>
    %dma_start3A_55 = tpu.memref_squeeze %dma_start3A_54 : memref<1x4x128xi32, #tpu.memory_space<vmem>> -> memref<4x128xi32, #tpu.memory_space<vmem>>
    %dma_start3A_56 = arith.constant 0 : i32
    %dma_start3A_57 = tpu.memref_slice %arg3[%add3A_44, %dma_start3A_56] : memref<25088x128xi32, #tpu.memory_space<hbm>> -> memref<4x128xi32, #tpu.memory_space<hbm>>
    tpu.enqueue_dma source(%dma_start3A_57 : memref<4x128xi32, #tpu.memory_space<hbm>>) target(%dma_start3A_55 : memref<4x128xi32, #tpu.memory_space<vmem>>) target_semaphore(%arg12 : memref<!tpu.dma_semaphore, #tpu.memory_space<semaphore_mem>>)
    %dma_start3A_58 = arith.constant 1 : i32
    %dma_start3A_59 = arith.constant 0 : i32
    %dma_start3A_60 = arith.constant 0 : i32
    %dma_start3A_61 = tpu.memref_slice %arg8[%dma_start3A_58, %dma_start3A_59, %dma_start3A_60] : memref<2x4x128xi32, #tpu.memory_space<vmem>> -> memref<1x4x128xi32, #tpu.memory_space<vmem>>
    %dma_start3A_62 = tpu.memref_squeeze %dma_start3A_61 : memref<1x4x128xi32, #tpu.memory_space<vmem>> -> memref<4x128xi32, #tpu.memory_space<vmem>>
    %dma_start3A_63 = arith.constant 0 : i32
    %dma_start3A_64 = tpu.memref_slice %arg4[%add3A_44, %dma_start3A_63] : memref<25088x128xi32, #tpu.memory_space<hbm>> -> memref<4x128xi32, #tpu.memory_space<hbm>>
    %dma_start3A_65 = arith.constant 0 : i32
    %dma_start3A_66 = arith.constant 0 : i32
    %dma_start3A_67 = tpu.memref_slice %arg8[%dma_start3A_58, %dma_start3A_65, %dma_start3A_66] : memref<2x4x128xi32, #tpu.memory_space<vmem>> -> memref<1x4x128xi32, #tpu.memory_space<vmem>>
    %dma_start3A_68 = tpu.memref_squeeze %dma_start3A_67 : memref<1x4x128xi32, #tpu.memory_space<vmem>> -> memref<4x128xi32, #tpu.memory_space<vmem>>
    %dma_start3A_69 = arith.constant 0 : i32
    %dma_start3A_70 = tpu.memref_slice %arg4[%add3A_44, %dma_start3A_69] : memref<25088x128xi32, #tpu.memory_space<hbm>> -> memref<4x128xi32, #tpu.memory_space<hbm>>
    tpu.enqueue_dma source(%dma_start3A_70 : memref<4x128xi32, #tpu.memory_space<hbm>>) target(%dma_start3A_68 : memref<4x128xi32, #tpu.memory_space<vmem>>) target_semaphore(%arg12 : memref<!tpu.dma_semaphore, #tpu.memory_space<semaphore_mem>>)
    %dma_wait3A = arith.constant 0 : i32
    %dma_wait3A_71 = arith.constant 0 : i32
    %dma_wait3A_72 = arith.constant 0 : i32
    %dma_wait3A_73 = tpu.memref_slice %arg7[%dma_wait3A, %dma_wait3A_71, %dma_wait3A_72] : memref<2x4x128xi32, #tpu.memory_space<vmem>> -> memref<1x4x128xi32, #tpu.memory_space<vmem>>
    %dma_wait3A_74 = tpu.memref_squeeze %dma_wait3A_73 : memref<1x4x128xi32, #tpu.memory_space<vmem>> -> memref<4x128xi32, #tpu.memory_space<vmem>>
    %dma_wait3A_75 = arith.constant 0 : i32
    %dma_wait3A_76 = tpu.memref_slice %arg3[%mul3A_17, %dma_wait3A_75] : memref<25088x128xi32, #tpu.memory_space<hbm>> -> memref<4x128xi32, #tpu.memory_space<hbm>>
    %dma_wait3A_77 = arith.constant 0 : i32
    %dma_wait3A_78 = arith.constant 0 : i32
    %dma_wait3A_79 = tpu.memref_slice %arg7[%dma_wait3A, %dma_wait3A_77, %dma_wait3A_78] : memref<2x4x128xi32, #tpu.memory_space<vmem>> -> memref<1x4x128xi32, #tpu.memory_space<vmem>>
    %dma_wait3A_80 = tpu.memref_squeeze %dma_wait3A_79 : memref<1x4x128xi32, #tpu.memory_space<vmem>> -> memref<4x128xi32, #tpu.memory_space<vmem>>
    %dma_wait3A_81 = arith.constant 0 : i32
    %dma_wait3A_82 = tpu.memref_slice %arg3[%mul3A_17, %dma_wait3A_81] : memref<25088x128xi32, #tpu.memory_space<hbm>> -> memref<4x128xi32, #tpu.memory_space<hbm>>
    tpu.wait_dma2 semaphore(%arg12 : memref<!tpu.dma_semaphore, #tpu.memory_space<semaphore_mem>>) src(%dma_wait3A_82 : memref<4x128xi32, #tpu.memory_space<hbm>>) dst(%dma_wait3A_80 : memref<4x128xi32, #tpu.memory_space<vmem>>)
    %dma_wait3A_83 = arith.constant 0 : i32
    %dma_wait3A_84 = arith.constant 0 : i32
    %dma_wait3A_85 = arith.constant 0 : i32
    %dma_wait3A_86 = tpu.memref_slice %arg8[%dma_wait3A_83, %dma_wait3A_84, %dma_wait3A_85] : memref<2x4x128xi32, #tpu.memory_space<vmem>> -> memref<1x4x128xi32, #tpu.memory_space<vmem>>
    %dma_wait3A_87 = tpu.memref_squeeze %dma_wait3A_86 : memref<1x4x128xi32, #tpu.memory_space<vmem>> -> memref<4x128xi32, #tpu.memory_space<vmem>>
    %dma_wait3A_88 = arith.constant 0 : i32
    %dma_wait3A_89 = tpu.memref_slice %arg4[%mul3A_17, %dma_wait3A_88] : memref<25088x128xi32, #tpu.memory_space<hbm>> -> memref<4x128xi32, #tpu.memory_space<hbm>>
    %dma_wait3A_90 = arith.constant 0 : i32
    %dma_wait3A_91 = arith.constant 0 : i32
    %dma_wait3A_92 = tpu.memref_slice %arg8[%dma_wait3A_83, %dma_wait3A_90, %dma_wait3A_91] : memref<2x4x128xi32, #tpu.memory_space<vmem>> -> memref<1x4x128xi32, #tpu.memory_space<vmem>>
    %dma_wait3A_93 = tpu.memref_squeeze %dma_wait3A_92 : memref<1x4x128xi32, #tpu.memory_space<vmem>> -> memref<4x128xi32, #tpu.memory_space<vmem>>
    %dma_wait3A_94 = arith.constant 0 : i32
    %dma_wait3A_95 = tpu.memref_slice %arg4[%mul3A_17, %dma_wait3A_94] : memref<25088x128xi32, #tpu.memory_space<hbm>> -> memref<4x128xi32, #tpu.memory_space<hbm>>
    tpu.wait_dma2 semaphore(%arg12 : memref<!tpu.dma_semaphore, #tpu.memory_space<semaphore_mem>>) src(%dma_wait3A_95 : memref<4x128xi32, #tpu.memory_space<hbm>>) dst(%dma_wait3A_93 : memref<4x128xi32, #tpu.memory_space<vmem>>)
    %dma_start3A_96 = arith.constant 0 : i32
    %dma_start3A_97 = arith.constant 0 : i32
    %dma_start3A_98 = arith.constant 0 : i32
    %dma_start3A_99 = arith.constant 0 : i32
    %dma_start3A_100 = arith.constant 0 : i32
    %dma_start3A_101 = arith.constant 0 : i32
    %dma_start3A_102 = tpu.memref_slice %arg9[%dma_start3A_98, %dma_start3A_99, %dma_start3A_100, %dma_start3A_101] : memref<2x4x128x16xf32, #tpu.memory_space<vmem>> -> memref<1x1x128x16xf32, #tpu.memory_space<vmem>>
    %dma_start3A_103 = tpu.memref_squeeze %dma_start3A_102 : memref<1x1x128x16xf32, #tpu.memory_space<vmem>> -> memref<128x16xf32, #tpu.memory_space<vmem>>
    %dma_start3A_104 = arith.constant 0 : i32
    %dma_start3A_105 = tpu.memref_slice %arg7[%dma_start3A_96, %dma_start3A_97, %dma_start3A_104] : memref<2x4x128xi32, #tpu.memory_space<vmem>> -> memref<1x1x128xi32, #tpu.memory_space<vmem>>
    %dma_start3A_106 = tpu.memref_squeeze %dma_start3A_105 : memref<1x1x128xi32, #tpu.memory_space<vmem>> -> memref<128xi32, #tpu.memory_space<vmem>>
    %dma_start3A_107 = arith.constant 0 : i32
    %dma_start3A_108 = arith.constant 0 : i32
    %dma_start3A_109 = tpu.memref_slice %arg2[%dma_start3A_107, %dma_start3A_108] : memref<100352x16xf32, #tpu.memory_space<hbm>> -> memref<100352x16xf32, #tpu.memory_space<hbm>>
    tpu.enqueue_indirect_dma source(%dma_start3A_109 : memref<100352x16xf32, #tpu.memory_space<hbm>>) target(%dma_start3A_103 : memref<128x16xf32, #tpu.memory_space<vmem>>) offsets(%dma_start3A_106 : memref<128xi32, #tpu.memory_space<vmem>>) semaphore(%arg11 : memref<!tpu.dma_semaphore, #tpu.memory_space<semaphore_mem>>)
    %dma_start3A_110 = arith.constant 0 : i32
    %dma_start3A_111 = arith.constant 1 : i32
    %dma_start3A_112 = arith.constant 0 : i32
    %dma_start3A_113 = arith.constant 1 : i32
    %dma_start3A_114 = arith.constant 0 : i32
    %dma_start3A_115 = arith.constant 0 : i32
    %dma_start3A_116 = tpu.memref_slice %arg9[%dma_start3A_112, %dma_start3A_113, %dma_start3A_114, %dma_start3A_115] : memref<2x4x128x16xf32, #tpu.memory_space<vmem>> -> memref<1x1x128x16xf32, #tpu.memory_space<vmem>>
    %dma_start3A_117 = tpu.memref_squeeze %dma_start3A_116 : memref<1x1x128x16xf32, #tpu.memory_space<vmem>> -> memref<128x16xf32, #tpu.memory_space<vmem>>
    %dma_start3A_118 = arith.constant 0 : i32
    %dma_start3A_119 = tpu.memref_slice %arg7[%dma_start3A_110, %dma_start3A_111, %dma_start3A_118] : memref<2x4x128xi32, #tpu.memory_space<vmem>> -> memref<1x1x128xi32, #tpu.memory_space<vmem>>
    %dma_start3A_120 = tpu.memref_squeeze %dma_start3A_119 : memref<1x1x128xi32, #tpu.memory_space<vmem>> -> memref<128xi32, #tpu.memory_space<vmem>>
    %dma_start3A_121 = arith.constant 0 : i32
    %dma_start3A_122 = arith.constant 0 : i32
    %dma_start3A_123 = tpu.memref_slice %arg2[%dma_start3A_121, %dma_start3A_122] : memref<100352x16xf32, #tpu.memory_space<hbm>> -> memref<100352x16xf32, #tpu.memory_space<hbm>>
    tpu.enqueue_indirect_dma source(%dma_start3A_123 : memref<100352x16xf32, #tpu.memory_space<hbm>>) target(%dma_start3A_117 : memref<128x16xf32, #tpu.memory_space<vmem>>) offsets(%dma_start3A_120 : memref<128xi32, #tpu.memory_space<vmem>>) semaphore(%arg11 : memref<!tpu.dma_semaphore, #tpu.memory_space<semaphore_mem>>)
    %dma_start3A_124 = arith.constant 0 : i32
    %dma_start3A_125 = arith.constant 2 : i32
    %dma_start3A_126 = arith.constant 0 : i32
    %dma_start3A_127 = arith.constant 2 : i32
    %dma_start3A_128 = arith.constant 0 : i32
    %dma_start3A_129 = arith.constant 0 : i32
    %dma_start3A_130 = tpu.memref_slice %arg9[%dma_start3A_126, %dma_start3A_127, %dma_start3A_128, %dma_start3A_129] : memref<2x4x128x16xf32, #tpu.memory_space<vmem>> -> memref<1x1x128x16xf32, #tpu.memory_space<vmem>>
    %dma_start3A_131 = tpu.memref_squeeze %dma_start3A_130 : memref<1x1x128x16xf32, #tpu.memory_space<vmem>> -> memref<128x16xf32, #tpu.memory_space<vmem>>
    %dma_start3A_132 = arith.constant 0 : i32
    %dma_start3A_133 = tpu.memref_slice %arg7[%dma_start3A_124, %dma_start3A_125, %dma_start3A_132] : memref<2x4x128xi32, #tpu.memory_space<vmem>> -> memref<1x1x128xi32, #tpu.memory_space<vmem>>
    %dma_start3A_134 = tpu.memref_squeeze %dma_start3A_133 : memref<1x1x128xi32, #tpu.memory_space<vmem>> -> memref<128xi32, #tpu.memory_space<vmem>>
    %dma_start3A_135 = arith.constant 0 : i32
    %dma_start3A_136 = arith.constant 0 : i32
    %dma_start3A_137 = tpu.memref_slice %arg2[%dma_start3A_135, %dma_start3A_136] : memref<100352x16xf32, #tpu.memory_space<hbm>> -> memref<100352x16xf32, #tpu.memory_space<hbm>>
    tpu.enqueue_indirect_dma source(%dma_start3A_137 : memref<100352x16xf32, #tpu.memory_space<hbm>>) target(%dma_start3A_131 : memref<128x16xf32, #tpu.memory_space<vmem>>) offsets(%dma_start3A_134 : memref<128xi32, #tpu.memory_space<vmem>>) semaphore(%arg11 : memref<!tpu.dma_semaphore, #tpu.memory_space<semaphore_mem>>)
    %dma_start3A_138 = arith.constant 0 : i32
    %dma_start3A_139 = arith.constant 3 : i32
    %dma_start3A_140 = arith.constant 0 : i32
    %dma_start3A_141 = arith.constant 3 : i32
    %dma_start3A_142 = arith.constant 0 : i32
    %dma_start3A_143 = arith.constant 0 : i32
    %dma_start3A_144 = tpu.memref_slice %arg9[%dma_start3A_140, %dma_start3A_141, %dma_start3A_142, %dma_start3A_143] : memref<2x4x128x16xf32, #tpu.memory_space<vmem>> -> memref<1x1x128x16xf32, #tpu.memory_space<vmem>>
    %dma_start3A_145 = tpu.memref_squeeze %dma_start3A_144 : memref<1x1x128x16xf32, #tpu.memory_space<vmem>> -> memref<128x16xf32, #tpu.memory_space<vmem>>
    %dma_start3A_146 = arith.constant 0 : i32
    %dma_start3A_147 = tpu.memref_slice %arg7[%dma_start3A_138, %dma_start3A_139, %dma_start3A_146] : memref<2x4x128xi32, #tpu.memory_space<vmem>> -> memref<1x1x128xi32, #tpu.memory_space<vmem>>
    %dma_start3A_148 = tpu.memref_squeeze %dma_start3A_147 : memref<1x1x128xi32, #tpu.memory_space<vmem>> -> memref<128xi32, #tpu.memory_space<vmem>>
    %dma_start3A_149 = arith.constant 0 : i32
    %dma_start3A_150 = arith.constant 0 : i32
    %dma_start3A_151 = tpu.memref_slice %arg2[%dma_start3A_149, %dma_start3A_150] : memref<100352x16xf32, #tpu.memory_space<hbm>> -> memref<100352x16xf32, #tpu.memory_space<hbm>>
    tpu.enqueue_indirect_dma source(%dma_start3A_151 : memref<100352x16xf32, #tpu.memory_space<hbm>>) target(%dma_start3A_145 : memref<128x16xf32, #tpu.memory_space<vmem>>) offsets(%dma_start3A_148 : memref<128xi32, #tpu.memory_space<vmem>>) semaphore(%arg11 : memref<!tpu.dma_semaphore, #tpu.memory_space<semaphore_mem>>)
    %scan3A_152 = arith.constant 0 : i32
    %scan3A_153 = arith.constant 0 : i32
    %scan3A_154 = arith.constant 196 : i32
    %scan3A_155 = arith.addi %scan3A_153, %scan3A_154 : i32
    %scan3A_156 = arith.constant 1 : i32
    %scan3A_157 = scf.for %scan3A_160 = %scan3A_153 to %scan3A_155 step %scan3A_156 iter_args(%scan3A_161 = %scan3A_152) -> (i32)  : i32 {
      %rem3A = arith.constant 2 : i32
      %rem3A_162 = arith.remsi %scan3A_160, %rem3A : i32
      %dma_wait3A_163 = arith.constant 0 : i32
      %dma_wait3A_164 = arith.constant 0 : i32
      %dma_wait3A_165 = arith.constant 0 : i32
      %dma_wait3A_166 = arith.constant 0 : i32
      %dma_wait3A_167 = tpu.memref_slice %arg9[%rem3A_162, %dma_wait3A_164, %dma_wait3A_165, %dma_wait3A_166] : memref<2x4x128x16xf32, #tpu.memory_space<vmem>> -> memref<1x1x128x16xf32, #tpu.memory_space<vmem>>
      %dma_wait3A_168 = tpu.memref_squeeze %dma_wait3A_167 : memref<1x1x128x16xf32, #tpu.memory_space<vmem>> -> memref<128x16xf32, #tpu.memory_space<vmem>>
      %dma_wait3A_169 = arith.constant 0 : i32
      %dma_wait3A_170 = tpu.memref_slice %arg7[%rem3A_162, %dma_wait3A_163, %dma_wait3A_169] : memref<2x4x128xi32, #tpu.memory_space<vmem>> -> memref<1x1x128xi32, #tpu.memory_space<vmem>>
      %dma_wait3A_171 = tpu.memref_squeeze %dma_wait3A_170 : memref<1x1x128xi32, #tpu.memory_space<vmem>> -> memref<128xi32, #tpu.memory_space<vmem>>
      %dma_wait3A_172 = arith.constant 0 : i32
      %dma_wait3A_173 = arith.constant 0 : i32
      %dma_wait3A_174 = tpu.memref_slice %arg2[%dma_wait3A_172, %dma_wait3A_173] : memref<100352x16xf32, #tpu.memory_space<hbm>> -> memref<100352x16xf32, #tpu.memory_space<hbm>>
      tpu.wait_indirect_dma semaphore(%arg11 : memref<!tpu.dma_semaphore, #tpu.memory_space<semaphore_mem>>) src(%dma_wait3A_174 : memref<100352x16xf32, #tpu.memory_space<hbm>>) dst(%dma_wait3A_168 : memref<128x16xf32, #tpu.memory_space<vmem>>)
      %dma_wait3A_175 = arith.constant 1 : i32
      %dma_wait3A_176 = arith.constant 1 : i32
      %dma_wait3A_177 = arith.constant 0 : i32
      %dma_wait3A_178 = arith.constant 0 : i32
      %dma_wait3A_179 = tpu.memref_slice %arg9[%rem3A_162, %dma_wait3A_176, %dma_wait3A_177, %dma_wait3A_178] : memref<2x4x128x16xf32, #tpu.memory_space<vmem>> -> memref<1x1x128x16xf32, #tpu.memory_space<vmem>>
      %dma_wait3A_180 = tpu.memref_squeeze %dma_wait3A_179 : memref<1x1x128x16xf32, #tpu.memory_space<vmem>> -> memref<128x16xf32, #tpu.memory_space<vmem>>
      %dma_wait3A_181 = arith.constant 0 : i32
      %dma_wait3A_182 = tpu.memref_slice %arg7[%rem3A_162, %dma_wait3A_175, %dma_wait3A_181] : memref<2x4x128xi32, #tpu.memory_space<vmem>> -> memref<1x1x128xi32, #tpu.memory_space<vmem>>
      %dma_wait3A_183 = tpu.memref_squeeze %dma_wait3A_182 : memref<1x1x128xi32, #tpu.memory_space<vmem>> -> memref<128xi32, #tpu.memory_space<vmem>>
      %dma_wait3A_184 = arith.constant 0 : i32
      %dma_wait3A_185 = arith.constant 0 : i32
      %dma_wait3A_186 = tpu.memref_slice %arg2[%dma_wait3A_184, %dma_wait3A_185] : memref<100352x16xf32, #tpu.memory_space<hbm>> -> memref<100352x16xf32, #tpu.memory_space<hbm>>
      tpu.wait_indirect_dma semaphore(%arg11 : memref<!tpu.dma_semaphore, #tpu.memory_space<semaphore_mem>>) src(%dma_wait3A_186 : memref<100352x16xf32, #tpu.memory_space<hbm>>) dst(%dma_wait3A_180 : memref<128x16xf32, #tpu.memory_space<vmem>>)
      %dma_wait3A_187 = arith.constant 2 : i32
      %dma_wait3A_188 = arith.constant 2 : i32
      %dma_wait3A_189 = arith.constant 0 : i32
      %dma_wait3A_190 = arith.constant 0 : i32
      %dma_wait3A_191 = tpu.memref_slice %arg9[%rem3A_162, %dma_wait3A_188, %dma_wait3A_189, %dma_wait3A_190] : memref<2x4x128x16xf32, #tpu.memory_space<vmem>> -> memref<1x1x128x16xf32, #tpu.memory_space<vmem>>
      %dma_wait3A_192 = tpu.memref_squeeze %dma_wait3A_191 : memref<1x1x128x16xf32, #tpu.memory_space<vmem>> -> memref<128x16xf32, #tpu.memory_space<vmem>>
      %dma_wait3A_193 = arith.constant 0 : i32
      %dma_wait3A_194 = tpu.memref_slice %arg7[%rem3A_162, %dma_wait3A_187, %dma_wait3A_193] : memref<2x4x128xi32, #tpu.memory_space<vmem>> -> memref<1x1x128xi32, #tpu.memory_space<vmem>>
      %dma_wait3A_195 = tpu.memref_squeeze %dma_wait3A_194 : memref<1x1x128xi32, #tpu.memory_space<vmem>> -> memref<128xi32, #tpu.memory_space<vmem>>
      %dma_wait3A_196 = arith.constant 0 : i32
      %dma_wait3A_197 = arith.constant 0 : i32
      %dma_wait3A_198 = tpu.memref_slice %arg2[%dma_wait3A_196, %dma_wait3A_197] : memref<100352x16xf32, #tpu.memory_space<hbm>> -> memref<100352x16xf32, #tpu.memory_space<hbm>>
      tpu.wait_indirect_dma semaphore(%arg11 : memref<!tpu.dma_semaphore, #tpu.memory_space<semaphore_mem>>) src(%dma_wait3A_198 : memref<100352x16xf32, #tpu.memory_space<hbm>>) dst(%dma_wait3A_192 : memref<128x16xf32, #tpu.memory_space<vmem>>)
      %dma_wait3A_199 = arith.constant 3 : i32
      %dma_wait3A_200 = arith.constant 3 : i32
      %dma_wait3A_201 = arith.constant 0 : i32
      %dma_wait3A_202 = arith.constant 0 : i32
      %dma_wait3A_203 = tpu.memref_slice %arg9[%rem3A_162, %dma_wait3A_200, %dma_wait3A_201, %dma_wait3A_202] : memref<2x4x128x16xf32, #tpu.memory_space<vmem>> -> memref<1x1x128x16xf32, #tpu.memory_space<vmem>>
      %dma_wait3A_204 = tpu.memref_squeeze %dma_wait3A_203 : memref<1x1x128x16xf32, #tpu.memory_space<vmem>> -> memref<128x16xf32, #tpu.memory_space<vmem>>
      %dma_wait3A_205 = arith.constant 0 : i32
      %dma_wait3A_206 = tpu.memref_slice %arg7[%rem3A_162, %dma_wait3A_199, %dma_wait3A_205] : memref<2x4x128xi32, #tpu.memory_space<vmem>> -> memref<1x1x128xi32, #tpu.memory_space<vmem>>
      %dma_wait3A_207 = tpu.memref_squeeze %dma_wait3A_206 : memref<1x1x128xi32, #tpu.memory_space<vmem>> -> memref<128xi32, #tpu.memory_space<vmem>>
      %dma_wait3A_208 = arith.constant 0 : i32
      %dma_wait3A_209 = arith.constant 0 : i32
      %dma_wait3A_210 = tpu.memref_slice %arg2[%dma_wait3A_208, %dma_wait3A_209] : memref<100352x16xf32, #tpu.memory_space<hbm>> -> memref<100352x16xf32, #tpu.memory_space<hbm>>
      tpu.wait_indirect_dma semaphore(%arg11 : memref<!tpu.dma_semaphore, #tpu.memory_space<semaphore_mem>>) src(%dma_wait3A_210 : memref<100352x16xf32, #tpu.memory_space<hbm>>) dst(%dma_wait3A_204 : memref<128x16xf32, #tpu.memory_space<vmem>>)
      %lt3A = arith.constant 195 : i32
      %lt3A_211 = arith.cmpi slt, %scan3A_160, %lt3A : i32
      %convert_element_type3A = arith.extui %lt3A_211 : i1 to i32
      %cond3A = arith.constant 0 : i32
      %cond3A_212 = arith.cmpi ne, %convert_element_type3A, %cond3A : i32
      scf.if %cond3A_212 {
        %add3A_226 = arith.constant 1 : i32
        %add3A_227 = arith.addi %scan3A_160, %add3A_226 : i32
        %sub3A = arith.constant 1 : i32
        %sub3A_228 = arith.subi %sub3A, %rem3A_162 : i32
        %mul3A_229 = arith.constant 4 : i32
        %mul3A_230 = arith.muli %add3A_227, %mul3A_229 : i32
        %add3A_231 = arith.addi %mul3A_17, %mul3A_230 : i32
        %dma_wait3A_232 = arith.constant 0 : i32
        %dma_wait3A_233 = arith.constant 0 : i32
        %dma_wait3A_234 = tpu.memref_slice %arg7[%sub3A_228, %dma_wait3A_232, %dma_wait3A_233] : memref<2x4x128xi32, #tpu.memory_space<vmem>> -> memref<1x4x128xi32, #tpu.memory_space<vmem>>
        %dma_wait3A_235 = tpu.memref_squeeze %dma_wait3A_234 : memref<1x4x128xi32, #tpu.memory_space<vmem>> -> memref<4x128xi32, #tpu.memory_space<vmem>>
        %dma_wait3A_236 = arith.constant 0 : i32
        %dma_wait3A_237 = tpu.memref_slice %arg3[%add3A_231, %dma_wait3A_236] : memref<25088x128xi32, #tpu.memory_space<hbm>> -> memref<4x128xi32, #tpu.memory_space<hbm>>
        %dma_wait3A_238 = arith.constant 0 : i32
        %dma_wait3A_239 = arith.constant 0 : i32
        %dma_wait3A_240 = tpu.memref_slice %arg7[%sub3A_228, %dma_wait3A_238, %dma_wait3A_239] : memref<2x4x128xi32, #tpu.memory_space<vmem>> -> memref<1x4x128xi32, #tpu.memory_space<vmem>>
        %dma_wait3A_241 = tpu.memref_squeeze %dma_wait3A_240 : memref<1x4x128xi32, #tpu.memory_space<vmem>> -> memref<4x128xi32, #tpu.memory_space<vmem>>
        %dma_wait3A_242 = arith.constant 0 : i32
        %dma_wait3A_243 = tpu.memref_slice %arg3[%add3A_231, %dma_wait3A_242] : memref<25088x128xi32, #tpu.memory_space<hbm>> -> memref<4x128xi32, #tpu.memory_space<hbm>>
        tpu.wait_dma2 semaphore(%arg12 : memref<!tpu.dma_semaphore, #tpu.memory_space<semaphore_mem>>) src(%dma_wait3A_243 : memref<4x128xi32, #tpu.memory_space<hbm>>) dst(%dma_wait3A_241 : memref<4x128xi32, #tpu.memory_space<vmem>>)
        %dma_wait3A_244 = arith.constant 0 : i32
        %dma_wait3A_245 = arith.constant 0 : i32
        %dma_wait3A_246 = tpu.memref_slice %arg8[%sub3A_228, %dma_wait3A_244, %dma_wait3A_245] : memref<2x4x128xi32, #tpu.memory_space<vmem>> -> memref<1x4x128xi32, #tpu.memory_space<vmem>>
        %dma_wait3A_247 = tpu.memref_squeeze %dma_wait3A_246 : memref<1x4x128xi32, #tpu.memory_space<vmem>> -> memref<4x128xi32, #tpu.memory_space<vmem>>
        %dma_wait3A_248 = arith.constant 0 : i32
        %dma_wait3A_249 = tpu.memref_slice %arg4[%add3A_231, %dma_wait3A_248] : memref<25088x128xi32, #tpu.memory_space<hbm>> -> memref<4x128xi32, #tpu.memory_space<hbm>>
        %dma_wait3A_250 = arith.constant 0 : i32
        %dma_wait3A_251 = arith.constant 0 : i32
        %dma_wait3A_252 = tpu.memref_slice %arg8[%sub3A_228, %dma_wait3A_250, %dma_wait3A_251] : memref<2x4x128xi32, #tpu.memory_space<vmem>> -> memref<1x4x128xi32, #tpu.memory_space<vmem>>
        %dma_wait3A_253 = tpu.memref_squeeze %dma_wait3A_252 : memref<1x4x128xi32, #tpu.memory_space<vmem>> -> memref<4x128xi32, #tpu.memory_space<vmem>>
        %dma_wait3A_254 = arith.constant 0 : i32
        %dma_wait3A_255 = tpu.memref_slice %arg4[%add3A_231, %dma_wait3A_254] : memref<25088x128xi32, #tpu.memory_space<hbm>> -> memref<4x128xi32, #tpu.memory_space<hbm>>
        tpu.wait_dma2 semaphore(%arg12 : memref<!tpu.dma_semaphore, #tpu.memory_space<semaphore_mem>>) src(%dma_wait3A_255 : memref<4x128xi32, #tpu.memory_space<hbm>>) dst(%dma_wait3A_253 : memref<4x128xi32, #tpu.memory_space<vmem>>)
        %sub3A_256 = arith.constant 1 : i32
        %sub3A_257 = arith.subi %sub3A_256, %rem3A_162 : i32
        %dma_start3A_258 = arith.constant 0 : i32
        %dma_start3A_259 = arith.constant 0 : i32
        %dma_start3A_260 = arith.constant 0 : i32
        %dma_start3A_261 = arith.constant 0 : i32
        %dma_start3A_262 = tpu.memref_slice %arg9[%sub3A_257, %dma_start3A_259, %dma_start3A_260, %dma_start3A_261] : memref<2x4x128x16xf32, #tpu.memory_space<vmem>> -> memref<1x1x128x16xf32, #tpu.memory_space<vmem>>
        %dma_start3A_263 = tpu.memref_squeeze %dma_start3A_262 : memref<1x1x128x16xf32, #tpu.memory_space<vmem>> -> memref<128x16xf32, #tpu.memory_space<vmem>>
        %dma_start3A_264 = arith.constant 0 : i32
        %dma_start3A_265 = tpu.memref_slice %arg7[%sub3A_257, %dma_start3A_258, %dma_start3A_264] : memref<2x4x128xi32, #tpu.memory_space<vmem>> -> memref<1x1x128xi32, #tpu.memory_space<vmem>>
        %dma_start3A_266 = tpu.memref_squeeze %dma_start3A_265 : memref<1x1x128xi32, #tpu.memory_space<vmem>> -> memref<128xi32, #tpu.memory_space<vmem>>
        %dma_start3A_267 = arith.constant 0 : i32
        %dma_start3A_268 = arith.constant 0 : i32
        %dma_start3A_269 = tpu.memref_slice %arg2[%dma_start3A_267, %dma_start3A_268] : memref<100352x16xf32, #tpu.memory_space<hbm>> -> memref<100352x16xf32, #tpu.memory_space<hbm>>
        tpu.enqueue_indirect_dma source(%dma_start3A_269 : memref<100352x16xf32, #tpu.memory_space<hbm>>) target(%dma_start3A_263 : memref<128x16xf32, #tpu.memory_space<vmem>>) offsets(%dma_start3A_266 : memref<128xi32, #tpu.memory_space<vmem>>) semaphore(%arg11 : memref<!tpu.dma_semaphore, #tpu.memory_space<semaphore_mem>>)
        %dma_start3A_270 = arith.constant 1 : i32
        %dma_start3A_271 = arith.constant 1 : i32
        %dma_start3A_272 = arith.constant 0 : i32
        %dma_start3A_273 = arith.constant 0 : i32
        %dma_start3A_274 = tpu.memref_slice %arg9[%sub3A_257, %dma_start3A_271, %dma_start3A_272, %dma_start3A_273] : memref<2x4x128x16xf32, #tpu.memory_space<vmem>> -> memref<1x1x128x16xf32, #tpu.memory_space<vmem>>
        %dma_start3A_275 = tpu.memref_squeeze %dma_start3A_274 : memref<1x1x128x16xf32, #tpu.memory_space<vmem>> -> memref<128x16xf32, #tpu.memory_space<vmem>>
        %dma_start3A_276 = arith.constant 0 : i32
        %dma_start3A_277 = tpu.memref_slice %arg7[%sub3A_257, %dma_start3A_270, %dma_start3A_276] : memref<2x4x128xi32, #tpu.memory_space<vmem>> -> memref<1x1x128xi32, #tpu.memory_space<vmem>>
        %dma_start3A_278 = tpu.memref_squeeze %dma_start3A_277 : memref<1x1x128xi32, #tpu.memory_space<vmem>> -> memref<128xi32, #tpu.memory_space<vmem>>
        %dma_start3A_279 = arith.constant 0 : i32
        %dma_start3A_280 = arith.constant 0 : i32
        %dma_start3A_281 = tpu.memref_slice %arg2[%dma_start3A_279, %dma_start3A_280] : memref<100352x16xf32, #tpu.memory_space<hbm>> -> memref<100352x16xf32, #tpu.memory_space<hbm>>
        tpu.enqueue_indirect_dma source(%dma_start3A_281 : memref<100352x16xf32, #tpu.memory_space<hbm>>) target(%dma_start3A_275 : memref<128x16xf32, #tpu.memory_space<vmem>>) offsets(%dma_start3A_278 : memref<128xi32, #tpu.memory_space<vmem>>) semaphore(%arg11 : memref<!tpu.dma_semaphore, #tpu.memory_space<semaphore_mem>>)
        %dma_start3A_282 = arith.constant 2 : i32
        %dma_start3A_283 = arith.constant 2 : i32
        %dma_start3A_284 = arith.constant 0 : i32
        %dma_start3A_285 = arith.constant 0 : i32
        %dma_start3A_286 = tpu.memref_slice %arg9[%sub3A_257, %dma_start3A_283, %dma_start3A_284, %dma_start3A_285] : memref<2x4x128x16xf32, #tpu.memory_space<vmem>> -> memref<1x1x128x16xf32, #tpu.memory_space<vmem>>
        %dma_start3A_287 = tpu.memref_squeeze %dma_start3A_286 : memref<1x1x128x16xf32, #tpu.memory_space<vmem>> -> memref<128x16xf32, #tpu.memory_space<vmem>>
        %dma_start3A_288 = arith.constant 0 : i32
        %dma_start3A_289 = tpu.memref_slice %arg7[%sub3A_257, %dma_start3A_282, %dma_start3A_288] : memref<2x4x128xi32, #tpu.memory_space<vmem>> -> memref<1x1x128xi32, #tpu.memory_space<vmem>>
        %dma_start3A_290 = tpu.memref_squeeze %dma_start3A_289 : memref<1x1x128xi32, #tpu.memory_space<vmem>> -> memref<128xi32, #tpu.memory_space<vmem>>
        %dma_start3A_291 = arith.constant 0 : i32
        %dma_start3A_292 = arith.constant 0 : i32
        %dma_start3A_293 = tpu.memref_slice %arg2[%dma_start3A_291, %dma_start3A_292] : memref<100352x16xf32, #tpu.memory_space<hbm>> -> memref<100352x16xf32, #tpu.memory_space<hbm>>
        tpu.enqueue_indirect_dma source(%dma_start3A_293 : memref<100352x16xf32, #tpu.memory_space<hbm>>) target(%dma_start3A_287 : memref<128x16xf32, #tpu.memory_space<vmem>>) offsets(%dma_start3A_290 : memref<128xi32, #tpu.memory_space<vmem>>) semaphore(%arg11 : memref<!tpu.dma_semaphore, #tpu.memory_space<semaphore_mem>>)
        %dma_start3A_294 = arith.constant 3 : i32
        %dma_start3A_295 = arith.constant 3 : i32
        %dma_start3A_296 = arith.constant 0 : i32
        %dma_start3A_297 = arith.constant 0 : i32
        %dma_start3A_298 = tpu.memref_slice %arg9[%sub3A_257, %dma_start3A_295, %dma_start3A_296, %dma_start3A_297] : memref<2x4x128x16xf32, #tpu.memory_space<vmem>> -> memref<1x1x128x16xf32, #tpu.memory_space<vmem>>
        %dma_start3A_299 = tpu.memref_squeeze %dma_start3A_298 : memref<1x1x128x16xf32, #tpu.memory_space<vmem>> -> memref<128x16xf32, #tpu.memory_space<vmem>>
        %dma_start3A_300 = arith.constant 0 : i32
        %dma_start3A_301 = tpu.memref_slice %arg7[%sub3A_257, %dma_start3A_294, %dma_start3A_300] : memref<2x4x128xi32, #tpu.memory_space<vmem>> -> memref<1x1x128xi32, #tpu.memory_space<vmem>>
        %dma_start3A_302 = tpu.memref_squeeze %dma_start3A_301 : memref<1x1x128xi32, #tpu.memory_space<vmem>> -> memref<128xi32, #tpu.memory_space<vmem>>
        %dma_start3A_303 = arith.constant 0 : i32
        %dma_start3A_304 = arith.constant 0 : i32
        %dma_start3A_305 = tpu.memref_slice %arg2[%dma_start3A_303, %dma_start3A_304] : memref<100352x16xf32, #tpu.memory_space<hbm>> -> memref<100352x16xf32, #tpu.memory_space<hbm>>
        tpu.enqueue_indirect_dma source(%dma_start3A_305 : memref<100352x16xf32, #tpu.memory_space<hbm>>) target(%dma_start3A_299 : memref<128x16xf32, #tpu.memory_space<vmem>>) offsets(%dma_start3A_302 : memref<128xi32, #tpu.memory_space<vmem>>) semaphore(%arg11 : memref<!tpu.dma_semaphore, #tpu.memory_space<semaphore_mem>>)
      } else {
      }
      %run_scoped3A = arith.constant 0 : i32
      %run_scoped3A_213 = arith.constant 0 : i32
      "tpu.region"() ({
        %run_scoped3A_226 = tpu.sem_alloc : memref<!tpu.dma_semaphore, #tpu.memory_space<semaphore_mem>>
        %dma_start3A_227 = arith.constant 0 : i32
        %dma_start3A_228 = arith.constant 0 : i32
        %dma_start3A_229 = tpu.memref_slice %arg9[%rem3A_162, %run_scoped3A, %dma_start3A_227, %dma_start3A_228] : memref<2x4x128x16xf32, #tpu.memory_space<vmem>> -> memref<1x1x128x16xf32, #tpu.memory_space<vmem>>
        %dma_start3A_230 = tpu.memref_squeeze %dma_start3A_229 : memref<1x1x128x16xf32, #tpu.memory_space<vmem>> -> memref<128x16xf32, #tpu.memory_space<vmem>>
        %dma_start3A_231 = arith.constant 0 : i32
        %dma_start3A_232 = tpu.memref_slice %arg8[%rem3A_162, %run_scoped3A_213, %dma_start3A_231] : memref<2x4x128xi32, #tpu.memory_space<vmem>> -> memref<1x1x128xi32, #tpu.memory_space<vmem>>
        %dma_start3A_233 = tpu.memref_squeeze %dma_start3A_232 : memref<1x1x128xi32, #tpu.memory_space<vmem>> -> memref<128xi32, #tpu.memory_space<vmem>>
        %dma_start3A_234 = arith.constant 0 : i32
        %dma_start3A_235 = arith.constant 0 : i32
        %dma_start3A_236 = tpu.memref_slice %arg6[%dma_start3A_234, %dma_start3A_235] : memref<100352x16xf32, #tpu.memory_space<vmem_shared>> -> memref<100352x16xf32, #tpu.memory_space<vmem_shared>>
        tpu.enqueue_indirect_dma source(%dma_start3A_230 : memref<128x16xf32, #tpu.memory_space<vmem>>) target(%dma_start3A_236 : memref<100352x16xf32, #tpu.memory_space<vmem_shared>>) offsets(%dma_start3A_233 : memref<128xi32, #tpu.memory_space<vmem>>) semaphore(%run_scoped3A_226 : memref<!tpu.dma_semaphore, #tpu.memory_space<semaphore_mem>>) {add = true}
        %dma_wait3A_237 = arith.constant 0 : i32
        %dma_wait3A_238 = arith.constant 0 : i32
        %dma_wait3A_239 = tpu.memref_slice %arg9[%rem3A_162, %run_scoped3A, %dma_wait3A_237, %dma_wait3A_238] : memref<2x4x128x16xf32, #tpu.memory_space<vmem>> -> memref<1x1x128x16xf32, #tpu.memory_space<vmem>>
        %dma_wait3A_240 = tpu.memref_squeeze %dma_wait3A_239 : memref<1x1x128x16xf32, #tpu.memory_space<vmem>> -> memref<128x16xf32, #tpu.memory_space<vmem>>
        %dma_wait3A_241 = arith.constant 0 : i32
        %dma_wait3A_242 = tpu.memref_slice %arg8[%rem3A_162, %run_scoped3A_213, %dma_wait3A_241] : memref<2x4x128xi32, #tpu.memory_space<vmem>> -> memref<1x1x128xi32, #tpu.memory_space<vmem>>
        %dma_wait3A_243 = tpu.memref_squeeze %dma_wait3A_242 : memref<1x1x128xi32, #tpu.memory_space<vmem>> -> memref<128xi32, #tpu.memory_space<vmem>>
        %dma_wait3A_244 = arith.constant 0 : i32
        %dma_wait3A_245 = arith.constant 0 : i32
        %dma_wait3A_246 = tpu.memref_slice %arg6[%dma_wait3A_244, %dma_wait3A_245] : memref<100352x16xf32, #tpu.memory_space<vmem_shared>> -> memref<100352x16xf32, #tpu.memory_space<vmem_shared>>
        tpu.wait_indirect_dma semaphore(%run_scoped3A_226 : memref<!tpu.dma_semaphore, #tpu.memory_space<semaphore_mem>>) src(%dma_wait3A_240 : memref<128x16xf32, #tpu.memory_space<vmem>>) dst(%dma_wait3A_246 : memref<100352x16xf32, #tpu.memory_space<vmem_shared>>)
        tpu.yield
      }) : () -> ()
      %run_scoped3A_214 = arith.constant 1 : i32
      %run_scoped3A_215 = arith.constant 1 : i32
      "tpu.region"() ({
        %run_scoped3A_226 = tpu.sem_alloc : memref<!tpu.dma_semaphore, #tpu.memory_space<semaphore_mem>>
        %dma_start3A_227 = arith.constant 0 : i32
        %dma_start3A_228 = arith.constant 0 : i32
        %dma_start3A_229 = tpu.memref_slice %arg9[%rem3A_162, %run_scoped3A_214, %dma_start3A_227, %dma_start3A_228] : memref<2x4x128x16xf32, #tpu.memory_space<vmem>> -> memref<1x1x128x16xf32, #tpu.memory_space<vmem>>
        %dma_start3A_230 = tpu.memref_squeeze %dma_start3A_229 : memref<1x1x128x16xf32, #tpu.memory_space<vmem>> -> memref<128x16xf32, #tpu.memory_space<vmem>>
        %dma_start3A_231 = arith.constant 0 : i32
        %dma_start3A_232 = tpu.memref_slice %arg8[%rem3A_162, %run_scoped3A_215, %dma_start3A_231] : memref<2x4x128xi32, #tpu.memory_space<vmem>> -> memref<1x1x128xi32, #tpu.memory_space<vmem>>
        %dma_start3A_233 = tpu.memref_squeeze %dma_start3A_232 : memref<1x1x128xi32, #tpu.memory_space<vmem>> -> memref<128xi32, #tpu.memory_space<vmem>>
        %dma_start3A_234 = arith.constant 0 : i32
        %dma_start3A_235 = arith.constant 0 : i32
        %dma_start3A_236 = tpu.memref_slice %arg6[%dma_start3A_234, %dma_start3A_235] : memref<100352x16xf32, #tpu.memory_space<vmem_shared>> -> memref<100352x16xf32, #tpu.memory_space<vmem_shared>>
        tpu.enqueue_indirect_dma source(%dma_start3A_230 : memref<128x16xf32, #tpu.memory_space<vmem>>) target(%dma_start3A_236 : memref<100352x16xf32, #tpu.memory_space<vmem_shared>>) offsets(%dma_start3A_233 : memref<128xi32, #tpu.memory_space<vmem>>) semaphore(%run_scoped3A_226 : memref<!tpu.dma_semaphore, #tpu.memory_space<semaphore_mem>>) {add = true}
        %dma_wait3A_237 = arith.constant 0 : i32
        %dma_wait3A_238 = arith.constant 0 : i32
        %dma_wait3A_239 = tpu.memref_slice %arg9[%rem3A_162, %run_scoped3A_214, %dma_wait3A_237, %dma_wait3A_238] : memref<2x4x128x16xf32, #tpu.memory_space<vmem>> -> memref<1x1x128x16xf32, #tpu.memory_space<vmem>>
        %dma_wait3A_240 = tpu.memref_squeeze %dma_wait3A_239 : memref<1x1x128x16xf32, #tpu.memory_space<vmem>> -> memref<128x16xf32, #tpu.memory_space<vmem>>
        %dma_wait3A_241 = arith.constant 0 : i32
        %dma_wait3A_242 = tpu.memref_slice %arg8[%rem3A_162, %run_scoped3A_215, %dma_wait3A_241] : memref<2x4x128xi32, #tpu.memory_space<vmem>> -> memref<1x1x128xi32, #tpu.memory_space<vmem>>
        %dma_wait3A_243 = tpu.memref_squeeze %dma_wait3A_242 : memref<1x1x128xi32, #tpu.memory_space<vmem>> -> memref<128xi32, #tpu.memory_space<vmem>>
        %dma_wait3A_244 = arith.constant 0 : i32
        %dma_wait3A_245 = arith.constant 0 : i32
        %dma_wait3A_246 = tpu.memref_slice %arg6[%dma_wait3A_244, %dma_wait3A_245] : memref<100352x16xf32, #tpu.memory_space<vmem_shared>> -> memref<100352x16xf32, #tpu.memory_space<vmem_shared>>
        tpu.wait_indirect_dma semaphore(%run_scoped3A_226 : memref<!tpu.dma_semaphore, #tpu.memory_space<semaphore_mem>>) src(%dma_wait3A_240 : memref<128x16xf32, #tpu.memory_space<vmem>>) dst(%dma_wait3A_246 : memref<100352x16xf32, #tpu.memory_space<vmem_shared>>)
        tpu.yield
      }) : () -> ()
      %run_scoped3A_216 = arith.constant 2 : i32
      %run_scoped3A_217 = arith.constant 2 : i32
      "tpu.region"() ({
        %run_scoped3A_226 = tpu.sem_alloc : memref<!tpu.dma_semaphore, #tpu.memory_space<semaphore_mem>>
        %dma_start3A_227 = arith.constant 0 : i32
        %dma_start3A_228 = arith.constant 0 : i32
        %dma_start3A_229 = tpu.memref_slice %arg9[%rem3A_162, %run_scoped3A_216, %dma_start3A_227, %dma_start3A_228] : memref<2x4x128x16xf32, #tpu.memory_space<vmem>> -> memref<1x1x128x16xf32, #tpu.memory_space<vmem>>
        %dma_start3A_230 = tpu.memref_squeeze %dma_start3A_229 : memref<1x1x128x16xf32, #tpu.memory_space<vmem>> -> memref<128x16xf32, #tpu.memory_space<vmem>>
        %dma_start3A_231 = arith.constant 0 : i32
        %dma_start3A_232 = tpu.memref_slice %arg8[%rem3A_162, %run_scoped3A_217, %dma_start3A_231] : memref<2x4x128xi32, #tpu.memory_space<vmem>> -> memref<1x1x128xi32, #tpu.memory_space<vmem>>
        %dma_start3A_233 = tpu.memref_squeeze %dma_start3A_232 : memref<1x1x128xi32, #tpu.memory_space<vmem>> -> memref<128xi32, #tpu.memory_space<vmem>>
        %dma_start3A_234 = arith.constant 0 : i32
        %dma_start3A_235 = arith.constant 0 : i32
        %dma_start3A_236 = tpu.memref_slice %arg6[%dma_start3A_234, %dma_start3A_235] : memref<100352x16xf32, #tpu.memory_space<vmem_shared>> -> memref<100352x16xf32, #tpu.memory_space<vmem_shared>>
        tpu.enqueue_indirect_dma source(%dma_start3A_230 : memref<128x16xf32, #tpu.memory_space<vmem>>) target(%dma_start3A_236 : memref<100352x16xf32, #tpu.memory_space<vmem_shared>>) offsets(%dma_start3A_233 : memref<128xi32, #tpu.memory_space<vmem>>) semaphore(%run_scoped3A_226 : memref<!tpu.dma_semaphore, #tpu.memory_space<semaphore_mem>>) {add = true}
        %dma_wait3A_237 = arith.constant 0 : i32
        %dma_wait3A_238 = arith.constant 0 : i32
        %dma_wait3A_239 = tpu.memref_slice %arg9[%rem3A_162, %run_scoped3A_216, %dma_wait3A_237, %dma_wait3A_238] : memref<2x4x128x16xf32, #tpu.memory_space<vmem>> -> memref<1x1x128x16xf32, #tpu.memory_space<vmem>>
        %dma_wait3A_240 = tpu.memref_squeeze %dma_wait3A_239 : memref<1x1x128x16xf32, #tpu.memory_space<vmem>> -> memref<128x16xf32, #tpu.memory_space<vmem>>
        %dma_wait3A_241 = arith.constant 0 : i32
        %dma_wait3A_242 = tpu.memref_slice %arg8[%rem3A_162, %run_scoped3A_217, %dma_wait3A_241] : memref<2x4x128xi32, #tpu.memory_space<vmem>> -> memref<1x1x128xi32, #tpu.memory_space<vmem>>
        %dma_wait3A_243 = tpu.memref_squeeze %dma_wait3A_242 : memref<1x1x128xi32, #tpu.memory_space<vmem>> -> memref<128xi32, #tpu.memory_space<vmem>>
        %dma_wait3A_244 = arith.constant 0 : i32
        %dma_wait3A_245 = arith.constant 0 : i32
        %dma_wait3A_246 = tpu.memref_slice %arg6[%dma_wait3A_244, %dma_wait3A_245] : memref<100352x16xf32, #tpu.memory_space<vmem_shared>> -> memref<100352x16xf32, #tpu.memory_space<vmem_shared>>
        tpu.wait_indirect_dma semaphore(%run_scoped3A_226 : memref<!tpu.dma_semaphore, #tpu.memory_space<semaphore_mem>>) src(%dma_wait3A_240 : memref<128x16xf32, #tpu.memory_space<vmem>>) dst(%dma_wait3A_246 : memref<100352x16xf32, #tpu.memory_space<vmem_shared>>)
        tpu.yield
      }) : () -> ()
      %run_scoped3A_218 = arith.constant 3 : i32
      %run_scoped3A_219 = arith.constant 3 : i32
      "tpu.region"() ({
        %run_scoped3A_226 = tpu.sem_alloc : memref<!tpu.dma_semaphore, #tpu.memory_space<semaphore_mem>>
        %dma_start3A_227 = arith.constant 0 : i32
        %dma_start3A_228 = arith.constant 0 : i32
        %dma_start3A_229 = tpu.memref_slice %arg9[%rem3A_162, %run_scoped3A_218, %dma_start3A_227, %dma_start3A_228] : memref<2x4x128x16xf32, #tpu.memory_space<vmem>> -> memref<1x1x128x16xf32, #tpu.memory_space<vmem>>
        %dma_start3A_230 = tpu.memref_squeeze %dma_start3A_229 : memref<1x1x128x16xf32, #tpu.memory_space<vmem>> -> memref<128x16xf32, #tpu.memory_space<vmem>>
        %dma_start3A_231 = arith.constant 0 : i32
        %dma_start3A_232 = tpu.memref_slice %arg8[%rem3A_162, %run_scoped3A_219, %dma_start3A_231] : memref<2x4x128xi32, #tpu.memory_space<vmem>> -> memref<1x1x128xi32, #tpu.memory_space<vmem>>
        %dma_start3A_233 = tpu.memref_squeeze %dma_start3A_232 : memref<1x1x128xi32, #tpu.memory_space<vmem>> -> memref<128xi32, #tpu.memory_space<vmem>>
        %dma_start3A_234 = arith.constant 0 : i32
        %dma_start3A_235 = arith.constant 0 : i32
        %dma_start3A_236 = tpu.memref_slice %arg6[%dma_start3A_234, %dma_start3A_235] : memref<100352x16xf32, #tpu.memory_space<vmem_shared>> -> memref<100352x16xf32, #tpu.memory_space<vmem_shared>>
        tpu.enqueue_indirect_dma source(%dma_start3A_230 : memref<128x16xf32, #tpu.memory_space<vmem>>) target(%dma_start3A_236 : memref<100352x16xf32, #tpu.memory_space<vmem_shared>>) offsets(%dma_start3A_233 : memref<128xi32, #tpu.memory_space<vmem>>) semaphore(%run_scoped3A_226 : memref<!tpu.dma_semaphore, #tpu.memory_space<semaphore_mem>>) {add = true}
        %dma_wait3A_237 = arith.constant 0 : i32
        %dma_wait3A_238 = arith.constant 0 : i32
        %dma_wait3A_239 = tpu.memref_slice %arg9[%rem3A_162, %run_scoped3A_218, %dma_wait3A_237, %dma_wait3A_238] : memref<2x4x128x16xf32, #tpu.memory_space<vmem>> -> memref<1x1x128x16xf32, #tpu.memory_space<vmem>>
        %dma_wait3A_240 = tpu.memref_squeeze %dma_wait3A_239 : memref<1x1x128x16xf32, #tpu.memory_space<vmem>> -> memref<128x16xf32, #tpu.memory_space<vmem>>
        %dma_wait3A_241 = arith.constant 0 : i32
        %dma_wait3A_242 = tpu.memref_slice %arg8[%rem3A_162, %run_scoped3A_219, %dma_wait3A_241] : memref<2x4x128xi32, #tpu.memory_space<vmem>> -> memref<1x1x128xi32, #tpu.memory_space<vmem>>
        %dma_wait3A_243 = tpu.memref_squeeze %dma_wait3A_242 : memref<1x1x128xi32, #tpu.memory_space<vmem>> -> memref<128xi32, #tpu.memory_space<vmem>>
        %dma_wait3A_244 = arith.constant 0 : i32
        %dma_wait3A_245 = arith.constant 0 : i32
        %dma_wait3A_246 = tpu.memref_slice %arg6[%dma_wait3A_244, %dma_wait3A_245] : memref<100352x16xf32, #tpu.memory_space<vmem_shared>> -> memref<100352x16xf32, #tpu.memory_space<vmem_shared>>
        tpu.wait_indirect_dma semaphore(%run_scoped3A_226 : memref<!tpu.dma_semaphore, #tpu.memory_space<semaphore_mem>>) src(%dma_wait3A_240 : memref<128x16xf32, #tpu.memory_space<vmem>>) dst(%dma_wait3A_246 : memref<100352x16xf32, #tpu.memory_space<vmem_shared>>)
        tpu.yield
      }) : () -> ()
      %lt3A_220 = arith.constant 194 : i32
      %lt3A_221 = arith.cmpi slt, %scan3A_160, %lt3A_220 : i32
      %convert_element_type3A_222 = arith.extui %lt3A_221 : i1 to i32
      %cond3A_223 = arith.constant 0 : i32
      %cond3A_224 = arith.cmpi ne, %convert_element_type3A_222, %cond3A_223 : i32
      scf.if %cond3A_224 {
        %add3A_226 = arith.constant 2 : i32
        %add3A_227 = arith.addi %scan3A_160, %add3A_226 : i32
        %mul3A_228 = arith.constant 4 : i32
        %mul3A_229 = arith.muli %add3A_227, %mul3A_228 : i32
        %add3A_230 = arith.addi %mul3A_17, %mul3A_229 : i32
        %dma_start3A_231 = arith.constant 0 : i32
        %dma_start3A_232 = arith.constant 0 : i32
        %dma_start3A_233 = tpu.memref_slice %arg7[%rem3A_162, %dma_start3A_231, %dma_start3A_232] : memref<2x4x128xi32, #tpu.memory_space<vmem>> -> memref<1x4x128xi32, #tpu.memory_space<vmem>>
        %dma_start3A_234 = tpu.memref_squeeze %dma_start3A_233 : memref<1x4x128xi32, #tpu.memory_space<vmem>> -> memref<4x128xi32, #tpu.memory_space<vmem>>
        %dma_start3A_235 = arith.constant 0 : i32
        %dma_start3A_236 = tpu.memref_slice %arg3[%add3A_230, %dma_start3A_235] : memref<25088x128xi32, #tpu.memory_space<hbm>> -> memref<4x128xi32, #tpu.memory_space<hbm>>
        %dma_start3A_237 = arith.constant 0 : i32
        %dma_start3A_238 = arith.constant 0 : i32
        %dma_start3A_239 = tpu.memref_slice %arg7[%rem3A_162, %dma_start3A_237, %dma_start3A_238] : memref<2x4x128xi32, #tpu.memory_space<vmem>> -> memref<1x4x128xi32, #tpu.memory_space<vmem>>
        %dma_start3A_240 = tpu.memref_squeeze %dma_start3A_239 : memref<1x4x128xi32, #tpu.memory_space<vmem>> -> memref<4x128xi32, #tpu.memory_space<vmem>>
        %dma_start3A_241 = arith.constant 0 : i32
        %dma_start3A_242 = tpu.memref_slice %arg3[%add3A_230, %dma_start3A_241] : memref<25088x128xi32, #tpu.memory_space<hbm>> -> memref<4x128xi32, #tpu.memory_space<hbm>>
        tpu.enqueue_dma source(%dma_start3A_242 : memref<4x128xi32, #tpu.memory_space<hbm>>) target(%dma_start3A_240 : memref<4x128xi32, #tpu.memory_space<vmem>>) target_semaphore(%arg12 : memref<!tpu.dma_semaphore, #tpu.memory_space<semaphore_mem>>)
        %dma_start3A_243 = arith.constant 0 : i32
        %dma_start3A_244 = arith.constant 0 : i32
        %dma_start3A_245 = tpu.memref_slice %arg8[%rem3A_162, %dma_start3A_243, %dma_start3A_244] : memref<2x4x128xi32, #tpu.memory_space<vmem>> -> memref<1x4x128xi32, #tpu.memory_space<vmem>>
        %dma_start3A_246 = tpu.memref_squeeze %dma_start3A_245 : memref<1x4x128xi32, #tpu.memory_space<vmem>> -> memref<4x128xi32, #tpu.memory_space<vmem>>
        %dma_start3A_247 = arith.constant 0 : i32
        %dma_start3A_248 = tpu.memref_slice %arg4[%add3A_230, %dma_start3A_247] : memref<25088x128xi32, #tpu.memory_space<hbm>> -> memref<4x128xi32, #tpu.memory_space<hbm>>
        %dma_start3A_249 = arith.constant 0 : i32
        %dma_start3A_250 = arith.constant 0 : i32
        %dma_start3A_251 = tpu.memref_slice %arg8[%rem3A_162, %dma_start3A_249, %dma_start3A_250] : memref<2x4x128xi32, #tpu.memory_space<vmem>> -> memref<1x4x128xi32, #tpu.memory_space<vmem>>
        %dma_start3A_252 = tpu.memref_squeeze %dma_start3A_251 : memref<1x4x128xi32, #tpu.memory_space<vmem>> -> memref<4x128xi32, #tpu.memory_space<vmem>>
        %dma_start3A_253 = arith.constant 0 : i32
        %dma_start3A_254 = tpu.memref_slice %arg4[%add3A_230, %dma_start3A_253] : memref<25088x128xi32, #tpu.memory_space<hbm>> -> memref<4x128xi32, #tpu.memory_space<hbm>>
        tpu.enqueue_dma source(%dma_start3A_254 : memref<4x128xi32, #tpu.memory_space<hbm>>) target(%dma_start3A_252 : memref<4x128xi32, #tpu.memory_space<vmem>>) target_semaphore(%arg12 : memref<!tpu.dma_semaphore, #tpu.memory_space<semaphore_mem>>)
      } else {
      }
      %scan3A_225 = arith.constant 0 : i32
      scf.yield %scan3A_225 : i32
    }
    %scan3A_158 = arith.constant 196 : i32
    %barrier3A_159 = arith.constant 0 : index
    tpu.barrier barrier_id(%barrier3A_159)
    "tpu.region"() ({
      %run_scoped3A = tpu.sem_alloc : memref<!tpu.dma_semaphore, #tpu.memory_space<semaphore_mem>>
      %dma_start3A_160 = arith.constant 0 : i32
      %dma_start3A_161 = tpu.memref_slice %arg5[%arg0, %mul3A_8, %dma_start3A_160] : memref<2x100352x16xf32, #tpu.memory_space<hbm>> -> memref<1x6272x16xf32, #tpu.memory_space<hbm>>
      %dma_start3A_162 = tpu.memref_squeeze %dma_start3A_161 : memref<1x6272x16xf32, #tpu.memory_space<hbm>> -> memref<6272x16xf32, #tpu.memory_space<hbm>>
      %dma_start3A_163 = arith.constant 0 : i32
      %dma_start3A_164 = tpu.memref_slice %arg6[%mul3A_8, %dma_start3A_163] : memref<100352x16xf32, #tpu.memory_space<vmem_shared>> -> memref<6272x16xf32, #tpu.memory_space<vmem_shared>>
      tpu.enqueue_dma source(%dma_start3A_164 : memref<6272x16xf32, #tpu.memory_space<vmem_shared>>) target(%dma_start3A_162 : memref<6272x16xf32, #tpu.memory_space<hbm>>) target_semaphore(%run_scoped3A : memref<!tpu.dma_semaphore, #tpu.memory_space<semaphore_mem>>)
      %dma_wait3A_165 = arith.constant 0 : i32
      %dma_wait3A_166 = tpu.memref_slice %arg5[%arg0, %mul3A_8, %dma_wait3A_165] : memref<2x100352x16xf32, #tpu.memory_space<hbm>> -> memref<1x6272x16xf32, #tpu.memory_space<hbm>>
      %dma_wait3A_167 = tpu.memref_squeeze %dma_wait3A_166 : memref<1x6272x16xf32, #tpu.memory_space<hbm>> -> memref<6272x16xf32, #tpu.memory_space<hbm>>
      %dma_wait3A_168 = arith.constant 0 : i32
      %dma_wait3A_169 = tpu.memref_slice %arg6[%mul3A_8, %dma_wait3A_168] : memref<100352x16xf32, #tpu.memory_space<vmem_shared>> -> memref<6272x16xf32, #tpu.memory_space<vmem_shared>>
      tpu.wait_dma2 semaphore(%run_scoped3A : memref<!tpu.dma_semaphore, #tpu.memory_space<semaphore_mem>>) src(%dma_wait3A_169 : memref<6272x16xf32, #tpu.memory_space<vmem_shared>>) dst(%dma_wait3A_167 : memref<6272x16xf32, #tpu.memory_space<hbm>>)
      tpu.yield
    }) : () -> ()
    return
  }
}

#map = affine_map<(d0, d1) -> (0, 0)>
#map1 = affine_map<(d0, d1) -> (0, 0, 0)>
module attributes {stable_mosaic.version = 14 : i64} {
  func.func @mp_kernel(%arg0: i32, %arg1: i32, %arg2: memref<100352x16xf32, #tpu.memory_space<hbm>>, %arg3: memref<25088x128xi32, #tpu.memory_space<hbm>>, %arg4: memref<25088x128xi32, #tpu.memory_space<hbm>>, %arg5: memref<2x100352x16xf32, #tpu.memory_space<hbm>>, %arg6: memref<100352x16xf32, #tpu.memory_space<vmem_shared>>, %arg7: memref<2x4x128xi32, #tpu.memory_space<vmem>>, %arg8: memref<2x4x128xi32, #tpu.memory_space<vmem>>, %arg9: memref<2x4x128x16xf32, #tpu.memory_space<vmem>>, %arg10: memref<128x16xf32, #tpu.memory_space<vmem>>, %arg11: memref<!tpu.dma_semaphore, #tpu.memory_space<semaphore_mem>>, %arg12: memref<!tpu.dma_semaphore, #tpu.memory_space<semaphore_mem>>) attributes {dimension_semantics = [#tpu.dimension_semantics<core_parallel>, #tpu.dimension_semantics<subcore_parallel>], iteration_bounds = array<i64: 2, 16>, scalar_prefetch = 0 : i64, scratch_operands = 7 : i64, tpu.core_type = #tpu.core_type<sc_vector_subcore>, window_params = [{transform_indices = #map}, {transform_indices = #map}, {transform_indices = #map}, {transform_indices = #map1}]} {
    %mul3A = arith.constant 16 : i32
    %mul3A_0 = arith.muli %arg0, %mul3A : i32
    %add3A = arith.addi %mul3A_0, %arg1 : i32
    %scan3A = arith.constant 0 : i32
    %scan3A_1 = arith.constant 0 : i32
    %scan3A_2 = arith.constant 128 : i32
    %scan3A_3 = arith.addi %scan3A_1, %scan3A_2 : i32
    %scan3A_4 = arith.constant 1 : i32
    %scan3A_5 = scf.for %scan3A_160 = %scan3A_1 to %scan3A_3 step %scan3A_4 iter_args(%scan3A_161 = %scan3A) -> (i32)  : i32 {
      %broadcast_in_dim3A = arith.constant 0.000000e+00 : f32
      %broadcast_in_dim3A_162 = vector.broadcast %broadcast_in_dim3A : f32 to vector<16xf32>
      %swap3A = arith.index_cast %scan3A_160 : i32 to index
      %swap3A_163 = arith.constant 0 : index
      %swap3A_164 = tpu.vector_load %arg10[%swap3A, %swap3A_163] {strides = array<i32>} : memref<128x16xf32, #tpu.memory_space<vmem>>, vector<1x16xf32>,
      %swap3A_165 = vector.shape_cast %swap3A_164 : vector<1x16xf32> to vector<16xf32>
      %swap3A_166 = vector.shape_cast %broadcast_in_dim3A_162 : vector<16xf32> to vector<1x16xf32>
      tpu.vector_store %arg10[%swap3A, %swap3A_163], %swap3A_166 {strides = array<i32>} : memref<128x16xf32, #tpu.memory_space<vmem>>, vector<1x16xf32>,
      %scan3A_167 = arith.constant 0 : i32
      scf.yield %scan3A_167 : i32
    }
    %scan3A_6 = arith.constant 128 : i32
    %mul3A_7 = arith.constant 6272 : i32
    %mul3A_8 = arith.muli %arg1, %mul3A_7 : i32
    %scan3A_9 = arith.constant 0 : i32
    %scan3A_10 = arith.constant 0 : i32
    %scan3A_11 = arith.constant 49 : i32
    %scan3A_12 = arith.addi %scan3A_10, %scan3A_11 : i32
    %scan3A_13 = arith.constant 1 : i32
    %scan3A_14 = scf.for %scan3A_160 = %scan3A_10 to %scan3A_12 step %scan3A_13 iter_args(%scan3A_161 = %scan3A_9) -> (i32)  : i32 {
      %mul3A_162 = arith.constant 128 : i32
      %mul3A_163 = arith.muli %scan3A_160, %mul3A_162 : i32
      %add3A_164 = arith.addi %mul3A_8, %mul3A_163 : i32
      "tpu.region"() ({
        %run_scoped3A = tpu.sem_alloc : memref<!tpu.dma_semaphore, #tpu.memory_space<semaphore_mem>>
        %dma_start3A_166 = arith.constant 0 : i32
        %dma_start3A_167 = tpu.memref_slice %arg6[%add3A_164, %dma_start3A_166] : memref<100352x16xf32, #tpu.memory_space<vmem_shared>> -> memref<128x16xf32, #tpu.memory_space<vmem_shared>>
        %dma_start3A_168 = arith.constant 0 : i32
        %dma_start3A_169 = tpu.memref_slice %arg6[%add3A_164, %dma_start3A_168] : memref<100352x16xf32, #tpu.memory_space<vmem_shared>> -> memref<128x16xf32, #tpu.memory_space<vmem_shared>>
        tpu.enqueue_dma source(%arg10 : memref<128x16xf32, #tpu.memory_space<vmem>>) target(%dma_start3A_169 : memref<128x16xf32, #tpu.memory_space<vmem_shared>>) target_semaphore(%run_scoped3A : memref<!tpu.dma_semaphore, #tpu.memory_space<semaphore_mem>>)
        %dma_wait3A_170 = arith.constant 0 : i32
        %dma_wait3A_171 = tpu.memref_slice %arg6[%add3A_164, %dma_wait3A_170] : memref<100352x16xf32, #tpu.memory_space<vmem_shared>> -> memref<128x16xf32, #tpu.memory_space<vmem_shared>>
        %dma_wait3A_172 = arith.constant 0 : i32
        %dma_wait3A_173 = tpu.memref_slice %arg6[%add3A_164, %dma_wait3A_172] : memref<100352x16xf32, #tpu.memory_space<vmem_shared>> -> memref<128x16xf32, #tpu.memory_space<vmem_shared>>
        tpu.wait_dma2 semaphore(%run_scoped3A : memref<!tpu.dma_semaphore, #tpu.memory_space<semaphore_mem>>) src(%arg10 : memref<128x16xf32, #tpu.memory_space<vmem>>) dst(%dma_wait3A_173 : memref<128x16xf32, #tpu.memory_space<vmem_shared>>)
        tpu.yield
      }) : () -> ()
      %scan3A_165 = arith.constant 0 : i32
      scf.yield %scan3A_165 : i32
    }
    %scan3A_15 = arith.constant 49 : i32
    %barrier3A = arith.constant 0 : index
    tpu.barrier barrier_id(%barrier3A)
    %mul3A_16 = arith.constant 784 : i32
    %mul3A_17 = arith.muli %add3A, %mul3A_16 : i32
    %dma_start3A = arith.constant 0 : i32
    %dma_start3A_18 = arith.constant 0 : i32
    %dma_start3A_19 = arith.constant 0 : i32
    %dma_start3A_20 = tpu.memref_slice %arg7[%dma_start3A, %dma_start3A_18, %dma_start3A_19] : memref<2x4x128xi32, #tpu.memory_space<vmem>> -> memref<1x4x128xi32, #tpu.memory_space<vmem>>
    %dma_start3A_21 = tpu.memref_squeeze %dma_start3A_20 : memref<1x4x128xi32, #tpu.memory_space<vmem>> -> memref<4x128xi32, #tpu.memory_space<vmem>>
    %dma_start3A_22 = arith.constant 0 : i32
    %dma_start3A_23 = tpu.memref_slice %arg3[%mul3A_17, %dma_start3A_22] : memref<25088x128xi32, #tpu.memory_space<hbm>> -> memref<4x128xi32, #tpu.memory_space<hbm>>
    %dma_start3A_24 = arith.constant 0 : i32
    %dma_start3A_25 = arith.constant 0 : i32
    %dma_start3A_26 = tpu.memref_slice %arg7[%dma_start3A, %dma_start3A_24, %dma_start3A_25] : memref<2x4x128xi32, #tpu.memory_space<vmem>> -> memref<1x4x128xi32, #tpu.memory_space<vmem>>
    %dma_start3A_27 = tpu.memref_squeeze %dma_start3A_26 : memref<1x4x128xi32, #tpu.memory_space<vmem>> -> memref<4x128xi32, #tpu.memory_space<vmem>>
    %dma_start3A_28 = arith.constant 0 : i32
    %dma_start3A_29 = tpu.memref_slice %arg3[%mul3A_17, %dma_start3A_28] : memref<25088x128xi32, #tpu.memory_space<hbm>> -> memref<4x128xi32, #tpu.memory_space<hbm>>
    tpu.enqueue_dma source(%dma_start3A_29 : memref<4x128xi32, #tpu.memory_space<hbm>>) target(%dma_start3A_27 : memref<4x128xi32, #tpu.memory_space<vmem>>) target_semaphore(%arg12 : memref<!tpu.dma_semaphore, #tpu.memory_space<semaphore_mem>>)
    %dma_start3A_30 = arith.constant 0 : i32
    %dma_start3A_31 = arith.constant 0 : i32
    %dma_start3A_32 = arith.constant 0 : i32
    %dma_start3A_33 = tpu.memref_slice %arg8[%dma_start3A_30, %dma_start3A_31, %dma_start3A_32] : memref<2x4x128xi32, #tpu.memory_space<vmem>> -> memref<1x4x128xi32, #tpu.memory_space<vmem>>
    %dma_start3A_34 = tpu.memref_squeeze %dma_start3A_33 : memref<1x4x128xi32, #tpu.memory_space<vmem>> -> memref<4x128xi32, #tpu.memory_space<vmem>>
    %dma_start3A_35 = arith.constant 0 : i32
    %dma_start3A_36 = tpu.memref_slice %arg4[%mul3A_17, %dma_start3A_35] : memref<25088x128xi32, #tpu.memory_space<hbm>> -> memref<4x128xi32, #tpu.memory_space<hbm>>
    %dma_start3A_37 = arith.constant 0 : i32
    %dma_start3A_38 = arith.constant 0 : i32
    %dma_start3A_39 = tpu.memref_slice %arg8[%dma_start3A_30, %dma_start3A_37, %dma_start3A_38] : memref<2x4x128xi32, #tpu.memory_space<vmem>> -> memref<1x4x128xi32, #tpu.memory_space<vmem>>
    %dma_start3A_40 = tpu.memref_squeeze %dma_start3A_39 : memref<1x4x128xi32, #tpu.memory_space<vmem>> -> memref<4x128xi32, #tpu.memory_space<vmem>>
    %dma_start3A_41 = arith.constant 0 : i32
    %dma_start3A_42 = tpu.memref_slice %arg4[%mul3A_17, %dma_start3A_41] : memref<25088x128xi32, #tpu.memory_space<hbm>> -> memref<4x128xi32, #tpu.memory_space<hbm>>
    tpu.enqueue_dma source(%dma_start3A_42 : memref<4x128xi32, #tpu.memory_space<hbm>>) target(%dma_start3A_40 : memref<4x128xi32, #tpu.memory_space<vmem>>) target_semaphore(%arg12 : memref<!tpu.dma_semaphore, #tpu.memory_space<semaphore_mem>>)
    %add3A_43 = arith.constant 4 : i32
    %add3A_44 = arith.addi %mul3A_17, %add3A_43 : i32
    %dma_start3A_45 = arith.constant 1 : i32
    %dma_start3A_46 = arith.constant 0 : i32
    %dma_start3A_47 = arith.constant 0 : i32
    %dma_start3A_48 = tpu.memref_slice %arg7[%dma_start3A_45, %dma_start3A_46, %dma_start3A_47] : memref<2x4x128xi32, #tpu.memory_space<vmem>> -> memref<1x4x128xi32, #tpu.memory_space<vmem>>
    %dma_start3A_49 = tpu.memref_squeeze %dma_start3A_48 : memref<1x4x128xi32, #tpu.memory_space<vmem>> -> memref<4x128xi32, #tpu.memory_space<vmem>>
    %dma_start3A_50 = arith.constant 0 : i32
    %dma_start3A_51 = tpu.memref_slice %arg3[%add3A_44, %dma_start3A_50] : memref<25088x128xi32, #tpu.memory_space<hbm>> -> memref<4x128xi32, #tpu.memory_space<hbm>>
    %dma_start3A_52 = arith.constant 0 : i32
    %dma_start3A_53 = arith.constant 0 : i32
    %dma_start3A_54 = tpu.memref_slice %arg7[%dma_start3A_45, %dma_start3A_52, %dma_start3A_53] : memref<2x4x128xi32, #tpu.memory_space<vmem>> -> memref<1x4x128xi32, #tpu.memory_space<vmem>>
    %dma_start3A_55 = tpu.memref_squeeze %dma_start3A_54 : memref<1x4x128xi32, #tpu.memory_space<vmem>> -> memref<4x128xi32, #tpu.memory_space<vmem>>
    %dma_start3A_56 = arith.constant 0 : i32
    %dma_start3A_57 = tpu.memref_slice %arg3[%add3A_44, %dma_start3A_56] : memref<25088x128xi32, #tpu.memory_space<hbm>> -> memref<4x128xi32, #tpu.memory_space<hbm>>
    tpu.enqueue_dma source(%dma_start3A_57 : memref<4x128xi32, #tpu.memory_space<hbm>>) target(%dma_start3A_55 : memref<4x128xi32, #tpu.memory_space<vmem>>) target_semaphore(%arg12 : memref<!tpu.dma_semaphore, #tpu.memory_space<semaphore_mem>>)
    %dma_start3A_58 = arith.constant 1 : i32
    %dma_start3A_59 = arith.constant 0 : i32
    %dma_start3A_60 = arith.constant 0 : i32
    %dma_start3A_61 = tpu.memref_slice %arg8[%dma_start3A_58, %dma_start3A_59, %dma_start3A_60] : memref<2x4x128xi32, #tpu.memory_space<vmem>> -> memref<1x4x128xi32, #tpu.memory_space<vmem>>
    %dma_start3A_62 = tpu.memref_squeeze %dma_start3A_61 : memref<1x4x128xi32, #tpu.memory_space<vmem>> -> memref<4x128xi32, #tpu.memory_space<vmem>>
    %dma_start3A_63 = arith.constant 0 : i32
    %dma_start3A_64 = tpu.memref_slice %arg4[%add3A_44, %dma_start3A_63] : memref<25088x128xi32, #tpu.memory_space<hbm>> -> memref<4x128xi32, #tpu.memory_space<hbm>>
    %dma_start3A_65 = arith.constant 0 : i32
    %dma_start3A_66 = arith.constant 0 : i32
    %dma_start3A_67 = tpu.memref_slice %arg8[%dma_start3A_58, %dma_start3A_65, %dma_start3A_66] : memref<2x4x128xi32, #tpu.memory_space<vmem>> -> memref<1x4x128xi32, #tpu.memory_space<vmem>>
    %dma_start3A_68 = tpu.memref_squeeze %dma_start3A_67 : memref<1x4x128xi32, #tpu.memory_space<vmem>> -> memref<4x128xi32, #tpu.memory_space<vmem>>
    %dma_start3A_69 = arith.constant 0 : i32
    %dma_start3A_70 = tpu.memref_slice %arg4[%add3A_44, %dma_start3A_69] : memref<25088x128xi32, #tpu.memory_space<hbm>> -> memref<4x128xi32, #tpu.memory_space<hbm>>
    tpu.enqueue_dma source(%dma_start3A_70 : memref<4x128xi32, #tpu.memory_space<hbm>>) target(%dma_start3A_68 : memref<4x128xi32, #tpu.memory_space<vmem>>) target_semaphore(%arg12 : memref<!tpu.dma_semaphore, #tpu.memory_space<semaphore_mem>>)
    %dma_wait3A = arith.constant 0 : i32
    %dma_wait3A_71 = arith.constant 0 : i32
    %dma_wait3A_72 = arith.constant 0 : i32
    %dma_wait3A_73 = tpu.memref_slice %arg7[%dma_wait3A, %dma_wait3A_71, %dma_wait3A_72] : memref<2x4x128xi32, #tpu.memory_space<vmem>> -> memref<1x4x128xi32, #tpu.memory_space<vmem>>
    %dma_wait3A_74 = tpu.memref_squeeze %dma_wait3A_73 : memref<1x4x128xi32, #tpu.memory_space<vmem>> -> memref<4x128xi32, #tpu.memory_space<vmem>>
    %dma_wait3A_75 = arith.constant 0 : i32
    %dma_wait3A_76 = tpu.memref_slice %arg3[%mul3A_17, %dma_wait3A_75] : memref<25088x128xi32, #tpu.memory_space<hbm>> -> memref<4x128xi32, #tpu.memory_space<hbm>>
    %dma_wait3A_77 = arith.constant 0 : i32
    %dma_wait3A_78 = arith.constant 0 : i32
    %dma_wait3A_79 = tpu.memref_slice %arg7[%dma_wait3A, %dma_wait3A_77, %dma_wait3A_78] : memref<2x4x128xi32, #tpu.memory_space<vmem>> -> memref<1x4x128xi32, #tpu.memory_space<vmem>>
    %dma_wait3A_80 = tpu.memref_squeeze %dma_wait3A_79 : memref<1x4x128xi32, #tpu.memory_space<vmem>> -> memref<4x128xi32, #tpu.memory_space<vmem>>
    %dma_wait3A_81 = arith.constant 0 : i32
    %dma_wait3A_82 = tpu.memref_slice %arg3[%mul3A_17, %dma_wait3A_81] : memref<25088x128xi32, #tpu.memory_space<hbm>> -> memref<4x128xi32, #tpu.memory_space<hbm>>
    tpu.wait_dma2 semaphore(%arg12 : memref<!tpu.dma_semaphore, #tpu.memory_space<semaphore_mem>>) src(%dma_wait3A_82 : memref<4x128xi32, #tpu.memory_space<hbm>>) dst(%dma_wait3A_80 : memref<4x128xi32, #tpu.memory_space<vmem>>)
    %dma_wait3A_83 = arith.constant 0 : i32
    %dma_wait3A_84 = arith.constant 0 : i32
    %dma_wait3A_85 = arith.constant 0 : i32
    %dma_wait3A_86 = tpu.memref_slice %arg8[%dma_wait3A_83, %dma_wait3A_84, %dma_wait3A_85] : memref<2x4x128xi32, #tpu.memory_space<vmem>> -> memref<1x4x128xi32, #tpu.memory_space<vmem>>
    %dma_wait3A_87 = tpu.memref_squeeze %dma_wait3A_86 : memref<1x4x128xi32, #tpu.memory_space<vmem>> -> memref<4x128xi32, #tpu.memory_space<vmem>>
    %dma_wait3A_88 = arith.constant 0 : i32
    %dma_wait3A_89 = tpu.memref_slice %arg4[%mul3A_17, %dma_wait3A_88] : memref<25088x128xi32, #tpu.memory_space<hbm>> -> memref<4x128xi32, #tpu.memory_space<hbm>>
    %dma_wait3A_90 = arith.constant 0 : i32
    %dma_wait3A_91 = arith.constant 0 : i32
    %dma_wait3A_92 = tpu.memref_slice %arg8[%dma_wait3A_83, %dma_wait3A_90, %dma_wait3A_91] : memref<2x4x128xi32, #tpu.memory_space<vmem>> -> memref<1x4x128xi32, #tpu.memory_space<vmem>>
    %dma_wait3A_93 = tpu.memref_squeeze %dma_wait3A_92 : memref<1x4x128xi32, #tpu.memory_space<vmem>> -> memref<4x128xi32, #tpu.memory_space<vmem>>
    %dma_wait3A_94 = arith.constant 0 : i32
    %dma_wait3A_95 = tpu.memref_slice %arg4[%mul3A_17, %dma_wait3A_94] : memref<25088x128xi32, #tpu.memory_space<hbm>> -> memref<4x128xi32, #tpu.memory_space<hbm>>
    tpu.wait_dma2 semaphore(%arg12 : memref<!tpu.dma_semaphore, #tpu.memory_space<semaphore_mem>>) src(%dma_wait3A_95 : memref<4x128xi32, #tpu.memory_space<hbm>>) dst(%dma_wait3A_93 : memref<4x128xi32, #tpu.memory_space<vmem>>)
    %dma_start3A_96 = arith.constant 0 : i32
    %dma_start3A_97 = arith.constant 0 : i32
    %dma_start3A_98 = arith.constant 0 : i32
    %dma_start3A_99 = arith.constant 0 : i32
    %dma_start3A_100 = arith.constant 0 : i32
    %dma_start3A_101 = arith.constant 0 : i32
    %dma_start3A_102 = tpu.memref_slice %arg9[%dma_start3A_98, %dma_start3A_99, %dma_start3A_100, %dma_start3A_101] : memref<2x4x128x16xf32, #tpu.memory_space<vmem>> -> memref<1x1x128x16xf32, #tpu.memory_space<vmem>>
    %dma_start3A_103 = tpu.memref_squeeze %dma_start3A_102 : memref<1x1x128x16xf32, #tpu.memory_space<vmem>> -> memref<128x16xf32, #tpu.memory_space<vmem>>
    %dma_start3A_104 = arith.constant 0 : i32
    %dma_start3A_105 = tpu.memref_slice %arg7[%dma_start3A_96, %dma_start3A_97, %dma_start3A_104] : memref<2x4x128xi32, #tpu.memory_space<vmem>> -> memref<1x1x128xi32, #tpu.memory_space<vmem>>
    %dma_start3A_106 = tpu.memref_squeeze %dma_start3A_105 : memref<1x1x128xi32, #tpu.memory_space<vmem>> -> memref<128xi32, #tpu.memory_space<vmem>>
    %dma_start3A_107 = arith.constant 0 : i32
    %dma_start3A_108 = arith.constant 0 : i32
    %dma_start3A_109 = tpu.memref_slice %arg2[%dma_start3A_107, %dma_start3A_108] : memref<100352x16xf32, #tpu.memory_space<hbm>> -> memref<100352x16xf32, #tpu.memory_space<hbm>>
    tpu.enqueue_indirect_dma source(%dma_start3A_109 : memref<100352x16xf32, #tpu.memory_space<hbm>>) target(%dma_start3A_103 : memref<128x16xf32, #tpu.memory_space<vmem>>) offsets(%dma_start3A_106 : memref<128xi32, #tpu.memory_space<vmem>>) semaphore(%arg11 : memref<!tpu.dma_semaphore, #tpu.memory_space<semaphore_mem>>)
    %dma_start3A_110 = arith.constant 0 : i32
    %dma_start3A_111 = arith.constant 1 : i32
    %dma_start3A_112 = arith.constant 0 : i32
    %dma_start3A_113 = arith.constant 1 : i32
    %dma_start3A_114 = arith.constant 0 : i32
    %dma_start3A_115 = arith.constant 0 : i32
    %dma_start3A_116 = tpu.memref_slice %arg9[%dma_start3A_112, %dma_start3A_113, %dma_start3A_114, %dma_start3A_115] : memref<2x4x128x16xf32, #tpu.memory_space<vmem>> -> memref<1x1x128x16xf32, #tpu.memory_space<vmem>>
    %dma_start3A_117 = tpu.memref_squeeze %dma_start3A_116 : memref<1x1x128x16xf32, #tpu.memory_space<vmem>> -> memref<128x16xf32, #tpu.memory_space<vmem>>
    %dma_start3A_118 = arith.constant 0 : i32
    %dma_start3A_119 = tpu.memref_slice %arg7[%dma_start3A_110, %dma_start3A_111, %dma_start3A_118] : memref<2x4x128xi32, #tpu.memory_space<vmem>> -> memref<1x1x128xi32, #tpu.memory_space<vmem>>
    %dma_start3A_120 = tpu.memref_squeeze %dma_start3A_119 : memref<1x1x128xi32, #tpu.memory_space<vmem>> -> memref<128xi32, #tpu.memory_space<vmem>>
    %dma_start3A_121 = arith.constant 0 : i32
    %dma_start3A_122 = arith.constant 0 : i32
    %dma_start3A_123 = tpu.memref_slice %arg2[%dma_start3A_121, %dma_start3A_122] : memref<100352x16xf32, #tpu.memory_space<hbm>> -> memref<100352x16xf32, #tpu.memory_space<hbm>>
    tpu.enqueue_indirect_dma source(%dma_start3A_123 : memref<100352x16xf32, #tpu.memory_space<hbm>>) target(%dma_start3A_117 : memref<128x16xf32, #tpu.memory_space<vmem>>) offsets(%dma_start3A_120 : memref<128xi32, #tpu.memory_space<vmem>>) semaphore(%arg11 : memref<!tpu.dma_semaphore, #tpu.memory_space<semaphore_mem>>)
    %dma_start3A_124 = arith.constant 0 : i32
    %dma_start3A_125 = arith.constant 2 : i32
    %dma_start3A_126 = arith.constant 0 : i32
    %dma_start3A_127 = arith.constant 2 : i32
    %dma_start3A_128 = arith.constant 0 : i32
    %dma_start3A_129 = arith.constant 0 : i32
    %dma_start3A_130 = tpu.memref_slice %arg9[%dma_start3A_126, %dma_start3A_127, %dma_start3A_128, %dma_start3A_129] : memref<2x4x128x16xf32, #tpu.memory_space<vmem>> -> memref<1x1x128x16xf32, #tpu.memory_space<vmem>>
    %dma_start3A_131 = tpu.memref_squeeze %dma_start3A_130 : memref<1x1x128x16xf32, #tpu.memory_space<vmem>> -> memref<128x16xf32, #tpu.memory_space<vmem>>
    %dma_start3A_132 = arith.constant 0 : i32
    %dma_start3A_133 = tpu.memref_slice %arg7[%dma_start3A_124, %dma_start3A_125, %dma_start3A_132] : memref<2x4x128xi32, #tpu.memory_space<vmem>> -> memref<1x1x128xi32, #tpu.memory_space<vmem>>
    %dma_start3A_134 = tpu.memref_squeeze %dma_start3A_133 : memref<1x1x128xi32, #tpu.memory_space<vmem>> -> memref<128xi32, #tpu.memory_space<vmem>>
    %dma_start3A_135 = arith.constant 0 : i32
    %dma_start3A_136 = arith.constant 0 : i32
    %dma_start3A_137 = tpu.memref_slice %arg2[%dma_start3A_135, %dma_start3A_136] : memref<100352x16xf32, #tpu.memory_space<hbm>> -> memref<100352x16xf32, #tpu.memory_space<hbm>>
    tpu.enqueue_indirect_dma source(%dma_start3A_137 : memref<100352x16xf32, #tpu.memory_space<hbm>>) target(%dma_start3A_131 : memref<128x16xf32, #tpu.memory_space<vmem>>) offsets(%dma_start3A_134 : memref<128xi32, #tpu.memory_space<vmem>>) semaphore(%arg11 : memref<!tpu.dma_semaphore, #tpu.memory_space<semaphore_mem>>)
    %dma_start3A_138 = arith.constant 0 : i32
    %dma_start3A_139 = arith.constant 3 : i32
    %dma_start3A_140 = arith.constant 0 : i32
    %dma_start3A_141 = arith.constant 3 : i32
    %dma_start3A_142 = arith.constant 0 : i32
    %dma_start3A_143 = arith.constant 0 : i32
    %dma_start3A_144 = tpu.memref_slice %arg9[%dma_start3A_140, %dma_start3A_141, %dma_start3A_142, %dma_start3A_143] : memref<2x4x128x16xf32, #tpu.memory_space<vmem>> -> memref<1x1x128x16xf32, #tpu.memory_space<vmem>>
    %dma_start3A_145 = tpu.memref_squeeze %dma_start3A_144 : memref<1x1x128x16xf32, #tpu.memory_space<vmem>> -> memref<128x16xf32, #tpu.memory_space<vmem>>
    %dma_start3A_146 = arith.constant 0 : i32
    %dma_start3A_147 = tpu.memref_slice %arg7[%dma_start3A_138, %dma_start3A_139, %dma_start3A_146] : memref<2x4x128xi32, #tpu.memory_space<vmem>> -> memref<1x1x128xi32, #tpu.memory_space<vmem>>
    %dma_start3A_148 = tpu.memref_squeeze %dma_start3A_147 : memref<1x1x128xi32, #tpu.memory_space<vmem>> -> memref<128xi32, #tpu.memory_space<vmem>>
    %dma_start3A_149 = arith.constant 0 : i32
    %dma_start3A_150 = arith.constant 0 : i32
    %dma_start3A_151 = tpu.memref_slice %arg2[%dma_start3A_149, %dma_start3A_150] : memref<100352x16xf32, #tpu.memory_space<hbm>> -> memref<100352x16xf32, #tpu.memory_space<hbm>>
    tpu.enqueue_indirect_dma source(%dma_start3A_151 : memref<100352x16xf32, #tpu.memory_space<hbm>>) target(%dma_start3A_145 : memref<128x16xf32, #tpu.memory_space<vmem>>) offsets(%dma_start3A_148 : memref<128xi32, #tpu.memory_space<vmem>>) semaphore(%arg11 : memref<!tpu.dma_semaphore, #tpu.memory_space<semaphore_mem>>)
    %scan3A_152 = arith.constant 0 : i32
    %scan3A_153 = arith.constant 0 : i32
    %scan3A_154 = arith.constant 196 : i32
    %scan3A_155 = arith.addi %scan3A_153, %scan3A_154 : i32
    %scan3A_156 = arith.constant 1 : i32
    %scan3A_157 = scf.for %scan3A_160 = %scan3A_153 to %scan3A_155 step %scan3A_156 iter_args(%scan3A_161 = %scan3A_152) -> (i32)  : i32 {
      %rem3A = arith.constant 2 : i32
      %rem3A_162 = arith.remsi %scan3A_160, %rem3A : i32
      %dma_wait3A_163 = arith.constant 0 : i32
      %dma_wait3A_164 = arith.constant 0 : i32
      %dma_wait3A_165 = arith.constant 0 : i32
      %dma_wait3A_166 = arith.constant 0 : i32
      %dma_wait3A_167 = tpu.memref_slice %arg9[%rem3A_162, %dma_wait3A_164, %dma_wait3A_165, %dma_wait3A_166] : memref<2x4x128x16xf32, #tpu.memory_space<vmem>> -> memref<1x1x128x16xf32, #tpu.memory_space<vmem>>
      %dma_wait3A_168 = tpu.memref_squeeze %dma_wait3A_167 : memref<1x1x128x16xf32, #tpu.memory_space<vmem>> -> memref<128x16xf32, #tpu.memory_space<vmem>>
      %dma_wait3A_169 = arith.constant 0 : i32
      %dma_wait3A_170 = tpu.memref_slice %arg7[%rem3A_162, %dma_wait3A_163, %dma_wait3A_169] : memref<2x4x128xi32, #tpu.memory_space<vmem>> -> memref<1x1x128xi32, #tpu.memory_space<vmem>>
      %dma_wait3A_171 = tpu.memref_squeeze %dma_wait3A_170 : memref<1x1x128xi32, #tpu.memory_space<vmem>> -> memref<128xi32, #tpu.memory_space<vmem>>
      %dma_wait3A_172 = arith.constant 0 : i32
      %dma_wait3A_173 = arith.constant 0 : i32
      %dma_wait3A_174 = tpu.memref_slice %arg2[%dma_wait3A_172, %dma_wait3A_173] : memref<100352x16xf32, #tpu.memory_space<hbm>> -> memref<100352x16xf32, #tpu.memory_space<hbm>>
      tpu.wait_indirect_dma semaphore(%arg11 : memref<!tpu.dma_semaphore, #tpu.memory_space<semaphore_mem>>) src(%dma_wait3A_174 : memref<100352x16xf32, #tpu.memory_space<hbm>>) dst(%dma_wait3A_168 : memref<128x16xf32, #tpu.memory_space<vmem>>)
      %dma_wait3A_175 = arith.constant 1 : i32
      %dma_wait3A_176 = arith.constant 1 : i32
      %dma_wait3A_177 = arith.constant 0 : i32
      %dma_wait3A_178 = arith.constant 0 : i32
      %dma_wait3A_179 = tpu.memref_slice %arg9[%rem3A_162, %dma_wait3A_176, %dma_wait3A_177, %dma_wait3A_178] : memref<2x4x128x16xf32, #tpu.memory_space<vmem>> -> memref<1x1x128x16xf32, #tpu.memory_space<vmem>>
      %dma_wait3A_180 = tpu.memref_squeeze %dma_wait3A_179 : memref<1x1x128x16xf32, #tpu.memory_space<vmem>> -> memref<128x16xf32, #tpu.memory_space<vmem>>
      %dma_wait3A_181 = arith.constant 0 : i32
      %dma_wait3A_182 = tpu.memref_slice %arg7[%rem3A_162, %dma_wait3A_175, %dma_wait3A_181] : memref<2x4x128xi32, #tpu.memory_space<vmem>> -> memref<1x1x128xi32, #tpu.memory_space<vmem>>
      %dma_wait3A_183 = tpu.memref_squeeze %dma_wait3A_182 : memref<1x1x128xi32, #tpu.memory_space<vmem>> -> memref<128xi32, #tpu.memory_space<vmem>>
      %dma_wait3A_184 = arith.constant 0 : i32
      %dma_wait3A_185 = arith.constant 0 : i32
      %dma_wait3A_186 = tpu.memref_slice %arg2[%dma_wait3A_184, %dma_wait3A_185] : memref<100352x16xf32, #tpu.memory_space<hbm>> -> memref<100352x16xf32, #tpu.memory_space<hbm>>
      tpu.wait_indirect_dma semaphore(%arg11 : memref<!tpu.dma_semaphore, #tpu.memory_space<semaphore_mem>>) src(%dma_wait3A_186 : memref<100352x16xf32, #tpu.memory_space<hbm>>) dst(%dma_wait3A_180 : memref<128x16xf32, #tpu.memory_space<vmem>>)
      %dma_wait3A_187 = arith.constant 2 : i32
      %dma_wait3A_188 = arith.constant 2 : i32
      %dma_wait3A_189 = arith.constant 0 : i32
      %dma_wait3A_190 = arith.constant 0 : i32
      %dma_wait3A_191 = tpu.memref_slice %arg9[%rem3A_162, %dma_wait3A_188, %dma_wait3A_189, %dma_wait3A_190] : memref<2x4x128x16xf32, #tpu.memory_space<vmem>> -> memref<1x1x128x16xf32, #tpu.memory_space<vmem>>
      %dma_wait3A_192 = tpu.memref_squeeze %dma_wait3A_191 : memref<1x1x128x16xf32, #tpu.memory_space<vmem>> -> memref<128x16xf32, #tpu.memory_space<vmem>>
      %dma_wait3A_193 = arith.constant 0 : i32
      %dma_wait3A_194 = tpu.memref_slice %arg7[%rem3A_162, %dma_wait3A_187, %dma_wait3A_193] : memref<2x4x128xi32, #tpu.memory_space<vmem>> -> memref<1x1x128xi32, #tpu.memory_space<vmem>>
      %dma_wait3A_195 = tpu.memref_squeeze %dma_wait3A_194 : memref<1x1x128xi32, #tpu.memory_space<vmem>> -> memref<128xi32, #tpu.memory_space<vmem>>
      %dma_wait3A_196 = arith.constant 0 : i32
      %dma_wait3A_197 = arith.constant 0 : i32
      %dma_wait3A_198 = tpu.memref_slice %arg2[%dma_wait3A_196, %dma_wait3A_197] : memref<100352x16xf32, #tpu.memory_space<hbm>> -> memref<100352x16xf32, #tpu.memory_space<hbm>>
      tpu.wait_indirect_dma semaphore(%arg11 : memref<!tpu.dma_semaphore, #tpu.memory_space<semaphore_mem>>) src(%dma_wait3A_198 : memref<100352x16xf32, #tpu.memory_space<hbm>>) dst(%dma_wait3A_192 : memref<128x16xf32, #tpu.memory_space<vmem>>)
      %dma_wait3A_199 = arith.constant 3 : i32
      %dma_wait3A_200 = arith.constant 3 : i32
      %dma_wait3A_201 = arith.constant 0 : i32
      %dma_wait3A_202 = arith.constant 0 : i32
      %dma_wait3A_203 = tpu.memref_slice %arg9[%rem3A_162, %dma_wait3A_200, %dma_wait3A_201, %dma_wait3A_202] : memref<2x4x128x16xf32, #tpu.memory_space<vmem>> -> memref<1x1x128x16xf32, #tpu.memory_space<vmem>>
      %dma_wait3A_204 = tpu.memref_squeeze %dma_wait3A_203 : memref<1x1x128x16xf32, #tpu.memory_space<vmem>> -> memref<128x16xf32, #tpu.memory_space<vmem>>
      %dma_wait3A_205 = arith.constant 0 : i32
      %dma_wait3A_206 = tpu.memref_slice %arg7[%rem3A_162, %dma_wait3A_199, %dma_wait3A_205] : memref<2x4x128xi32, #tpu.memory_space<vmem>> -> memref<1x1x128xi32, #tpu.memory_space<vmem>>
      %dma_wait3A_207 = tpu.memref_squeeze %dma_wait3A_206 : memref<1x1x128xi32, #tpu.memory_space<vmem>> -> memref<128xi32, #tpu.memory_space<vmem>>
      %dma_wait3A_208 = arith.constant 0 : i32
      %dma_wait3A_209 = arith.constant 0 : i32
      %dma_wait3A_210 = tpu.memref_slice %arg2[%dma_wait3A_208, %dma_wait3A_209] : memref<100352x16xf32, #tpu.memory_space<hbm>> -> memref<100352x16xf32, #tpu.memory_space<hbm>>
      tpu.wait_indirect_dma semaphore(%arg11 : memref<!tpu.dma_semaphore, #tpu.memory_space<semaphore_mem>>) src(%dma_wait3A_210 : memref<100352x16xf32, #tpu.memory_space<hbm>>) dst(%dma_wait3A_204 : memref<128x16xf32, #tpu.memory_space<vmem>>)
      %lt3A = arith.constant 195 : i32
      %lt3A_211 = arith.cmpi slt, %scan3A_160, %lt3A : i32
      %convert_element_type3A = arith.extui %lt3A_211 : i1 to i32
      %cond3A = arith.constant 0 : i32
      %cond3A_212 = arith.cmpi ne, %convert_element_type3A, %cond3A : i32
      scf.if %cond3A_212 {
        %add3A_226 = arith.constant 1 : i32
        %add3A_227 = arith.addi %scan3A_160, %add3A_226 : i32
        %sub3A = arith.constant 1 : i32
        %sub3A_228 = arith.subi %sub3A, %rem3A_162 : i32
        %mul3A_229 = arith.constant 4 : i32
        %mul3A_230 = arith.muli %add3A_227, %mul3A_229 : i32
        %add3A_231 = arith.addi %mul3A_17, %mul3A_230 : i32
        %dma_wait3A_232 = arith.constant 0 : i32
        %dma_wait3A_233 = arith.constant 0 : i32
        %dma_wait3A_234 = tpu.memref_slice %arg7[%sub3A_228, %dma_wait3A_232, %dma_wait3A_233] : memref<2x4x128xi32, #tpu.memory_space<vmem>> -> memref<1x4x128xi32, #tpu.memory_space<vmem>>
        %dma_wait3A_235 = tpu.memref_squeeze %dma_wait3A_234 : memref<1x4x128xi32, #tpu.memory_space<vmem>> -> memref<4x128xi32, #tpu.memory_space<vmem>>
        %dma_wait3A_236 = arith.constant 0 : i32
        %dma_wait3A_237 = tpu.memref_slice %arg3[%add3A_231, %dma_wait3A_236] : memref<25088x128xi32, #tpu.memory_space<hbm>> -> memref<4x128xi32, #tpu.memory_space<hbm>>
        %dma_wait3A_238 = arith.constant 0 : i32
        %dma_wait3A_239 = arith.constant 0 : i32
        %dma_wait3A_240 = tpu.memref_slice %arg7[%sub3A_228, %dma_wait3A_238, %dma_wait3A_239] : memref<2x4x128xi32, #tpu.memory_space<vmem>> -> memref<1x4x128xi32, #tpu.memory_space<vmem>>
        %dma_wait3A_241 = tpu.memref_squeeze %dma_wait3A_240 : memref<1x4x128xi32, #tpu.memory_space<vmem>> -> memref<4x128xi32, #tpu.memory_space<vmem>>
        %dma_wait3A_242 = arith.constant 0 : i32
        %dma_wait3A_243 = tpu.memref_slice %arg3[%add3A_231, %dma_wait3A_242] : memref<25088x128xi32, #tpu.memory_space<hbm>> -> memref<4x128xi32, #tpu.memory_space<hbm>>
        tpu.wait_dma2 semaphore(%arg12 : memref<!tpu.dma_semaphore, #tpu.memory_space<semaphore_mem>>) src(%dma_wait3A_243 : memref<4x128xi32, #tpu.memory_space<hbm>>) dst(%dma_wait3A_241 : memref<4x128xi32, #tpu.memory_space<vmem>>)
        %dma_wait3A_244 = arith.constant 0 : i32
        %dma_wait3A_245 = arith.constant 0 : i32
        %dma_wait3A_246 = tpu.memref_slice %arg8[%sub3A_228, %dma_wait3A_244, %dma_wait3A_245] : memref<2x4x128xi32, #tpu.memory_space<vmem>> -> memref<1x4x128xi32, #tpu.memory_space<vmem>>
        %dma_wait3A_247 = tpu.memref_squeeze %dma_wait3A_246 : memref<1x4x128xi32, #tpu.memory_space<vmem>> -> memref<4x128xi32, #tpu.memory_space<vmem>>
        %dma_wait3A_248 = arith.constant 0 : i32
        %dma_wait3A_249 = tpu.memref_slice %arg4[%add3A_231, %dma_wait3A_248] : memref<25088x128xi32, #tpu.memory_space<hbm>> -> memref<4x128xi32, #tpu.memory_space<hbm>>
        %dma_wait3A_250 = arith.constant 0 : i32
        %dma_wait3A_251 = arith.constant 0 : i32
        %dma_wait3A_252 = tpu.memref_slice %arg8[%sub3A_228, %dma_wait3A_250, %dma_wait3A_251] : memref<2x4x128xi32, #tpu.memory_space<vmem>> -> memref<1x4x128xi32, #tpu.memory_space<vmem>>
        %dma_wait3A_253 = tpu.memref_squeeze %dma_wait3A_252 : memref<1x4x128xi32, #tpu.memory_space<vmem>> -> memref<4x128xi32, #tpu.memory_space<vmem>>
        %dma_wait3A_254 = arith.constant 0 : i32
        %dma_wait3A_255 = tpu.memref_slice %arg4[%add3A_231, %dma_wait3A_254] : memref<25088x128xi32, #tpu.memory_space<hbm>> -> memref<4x128xi32, #tpu.memory_space<hbm>>
        tpu.wait_dma2 semaphore(%arg12 : memref<!tpu.dma_semaphore, #tpu.memory_space<semaphore_mem>>) src(%dma_wait3A_255 : memref<4x128xi32, #tpu.memory_space<hbm>>) dst(%dma_wait3A_253 : memref<4x128xi32, #tpu.memory_space<vmem>>)
        %sub3A_256 = arith.constant 1 : i32
        %sub3A_257 = arith.subi %sub3A_256, %rem3A_162 : i32
        %dma_start3A_258 = arith.constant 0 : i32
        %dma_start3A_259 = arith.constant 0 : i32
        %dma_start3A_260 = arith.constant 0 : i32
        %dma_start3A_261 = arith.constant 0 : i32
        %dma_start3A_262 = tpu.memref_slice %arg9[%sub3A_257, %dma_start3A_259, %dma_start3A_260, %dma_start3A_261] : memref<2x4x128x16xf32, #tpu.memory_space<vmem>> -> memref<1x1x128x16xf32, #tpu.memory_space<vmem>>
        %dma_start3A_263 = tpu.memref_squeeze %dma_start3A_262 : memref<1x1x128x16xf32, #tpu.memory_space<vmem>> -> memref<128x16xf32, #tpu.memory_space<vmem>>
        %dma_start3A_264 = arith.constant 0 : i32
        %dma_start3A_265 = tpu.memref_slice %arg7[%sub3A_257, %dma_start3A_258, %dma_start3A_264] : memref<2x4x128xi32, #tpu.memory_space<vmem>> -> memref<1x1x128xi32, #tpu.memory_space<vmem>>
        %dma_start3A_266 = tpu.memref_squeeze %dma_start3A_265 : memref<1x1x128xi32, #tpu.memory_space<vmem>> -> memref<128xi32, #tpu.memory_space<vmem>>
        %dma_start3A_267 = arith.constant 0 : i32
        %dma_start3A_268 = arith.constant 0 : i32
        %dma_start3A_269 = tpu.memref_slice %arg2[%dma_start3A_267, %dma_start3A_268] : memref<100352x16xf32, #tpu.memory_space<hbm>> -> memref<100352x16xf32, #tpu.memory_space<hbm>>
        tpu.enqueue_indirect_dma source(%dma_start3A_269 : memref<100352x16xf32, #tpu.memory_space<hbm>>) target(%dma_start3A_263 : memref<128x16xf32, #tpu.memory_space<vmem>>) offsets(%dma_start3A_266 : memref<128xi32, #tpu.memory_space<vmem>>) semaphore(%arg11 : memref<!tpu.dma_semaphore, #tpu.memory_space<semaphore_mem>>)
        %dma_start3A_270 = arith.constant 1 : i32
        %dma_start3A_271 = arith.constant 1 : i32
        %dma_start3A_272 = arith.constant 0 : i32
        %dma_start3A_273 = arith.constant 0 : i32
        %dma_start3A_274 = tpu.memref_slice %arg9[%sub3A_257, %dma_start3A_271, %dma_start3A_272, %dma_start3A_273] : memref<2x4x128x16xf32, #tpu.memory_space<vmem>> -> memref<1x1x128x16xf32, #tpu.memory_space<vmem>>
        %dma_start3A_275 = tpu.memref_squeeze %dma_start3A_274 : memref<1x1x128x16xf32, #tpu.memory_space<vmem>> -> memref<128x16xf32, #tpu.memory_space<vmem>>
        %dma_start3A_276 = arith.constant 0 : i32
        %dma_start3A_277 = tpu.memref_slice %arg7[%sub3A_257, %dma_start3A_270, %dma_start3A_276] : memref<2x4x128xi32, #tpu.memory_space<vmem>> -> memref<1x1x128xi32, #tpu.memory_space<vmem>>
        %dma_start3A_278 = tpu.memref_squeeze %dma_start3A_277 : memref<1x1x128xi32, #tpu.memory_space<vmem>> -> memref<128xi32, #tpu.memory_space<vmem>>
        %dma_start3A_279 = arith.constant 0 : i32
        %dma_start3A_280 = arith.constant 0 : i32
        %dma_start3A_281 = tpu.memref_slice %arg2[%dma_start3A_279, %dma_start3A_280] : memref<100352x16xf32, #tpu.memory_space<hbm>> -> memref<100352x16xf32, #tpu.memory_space<hbm>>
        tpu.enqueue_indirect_dma source(%dma_start3A_281 : memref<100352x16xf32, #tpu.memory_space<hbm>>) target(%dma_start3A_275 : memref<128x16xf32, #tpu.memory_space<vmem>>) offsets(%dma_start3A_278 : memref<128xi32, #tpu.memory_space<vmem>>) semaphore(%arg11 : memref<!tpu.dma_semaphore, #tpu.memory_space<semaphore_mem>>)
        %dma_start3A_282 = arith.constant 2 : i32
        %dma_start3A_283 = arith.constant 2 : i32
        %dma_start3A_284 = arith.constant 0 : i32
        %dma_start3A_285 = arith.constant 0 : i32
        %dma_start3A_286 = tpu.memref_slice %arg9[%sub3A_257, %dma_start3A_283, %dma_start3A_284, %dma_start3A_285] : memref<2x4x128x16xf32, #tpu.memory_space<vmem>> -> memref<1x1x128x16xf32, #tpu.memory_space<vmem>>
        %dma_start3A_287 = tpu.memref_squeeze %dma_start3A_286 : memref<1x1x128x16xf32, #tpu.memory_space<vmem>> -> memref<128x16xf32, #tpu.memory_space<vmem>>
        %dma_start3A_288 = arith.constant 0 : i32
        %dma_start3A_289 = tpu.memref_slice %arg7[%sub3A_257, %dma_start3A_282, %dma_start3A_288] : memref<2x4x128xi32, #tpu.memory_space<vmem>> -> memref<1x1x128xi32, #tpu.memory_space<vmem>>
        %dma_start3A_290 = tpu.memref_squeeze %dma_start3A_289 : memref<1x1x128xi32, #tpu.memory_space<vmem>> -> memref<128xi32, #tpu.memory_space<vmem>>
        %dma_start3A_291 = arith.constant 0 : i32
        %dma_start3A_292 = arith.constant 0 : i32
        %dma_start3A_293 = tpu.memref_slice %arg2[%dma_start3A_291, %dma_start3A_292] : memref<100352x16xf32, #tpu.memory_space<hbm>> -> memref<100352x16xf32, #tpu.memory_space<hbm>>
        tpu.enqueue_indirect_dma source(%dma_start3A_293 : memref<100352x16xf32, #tpu.memory_space<hbm>>) target(%dma_start3A_287 : memref<128x16xf32, #tpu.memory_space<vmem>>) offsets(%dma_start3A_290 : memref<128xi32, #tpu.memory_space<vmem>>) semaphore(%arg11 : memref<!tpu.dma_semaphore, #tpu.memory_space<semaphore_mem>>)
        %dma_start3A_294 = arith.constant 3 : i32
        %dma_start3A_295 = arith.constant 3 : i32
        %dma_start3A_296 = arith.constant 0 : i32
        %dma_start3A_297 = arith.constant 0 : i32
        %dma_start3A_298 = tpu.memref_slice %arg9[%sub3A_257, %dma_start3A_295, %dma_start3A_296, %dma_start3A_297] : memref<2x4x128x16xf32, #tpu.memory_space<vmem>> -> memref<1x1x128x16xf32, #tpu.memory_space<vmem>>
        %dma_start3A_299 = tpu.memref_squeeze %dma_start3A_298 : memref<1x1x128x16xf32, #tpu.memory_space<vmem>> -> memref<128x16xf32, #tpu.memory_space<vmem>>
        %dma_start3A_300 = arith.constant 0 : i32
        %dma_start3A_301 = tpu.memref_slice %arg7[%sub3A_257, %dma_start3A_294, %dma_start3A_300] : memref<2x4x128xi32, #tpu.memory_space<vmem>> -> memref<1x1x128xi32, #tpu.memory_space<vmem>>
        %dma_start3A_302 = tpu.memref_squeeze %dma_start3A_301 : memref<1x1x128xi32, #tpu.memory_space<vmem>> -> memref<128xi32, #tpu.memory_space<vmem>>
        %dma_start3A_303 = arith.constant 0 : i32
        %dma_start3A_304 = arith.constant 0 : i32
        %dma_start3A_305 = tpu.memref_slice %arg2[%dma_start3A_303, %dma_start3A_304] : memref<100352x16xf32, #tpu.memory_space<hbm>> -> memref<100352x16xf32, #tpu.memory_space<hbm>>
        tpu.enqueue_indirect_dma source(%dma_start3A_305 : memref<100352x16xf32, #tpu.memory_space<hbm>>) target(%dma_start3A_299 : memref<128x16xf32, #tpu.memory_space<vmem>>) offsets(%dma_start3A_302 : memref<128xi32, #tpu.memory_space<vmem>>) semaphore(%arg11 : memref<!tpu.dma_semaphore, #tpu.memory_space<semaphore_mem>>)
      } else {
      }
      %run_scoped3A = arith.constant 0 : i32
      %run_scoped3A_213 = arith.constant 0 : i32
      "tpu.region"() ({
        %run_scoped3A_226 = tpu.sem_alloc : memref<!tpu.dma_semaphore, #tpu.memory_space<semaphore_mem>>
        %dma_start3A_227 = arith.constant 0 : i32
        %dma_start3A_228 = arith.constant 0 : i32
        %dma_start3A_229 = tpu.memref_slice %arg9[%rem3A_162, %run_scoped3A, %dma_start3A_227, %dma_start3A_228] : memref<2x4x128x16xf32, #tpu.memory_space<vmem>> -> memref<1x1x128x16xf32, #tpu.memory_space<vmem>>
        %dma_start3A_230 = tpu.memref_squeeze %dma_start3A_229 : memref<1x1x128x16xf32, #tpu.memory_space<vmem>> -> memref<128x16xf32, #tpu.memory_space<vmem>>
        %dma_start3A_231 = arith.constant 0 : i32
        %dma_start3A_232 = tpu.memref_slice %arg8[%rem3A_162, %run_scoped3A_213, %dma_start3A_231] : memref<2x4x128xi32, #tpu.memory_space<vmem>> -> memref<1x1x128xi32, #tpu.memory_space<vmem>>
        %dma_start3A_233 = tpu.memref_squeeze %dma_start3A_232 : memref<1x1x128xi32, #tpu.memory_space<vmem>> -> memref<128xi32, #tpu.memory_space<vmem>>
        %dma_start3A_234 = arith.constant 0 : i32
        %dma_start3A_235 = arith.constant 0 : i32
        %dma_start3A_236 = tpu.memref_slice %arg6[%dma_start3A_234, %dma_start3A_235] : memref<100352x16xf32, #tpu.memory_space<vmem_shared>> -> memref<100352x16xf32, #tpu.memory_space<vmem_shared>>
        tpu.enqueue_indirect_dma source(%dma_start3A_230 : memref<128x16xf32, #tpu.memory_space<vmem>>) target(%dma_start3A_236 : memref<100352x16xf32, #tpu.memory_space<vmem_shared>>) offsets(%dma_start3A_233 : memref<128xi32, #tpu.memory_space<vmem>>) semaphore(%run_scoped3A_226 : memref<!tpu.dma_semaphore, #tpu.memory_space<semaphore_mem>>) {add = true}
        %dma_wait3A_237 = arith.constant 0 : i32
        %dma_wait3A_238 = arith.constant 0 : i32
        %dma_wait3A_239 = tpu.memref_slice %arg9[%rem3A_162, %run_scoped3A, %dma_wait3A_237, %dma_wait3A_238] : memref<2x4x128x16xf32, #tpu.memory_space<vmem>> -> memref<1x1x128x16xf32, #tpu.memory_space<vmem>>
        %dma_wait3A_240 = tpu.memref_squeeze %dma_wait3A_239 : memref<1x1x128x16xf32, #tpu.memory_space<vmem>> -> memref<128x16xf32, #tpu.memory_space<vmem>>
        %dma_wait3A_241 = arith.constant 0 : i32
        %dma_wait3A_242 = tpu.memref_slice %arg8[%rem3A_162, %run_scoped3A_213, %dma_wait3A_241] : memref<2x4x128xi32, #tpu.memory_space<vmem>> -> memref<1x1x128xi32, #tpu.memory_space<vmem>>
        %dma_wait3A_243 = tpu.memref_squeeze %dma_wait3A_242 : memref<1x1x128xi32, #tpu.memory_space<vmem>> -> memref<128xi32, #tpu.memory_space<vmem>>
        %dma_wait3A_244 = arith.constant 0 : i32
        %dma_wait3A_245 = arith.constant 0 : i32
        %dma_wait3A_246 = tpu.memref_slice %arg6[%dma_wait3A_244, %dma_wait3A_245] : memref<100352x16xf32, #tpu.memory_space<vmem_shared>> -> memref<100352x16xf32, #tpu.memory_space<vmem_shared>>
        tpu.wait_indirect_dma semaphore(%run_scoped3A_226 : memref<!tpu.dma_semaphore, #tpu.memory_space<semaphore_mem>>) src(%dma_wait3A_240 : memref<128x16xf32, #tpu.memory_space<vmem>>) dst(%dma_wait3A_246 : memref<100352x16xf32, #tpu.memory_space<vmem_shared>>)
        tpu.yield
      }) : () -> ()
      %run_scoped3A_214 = arith.constant 1 : i32
      %run_scoped3A_215 = arith.constant 1 : i32
      "tpu.region"() ({
        %run_scoped3A_226 = tpu.sem_alloc : memref<!tpu.dma_semaphore, #tpu.memory_space<semaphore_mem>>
        %dma_start3A_227 = arith.constant 0 : i32
        %dma_start3A_228 = arith.constant 0 : i32
        %dma_start3A_229 = tpu.memref_slice %arg9[%rem3A_162, %run_scoped3A_214, %dma_start3A_227, %dma_start3A_228] : memref<2x4x128x16xf32, #tpu.memory_space<vmem>> -> memref<1x1x128x16xf32, #tpu.memory_space<vmem>>
        %dma_start3A_230 = tpu.memref_squeeze %dma_start3A_229 : memref<1x1x128x16xf32, #tpu.memory_space<vmem>> -> memref<128x16xf32, #tpu.memory_space<vmem>>
        %dma_start3A_231 = arith.constant 0 : i32
        %dma_start3A_232 = tpu.memref_slice %arg8[%rem3A_162, %run_scoped3A_215, %dma_start3A_231] : memref<2x4x128xi32, #tpu.memory_space<vmem>> -> memref<1x1x128xi32, #tpu.memory_space<vmem>>
        %dma_start3A_233 = tpu.memref_squeeze %dma_start3A_232 : memref<1x1x128xi32, #tpu.memory_space<vmem>> -> memref<128xi32, #tpu.memory_space<vmem>>
        %dma_start3A_234 = arith.constant 0 : i32
        %dma_start3A_235 = arith.constant 0 : i32
        %dma_start3A_236 = tpu.memref_slice %arg6[%dma_start3A_234, %dma_start3A_235] : memref<100352x16xf32, #tpu.memory_space<vmem_shared>> -> memref<100352x16xf32, #tpu.memory_space<vmem_shared>>
        tpu.enqueue_indirect_dma source(%dma_start3A_230 : memref<128x16xf32, #tpu.memory_space<vmem>>) target(%dma_start3A_236 : memref<100352x16xf32, #tpu.memory_space<vmem_shared>>) offsets(%dma_start3A_233 : memref<128xi32, #tpu.memory_space<vmem>>) semaphore(%run_scoped3A_226 : memref<!tpu.dma_semaphore, #tpu.memory_space<semaphore_mem>>) {add = true}
        %dma_wait3A_237 = arith.constant 0 : i32
        %dma_wait3A_238 = arith.constant 0 : i32
        %dma_wait3A_239 = tpu.memref_slice %arg9[%rem3A_162, %run_scoped3A_214, %dma_wait3A_237, %dma_wait3A_238] : memref<2x4x128x16xf32, #tpu.memory_space<vmem>> -> memref<1x1x128x16xf32, #tpu.memory_space<vmem>>
        %dma_wait3A_240 = tpu.memref_squeeze %dma_wait3A_239 : memref<1x1x128x16xf32, #tpu.memory_space<vmem>> -> memref<128x16xf32, #tpu.memory_space<vmem>>
        %dma_wait3A_241 = arith.constant 0 : i32
        %dma_wait3A_242 = tpu.memref_slice %arg8[%rem3A_162, %run_scoped3A_215, %dma_wait3A_241] : memref<2x4x128xi32, #tpu.memory_space<vmem>> -> memref<1x1x128xi32, #tpu.memory_space<vmem>>
        %dma_wait3A_243 = tpu.memref_squeeze %dma_wait3A_242 : memref<1x1x128xi32, #tpu.memory_space<vmem>> -> memref<128xi32, #tpu.memory_space<vmem>>
        %dma_wait3A_244 = arith.constant 0 : i32
        %dma_wait3A_245 = arith.constant 0 : i32
        %dma_wait3A_246 = tpu.memref_slice %arg6[%dma_wait3A_244, %dma_wait3A_245] : memref<100352x16xf32, #tpu.memory_space<vmem_shared>> -> memref<100352x16xf32, #tpu.memory_space<vmem_shared>>
        tpu.wait_indirect_dma semaphore(%run_scoped3A_226 : memref<!tpu.dma_semaphore, #tpu.memory_space<semaphore_mem>>) src(%dma_wait3A_240 : memref<128x16xf32, #tpu.memory_space<vmem>>) dst(%dma_wait3A_246 : memref<100352x16xf32, #tpu.memory_space<vmem_shared>>)
        tpu.yield
      }) : () -> ()
      %run_scoped3A_216 = arith.constant 2 : i32
      %run_scoped3A_217 = arith.constant 2 : i32
      "tpu.region"() ({
        %run_scoped3A_226 = tpu.sem_alloc : memref<!tpu.dma_semaphore, #tpu.memory_space<semaphore_mem>>
        %dma_start3A_227 = arith.constant 0 : i32
        %dma_start3A_228 = arith.constant 0 : i32
        %dma_start3A_229 = tpu.memref_slice %arg9[%rem3A_162, %run_scoped3A_216, %dma_start3A_227, %dma_start3A_228] : memref<2x4x128x16xf32, #tpu.memory_space<vmem>> -> memref<1x1x128x16xf32, #tpu.memory_space<vmem>>
        %dma_start3A_230 = tpu.memref_squeeze %dma_start3A_229 : memref<1x1x128x16xf32, #tpu.memory_space<vmem>> -> memref<128x16xf32, #tpu.memory_space<vmem>>
        %dma_start3A_231 = arith.constant 0 : i32
        %dma_start3A_232 = tpu.memref_slice %arg8[%rem3A_162, %run_scoped3A_217, %dma_start3A_231] : memref<2x4x128xi32, #tpu.memory_space<vmem>> -> memref<1x1x128xi32, #tpu.memory_space<vmem>>
        %dma_start3A_233 = tpu.memref_squeeze %dma_start3A_232 : memref<1x1x128xi32, #tpu.memory_space<vmem>> -> memref<128xi32, #tpu.memory_space<vmem>>
        %dma_start3A_234 = arith.constant 0 : i32
        %dma_start3A_235 = arith.constant 0 : i32
        %dma_start3A_236 = tpu.memref_slice %arg6[%dma_start3A_234, %dma_start3A_235] : memref<100352x16xf32, #tpu.memory_space<vmem_shared>> -> memref<100352x16xf32, #tpu.memory_space<vmem_shared>>
        tpu.enqueue_indirect_dma source(%dma_start3A_230 : memref<128x16xf32, #tpu.memory_space<vmem>>) target(%dma_start3A_236 : memref<100352x16xf32, #tpu.memory_space<vmem_shared>>) offsets(%dma_start3A_233 : memref<128xi32, #tpu.memory_space<vmem>>) semaphore(%run_scoped3A_226 : memref<!tpu.dma_semaphore, #tpu.memory_space<semaphore_mem>>) {add = true}
        %dma_wait3A_237 = arith.constant 0 : i32
        %dma_wait3A_238 = arith.constant 0 : i32
        %dma_wait3A_239 = tpu.memref_slice %arg9[%rem3A_162, %run_scoped3A_216, %dma_wait3A_237, %dma_wait3A_238] : memref<2x4x128x16xf32, #tpu.memory_space<vmem>> -> memref<1x1x128x16xf32, #tpu.memory_space<vmem>>
        %dma_wait3A_240 = tpu.memref_squeeze %dma_wait3A_239 : memref<1x1x128x16xf32, #tpu.memory_space<vmem>> -> memref<128x16xf32, #tpu.memory_space<vmem>>
        %dma_wait3A_241 = arith.constant 0 : i32
        %dma_wait3A_242 = tpu.memref_slice %arg8[%rem3A_162, %run_scoped3A_217, %dma_wait3A_241] : memref<2x4x128xi32, #tpu.memory_space<vmem>> -> memref<1x1x128xi32, #tpu.memory_space<vmem>>
        %dma_wait3A_243 = tpu.memref_squeeze %dma_wait3A_242 : memref<1x1x128xi32, #tpu.memory_space<vmem>> -> memref<128xi32, #tpu.memory_space<vmem>>
        %dma_wait3A_244 = arith.constant 0 : i32
        %dma_wait3A_245 = arith.constant 0 : i32
        %dma_wait3A_246 = tpu.memref_slice %arg6[%dma_wait3A_244, %dma_wait3A_245] : memref<100352x16xf32, #tpu.memory_space<vmem_shared>> -> memref<100352x16xf32, #tpu.memory_space<vmem_shared>>
        tpu.wait_indirect_dma semaphore(%run_scoped3A_226 : memref<!tpu.dma_semaphore, #tpu.memory_space<semaphore_mem>>) src(%dma_wait3A_240 : memref<128x16xf32, #tpu.memory_space<vmem>>) dst(%dma_wait3A_246 : memref<100352x16xf32, #tpu.memory_space<vmem_shared>>)
        tpu.yield
      }) : () -> ()
      %run_scoped3A_218 = arith.constant 3 : i32
      %run_scoped3A_219 = arith.constant 3 : i32
      "tpu.region"() ({
        %run_scoped3A_226 = tpu.sem_alloc : memref<!tpu.dma_semaphore, #tpu.memory_space<semaphore_mem>>
        %dma_start3A_227 = arith.constant 0 : i32
        %dma_start3A_228 = arith.constant 0 : i32
        %dma_start3A_229 = tpu.memref_slice %arg9[%rem3A_162, %run_scoped3A_218, %dma_start3A_227, %dma_start3A_228] : memref<2x4x128x16xf32, #tpu.memory_space<vmem>> -> memref<1x1x128x16xf32, #tpu.memory_space<vmem>>
        %dma_start3A_230 = tpu.memref_squeeze %dma_start3A_229 : memref<1x1x128x16xf32, #tpu.memory_space<vmem>> -> memref<128x16xf32, #tpu.memory_space<vmem>>
        %dma_start3A_231 = arith.constant 0 : i32
        %dma_start3A_232 = tpu.memref_slice %arg8[%rem3A_162, %run_scoped3A_219, %dma_start3A_231] : memref<2x4x128xi32, #tpu.memory_space<vmem>> -> memref<1x1x128xi32, #tpu.memory_space<vmem>>
        %dma_start3A_233 = tpu.memref_squeeze %dma_start3A_232 : memref<1x1x128xi32, #tpu.memory_space<vmem>> -> memref<128xi32, #tpu.memory_space<vmem>>
        %dma_start3A_234 = arith.constant 0 : i32
        %dma_start3A_235 = arith.constant 0 : i32
        %dma_start3A_236 = tpu.memref_slice %arg6[%dma_start3A_234, %dma_start3A_235] : memref<100352x16xf32, #tpu.memory_space<vmem_shared>> -> memref<100352x16xf32, #tpu.memory_space<vmem_shared>>
        tpu.enqueue_indirect_dma source(%dma_start3A_230 : memref<128x16xf32, #tpu.memory_space<vmem>>) target(%dma_start3A_236 : memref<100352x16xf32, #tpu.memory_space<vmem_shared>>) offsets(%dma_start3A_233 : memref<128xi32, #tpu.memory_space<vmem>>) semaphore(%run_scoped3A_226 : memref<!tpu.dma_semaphore, #tpu.memory_space<semaphore_mem>>) {add = true}
        %dma_wait3A_237 = arith.constant 0 : i32
        %dma_wait3A_238 = arith.constant 0 : i32
        %dma_wait3A_239 = tpu.memref_slice %arg9[%rem3A_162, %run_scoped3A_218, %dma_wait3A_237, %dma_wait3A_238] : memref<2x4x128x16xf32, #tpu.memory_space<vmem>> -> memref<1x1x128x16xf32, #tpu.memory_space<vmem>>
        %dma_wait3A_240 = tpu.memref_squeeze %dma_wait3A_239 : memref<1x1x128x16xf32, #tpu.memory_space<vmem>> -> memref<128x16xf32, #tpu.memory_space<vmem>>
        %dma_wait3A_241 = arith.constant 0 : i32
        %dma_wait3A_242 = tpu.memref_slice %arg8[%rem3A_162, %run_scoped3A_219, %dma_wait3A_241] : memref<2x4x128xi32, #tpu.memory_space<vmem>> -> memref<1x1x128xi32, #tpu.memory_space<vmem>>
        %dma_wait3A_243 = tpu.memref_squeeze %dma_wait3A_242 : memref<1x1x128xi32, #tpu.memory_space<vmem>> -> memref<128xi32, #tpu.memory_space<vmem>>
        %dma_wait3A_244 = arith.constant 0 : i32
        %dma_wait3A_245 = arith.constant 0 : i32
        %dma_wait3A_246 = tpu.memref_slice %arg6[%dma_wait3A_244, %dma_wait3A_245] : memref<100352x16xf32, #tpu.memory_space<vmem_shared>> -> memref<100352x16xf32, #tpu.memory_space<vmem_shared>>
        tpu.wait_indirect_dma semaphore(%run_scoped3A_226 : memref<!tpu.dma_semaphore, #tpu.memory_space<semaphore_mem>>) src(%dma_wait3A_240 : memref<128x16xf32, #tpu.memory_space<vmem>>) dst(%dma_wait3A_246 : memref<100352x16xf32, #tpu.memory_space<vmem_shared>>)
        tpu.yield
      }) : () -> ()
      %lt3A_220 = arith.constant 194 : i32
      %lt3A_221 = arith.cmpi slt, %scan3A_160, %lt3A_220 : i32
      %convert_element_type3A_222 = arith.extui %lt3A_221 : i1 to i32
      %cond3A_223 = arith.constant 0 : i32
      %cond3A_224 = arith.cmpi ne, %convert_element_type3A_222, %cond3A_223 : i32
      scf.if %cond3A_224 {
        %add3A_226 = arith.constant 2 : i32
        %add3A_227 = arith.addi %scan3A_160, %add3A_226 : i32
        %mul3A_228 = arith.constant 4 : i32
        %mul3A_229 = arith.muli %add3A_227, %mul3A_228 : i32
        %add3A_230 = arith.addi %mul3A_17, %mul3A_229 : i32
        %dma_start3A_231 = arith.constant 0 : i32
        %dma_start3A_232 = arith.constant 0 : i32
        %dma_start3A_233 = tpu.memref_slice %arg7[%rem3A_162, %dma_start3A_231, %dma_start3A_232] : memref<2x4x128xi32, #tpu.memory_space<vmem>> -> memref<1x4x128xi32, #tpu.memory_space<vmem>>
        %dma_start3A_234 = tpu.memref_squeeze %dma_start3A_233 : memref<1x4x128xi32, #tpu.memory_space<vmem>> -> memref<4x128xi32, #tpu.memory_space<vmem>>
        %dma_start3A_235 = arith.constant 0 : i32
        %dma_start3A_236 = tpu.memref_slice %arg3[%add3A_230, %dma_start3A_235] : memref<25088x128xi32, #tpu.memory_space<hbm>> -> memref<4x128xi32, #tpu.memory_space<hbm>>
        %dma_start3A_237 = arith.constant 0 : i32
        %dma_start3A_238 = arith.constant 0 : i32
        %dma_start3A_239 = tpu.memref_slice %arg7[%rem3A_162, %dma_start3A_237, %dma_start3A_238] : memref<2x4x128xi32, #tpu.memory_space<vmem>> -> memref<1x4x128xi32, #tpu.memory_space<vmem>>
        %dma_start3A_240 = tpu.memref_squeeze %dma_start3A_239 : memref<1x4x128xi32, #tpu.memory_space<vmem>> -> memref<4x128xi32, #tpu.memory_space<vmem>>
        %dma_start3A_241 = arith.constant 0 : i32
        %dma_start3A_242 = tpu.memref_slice %arg3[%add3A_230, %dma_start3A_241] : memref<25088x128xi32, #tpu.memory_space<hbm>> -> memref<4x128xi32, #tpu.memory_space<hbm>>
        tpu.enqueue_dma source(%dma_start3A_242 : memref<4x128xi32, #tpu.memory_space<hbm>>) target(%dma_start3A_240 : memref<4x128xi32, #tpu.memory_space<vmem>>) target_semaphore(%arg12 : memref<!tpu.dma_semaphore, #tpu.memory_space<semaphore_mem>>)
        %dma_start3A_243 = arith.constant 0 : i32
        %dma_start3A_244 = arith.constant 0 : i32
        %dma_start3A_245 = tpu.memref_slice %arg8[%rem3A_162, %dma_start3A_243, %dma_start3A_244] : memref<2x4x128xi32, #tpu.memory_space<vmem>> -> memref<1x4x128xi32, #tpu.memory_space<vmem>>
        %dma_start3A_246 = tpu.memref_squeeze %dma_start3A_245 : memref<1x4x128xi32, #tpu.memory_space<vmem>> -> memref<4x128xi32, #tpu.memory_space<vmem>>
        %dma_start3A_247 = arith.constant 0 : i32
        %dma_start3A_248 = tpu.memref_slice %arg4[%add3A_230, %dma_start3A_247] : memref<25088x128xi32, #tpu.memory_space<hbm>> -> memref<4x128xi32, #tpu.memory_space<hbm>>
        %dma_start3A_249 = arith.constant 0 : i32
        %dma_start3A_250 = arith.constant 0 : i32
        %dma_start3A_251 = tpu.memref_slice %arg8[%rem3A_162, %dma_start3A_249, %dma_start3A_250] : memref<2x4x128xi32, #tpu.memory_space<vmem>> -> memref<1x4x128xi32, #tpu.memory_space<vmem>>
        %dma_start3A_252 = tpu.memref_squeeze %dma_start3A_251 : memref<1x4x128xi32, #tpu.memory_space<vmem>> -> memref<4x128xi32, #tpu.memory_space<vmem>>
        %dma_start3A_253 = arith.constant 0 : i32
        %dma_start3A_254 = tpu.memref_slice %arg4[%add3A_230, %dma_start3A_253] : memref<25088x128xi32, #tpu.memory_space<hbm>> -> memref<4x128xi32, #tpu.memory_space<hbm>>
        tpu.enqueue_dma source(%dma_start3A_254 : memref<4x128xi32, #tpu.memory_space<hbm>>) target(%dma_start3A_252 : memref<4x128xi32, #tpu.memory_space<vmem>>) target_semaphore(%arg12 : memref<!tpu.dma_semaphore, #tpu.memory_space<semaphore_mem>>)
      } else {
      }
      %scan3A_225 = arith.constant 0 : i32
      scf.yield %scan3A_225 : i32
    }
    %scan3A_158 = arith.constant 196 : i32
    %barrier3A_159 = arith.constant 0 : index
    tpu.barrier barrier_id(%barrier3A_159)
    "tpu.region"() ({
      %run_scoped3A = tpu.sem_alloc : memref<!tpu.dma_semaphore, #tpu.memory_space<semaphore_mem>>
      %dma_start3A_160 = arith.constant 0 : i32
      %dma_start3A_161 = tpu.memref_slice %arg5[%arg0, %mul3A_8, %dma_start3A_160] : memref<2x100352x16xf32, #tpu.memory_space<hbm>> -> memref<1x6272x16xf32, #tpu.memory_space<hbm>>
      %dma_start3A_162 = tpu.memref_squeeze %dma_start3A_161 : memref<1x6272x16xf32, #tpu.memory_space<hbm>> -> memref<6272x16xf32, #tpu.memory_space<hbm>>
      %dma_start3A_163 = arith.constant 0 : i32
      %dma_start3A_164 = tpu.memref_slice %arg6[%mul3A_8, %dma_start3A_163] : memref<100352x16xf32, #tpu.memory_space<vmem_shared>> -> memref<6272x16xf32, #tpu.memory_space<vmem_shared>>
      tpu.enqueue_dma source(%dma_start3A_164 : memref<6272x16xf32, #tpu.memory_space<vmem_shared>>) target(%dma_start3A_162 : memref<6272x16xf32, #tpu.memory_space<hbm>>) target_semaphore(%run_scoped3A : memref<!tpu.dma_semaphore, #tpu.memory_space<semaphore_mem>>)
      %dma_wait3A_165 = arith.constant 0 : i32
      %dma_wait3A_166 = tpu.memref_slice %arg5[%arg0, %mul3A_8, %dma_wait3A_165] : memref<2x100352x16xf32, #tpu.memory_space<hbm>> -> memref<1x6272x16xf32, #tpu.memory_space<hbm>>
      %dma_wait3A_167 = tpu.memref_squeeze %dma_wait3A_166 : memref<1x6272x16xf32, #tpu.memory_space<hbm>> -> memref<6272x16xf32, #tpu.memory_space<hbm>>
      %dma_wait3A_168 = arith.constant 0 : i32
      %dma_wait3A_169 = tpu.memref_slice %arg6[%mul3A_8, %dma_wait3A_168] : memref<100352x16xf32, #tpu.memory_space<vmem_shared>> -> memref<6272x16xf32, #tpu.memory_space<vmem_shared>>
      tpu.wait_dma2 semaphore(%run_scoped3A : memref<!tpu.dma_semaphore, #tpu.memory_space<semaphore_mem>>) src(%dma_wait3A_169 : memref<6272x16xf32, #tpu.memory_space<vmem_shared>>) dst(%dma_wait3A_167 : memref<6272x16xf32, #tpu.memory_space<hbm>>)
      tpu.yield
    }) : () -> ()
    return
  }
}

module attributes {stable_mosaic.version = 14 : i64} {
  func.func @_tc_a_body(%arg0: i32, %arg1: memref<1024x128xf32, #tpu.memory_space<vmem>>, %arg2: memref<128x16xf32, #tpu.memory_space<vmem>>, %arg3: memref<2x1024xf32, #tpu.memory_space<vmem>>, %arg4: memref<1024x16xf32, #tpu.memory_space<vmem>>) attributes {dimension_semantics = [#tpu.dimension_semantics<arbitrary>], iteration_bounds = array<i64: 98>, scalar_prefetch = 0 : i64, scratch_operands = 0 : i64, tpu.core_type = #tpu.core_type<tc>, window_params = [{transform_indices = @transform_0, window_bounds = array<i64: 1024, 128>}, {pipeline_mode = #tpu.pipeline_mode<synchronous>, transform_indices = @transform_1, window_bounds = array<i64: 128, 16>}, {transform_indices = @transform_2, window_bounds = array<i64: 2, 1024>}, {transform_indices = @transform_3, window_bounds = array<i64: 1024, 16>}]} {
    %get3A = arith.constant 0 : index
    %get3A_0 = arith.constant 0 : index
    %get3A_1 = vector.load %arg1[%get3A, %get3A_0] : memref<1024x128xf32, #tpu.memory_space<vmem>>, vector<1024x128xf32>
    %get3A_2 = arith.constant 0 : index
    %get3A_3 = arith.constant 0 : index
    %get3A_4 = vector.load %arg2[%get3A_2, %get3A_3] : memref<128x16xf32, #tpu.memory_space<vmem>>, vector<128x16xf32>
    %dot_general3A = arith.constant dense<0.000000e+00> : vector<1024x16xf32>
    %dot_general3A_5 = tpu.matmul %get3A_1, %get3A_4, %dot_general3A {dimension_numbers = #tpu.dot_dimension_numbers<[1], [0], [0], [1], [0, 0, 1, 1], [], []>, transpose_lhs_hint = false} : vector<1024x128xf32>, vector<128x16xf32>, vector<1024x16xf32> -> vector<1024x16xf32>
    %get3A_6 = arith.constant 0 : index
    %get3A_7 = arith.constant 0 : index
    %get3A_8 = vector.load %arg3[%get3A_6, %get3A_7] : memref<2x1024xf32, #tpu.memory_space<vmem>>, vector<1x1024xf32>
    %get3A_9 = vector.shape_cast %get3A_8 : vector<1x1024xf32> to vector<1024xf32>
    %get3A_10 = arith.constant 1 : index
    %get3A_11 = arith.constant 0 : index
    %get3A_12 = vector.load %arg3[%get3A_10, %get3A_11] : memref<2x1024xf32, #tpu.memory_space<vmem>>, vector<1x1024xf32>
    %get3A_13 = vector.shape_cast %get3A_12 : vector<1x1024xf32> to vector<1024xf32>
    %add3A = arith.addf %get3A_9, %get3A_13 : vector<1024xf32>
    %add3A_14 = arith.constant 1.000000e+00 : f32
    %add3A_15 = vector.broadcast %add3A_14 : f32 to vector<1024xf32>
    %add3A_16 = arith.addf %add3A, %add3A_15 : vector<1024xf32>
    %rsqrt3A = math.rsqrt %add3A_16 : vector<1024xf32>
    %broadcast_in_dim3A = vector.shape_cast %rsqrt3A : vector<1024xf32> to vector<1024x1xf32>
    %mul3A = vector.broadcast %broadcast_in_dim3A : vector<1024x1xf32> to vector<1024x16xf32>
    %mul3A_17 = arith.mulf %dot_general3A_5, %mul3A : vector<1024x16xf32>
    %swap3A = arith.constant 0 : index
    %swap3A_18 = arith.constant 0 : index
    %swap3A_19 = vector.load %arg4[%swap3A, %swap3A_18] : memref<1024x16xf32, #tpu.memory_space<vmem>>, vector<1024x16xf32>
    tpu.vector_store %arg4[%swap3A, %swap3A_18], %mul3A_17 {strides = array<i32>} : memref<1024x16xf32, #tpu.memory_space<vmem>>, vector<1024x16xf32>,
    return
  }
  func.func @transform_0(%arg0: i32) -> (i32, i32) {
    %c0_i32 = arith.constant 0 : i32
    %c0_i32_0 = arith.constant 0 : i32
    return %arg0, %c0_i32 : i32, i32
  }
  func.func @transform_1(%arg0: i32) -> (i32, i32) {
    %c0_i32 = arith.constant 0 : i32
    %c0_i32_0 = arith.constant 0 : i32
    %c0_i32_1 = arith.constant 0 : i32
    return %c0_i32, %c0_i32_0 : i32, i32
  }
  func.func @transform_2(%arg0: i32) -> (i32, i32) {
    %c0_i32 = arith.constant 0 : i32
    %c0_i32_0 = arith.constant 0 : i32
    return %c0_i32, %arg0 : i32, i32
  }
  func.func @transform_3(%arg0: i32) -> (i32, i32) {
    %c0_i32 = arith.constant 0 : i32
    %c0_i32_0 = arith.constant 0 : i32
    return %arg0, %c0_i32 : i32, i32
  }
}

module attributes {stable_mosaic.version = 14 : i64} {
  func.func @_tc_b_body(%arg0: i32, %arg1: memref<2x1024x16xf32, #tpu.memory_space<vmem>>, %arg2: memref<1024x16xf32, #tpu.memory_space<vmem>>, %arg3: memref<2x1024xf32, #tpu.memory_space<vmem>>, %arg4: memref<1x16xf32, #tpu.memory_space<vmem>>, %arg5: memref<16x16xf32, #tpu.memory_space<vmem>>, %arg6: memref<1024x16xf32, #tpu.memory_space<vmem>>) attributes {dimension_semantics = [#tpu.dimension_semantics<arbitrary>], iteration_bounds = array<i64: 98>, scalar_prefetch = 0 : i64, scratch_operands = 0 : i64, tpu.core_type = #tpu.core_type<tc>, window_params = [{transform_indices = @transform_0, window_bounds = array<i64: 2, 1024, 16>}, {transform_indices = @transform_1, window_bounds = array<i64: 1024, 16>}, {transform_indices = @transform_2, window_bounds = array<i64: 2, 1024>}, {pipeline_mode = #tpu.pipeline_mode<synchronous>, transform_indices = @transform_3, window_bounds = array<i64: 1, 16>}, {pipeline_mode = #tpu.pipeline_mode<synchronous>, transform_indices = @transform_4, window_bounds = array<i64: 16, 16>}, {transform_indices = @transform_5, window_bounds = array<i64: 1024, 16>}]} {
    %get3A = arith.constant 0 : index
    %get3A_0 = arith.constant 0 : index
    %get3A_1 = vector.load %arg3[%get3A, %get3A_0] : memref<2x1024xf32, #tpu.memory_space<vmem>>, vector<1x1024xf32>
    %get3A_2 = vector.shape_cast %get3A_1 : vector<1x1024xf32> to vector<1024xf32>
    %get3A_3 = arith.constant 1 : index
    %get3A_4 = arith.constant 0 : index
    %get3A_5 = vector.load %arg3[%get3A_3, %get3A_4] : memref<2x1024xf32, #tpu.memory_space<vmem>>, vector<1x1024xf32>
    %get3A_6 = vector.shape_cast %get3A_5 : vector<1x1024xf32> to vector<1024xf32>
    %add3A = arith.addf %get3A_2, %get3A_6 : vector<1024xf32>
    %add3A_7 = arith.constant 1.000000e+00 : f32
    %add3A_8 = vector.broadcast %add3A_7 : f32 to vector<1024xf32>
    %add3A_9 = arith.addf %add3A, %add3A_8 : vector<1024xf32>
    %rsqrt3A = math.rsqrt %add3A_9 : vector<1024xf32>
    %get3A_10 = arith.constant 0 : index
    %get3A_11 = arith.constant 0 : index
    %get3A_12 = arith.constant 0 : index
    %get3A_13 = vector.load %arg1[%get3A_10, %get3A_11, %get3A_12] : memref<2x1024x16xf32, #tpu.memory_space<vmem>>, vector<1x1024x16xf32>
    %get3A_14 = vector.shape_cast %get3A_13 : vector<1x1024x16xf32> to vector<1024x16xf32>
    %get3A_15 = arith.constant 1 : index
    %get3A_16 = arith.constant 0 : index
    %get3A_17 = arith.constant 0 : index
    %get3A_18 = vector.load %arg1[%get3A_15, %get3A_16, %get3A_17] : memref<2x1024x16xf32, #tpu.memory_space<vmem>>, vector<1x1024x16xf32>
    %get3A_19 = vector.shape_cast %get3A_18 : vector<1x1024x16xf32> to vector<1024x16xf32>
    %add3A_20 = arith.addf %get3A_14, %get3A_19 : vector<1024x16xf32>
    %broadcast_in_dim3A = vector.shape_cast %rsqrt3A : vector<1024xf32> to vector<1024x1xf32>
    %get3A_21 = arith.constant 0 : index
    %get3A_22 = arith.constant 0 : index
    %get3A_23 = vector.load %arg2[%get3A_21, %get3A_22] : memref<1024x16xf32, #tpu.memory_space<vmem>>, vector<1024x16xf32>
    %add3A_24 = arith.addf %add3A_20, %get3A_23 : vector<1024x16xf32>
    %mul3A = vector.broadcast %broadcast_in_dim3A : vector<1024x1xf32> to vector<1024x16xf32>
    %mul3A_25 = arith.mulf %mul3A, %add3A_24 : vector<1024x16xf32>
    %get3A_26 = arith.constant 0 : index
    %get3A_27 = arith.constant 0 : index
    %get3A_28 = vector.load %arg4[%get3A_26, %get3A_27] : memref<1x16xf32, #tpu.memory_space<vmem>>, vector<1x16xf32>
    %add3A_29 = vector.broadcast %get3A_28 : vector<1x16xf32> to vector<1024x16xf32>
    %add3A_30 = arith.addf %mul3A_25, %add3A_29 : vector<1024x16xf32>
    %max3A = arith.constant 0.000000e+00 : f32
    %max3A_31 = vector.broadcast %max3A : f32 to vector<1024x16xf32>
    %max3A_32 = arith.maximumf %add3A_30, %max3A_31 : vector<1024x16xf32>
    %get3A_33 = arith.constant 0 : index
    %get3A_34 = arith.constant 0 : index
    %get3A_35 = vector.load %arg5[%get3A_33, %get3A_34] : memref<16x16xf32, #tpu.memory_space<vmem>>, vector<16x16xf32>
    %dot_general3A = arith.constant dense<0.000000e+00> : vector<1024x16xf32>
    %dot_general3A_36 = tpu.matmul %max3A_32, %get3A_35, %dot_general3A {dimension_numbers = #tpu.dot_dimension_numbers<[1], [0], [0], [1], [0, 0, 1, 1], [], []>, transpose_lhs_hint = false} : vector<1024x16xf32>, vector<16x16xf32>, vector<1024x16xf32> -> vector<1024x16xf32>
    %broadcast_in_dim3A_37 = vector.shape_cast %rsqrt3A : vector<1024xf32> to vector<1024x1xf32>
    %mul3A_38 = vector.broadcast %broadcast_in_dim3A_37 : vector<1024x1xf32> to vector<1024x16xf32>
    %mul3A_39 = arith.mulf %dot_general3A_36, %mul3A_38 : vector<1024x16xf32>
    %swap3A = arith.constant 0 : index
    %swap3A_40 = arith.constant 0 : index
    %swap3A_41 = vector.load %arg6[%swap3A, %swap3A_40] : memref<1024x16xf32, #tpu.memory_space<vmem>>, vector<1024x16xf32>
    tpu.vector_store %arg6[%swap3A, %swap3A_40], %mul3A_39 {strides = array<i32>} : memref<1024x16xf32, #tpu.memory_space<vmem>>, vector<1024x16xf32>,
    return
  }
  func.func @transform_0(%arg0: i32) -> (i32, i32, i32) {
    %c0_i32 = arith.constant 0 : i32
    %c0_i32_0 = arith.constant 0 : i32
    %c0_i32_1 = arith.constant 0 : i32
    return %c0_i32, %arg0, %c0_i32_0 : i32, i32, i32
  }
  func.func @transform_1(%arg0: i32) -> (i32, i32) {
    %c0_i32 = arith.constant 0 : i32
    %c0_i32_0 = arith.constant 0 : i32
    return %arg0, %c0_i32 : i32, i32
  }
  func.func @transform_2(%arg0: i32) -> (i32, i32) {
    %c0_i32 = arith.constant 0 : i32
    %c0_i32_0 = arith.constant 0 : i32
    return %c0_i32, %arg0 : i32, i32
  }
  func.func @transform_3(%arg0: i32) -> (i32, i32) {
    %c0_i32 = arith.constant 0 : i32
    %c0_i32_0 = arith.constant 0 : i32
    %c0_i32_1 = arith.constant 0 : i32
    return %c0_i32, %c0_i32_0 : i32, i32
  }
  func.func @transform_4(%arg0: i32) -> (i32, i32) {
    %c0_i32 = arith.constant 0 : i32
    %c0_i32_0 = arith.constant 0 : i32
    %c0_i32_1 = arith.constant 0 : i32
    return %c0_i32, %c0_i32_0 : i32, i32
  }
  func.func @transform_5(%arg0: i32) -> (i32, i32) {
    %c0_i32 = arith.constant 0 : i32
    %c0_i32_0 = arith.constant 0 : i32
    return %arg0, %c0_i32 : i32, i32
  }
}

module attributes {stable_mosaic.version = 14 : i64} {
  func.func @_tc_c_body(%arg0: i32, %arg1: memref<2x1024x16xf32, #tpu.memory_space<vmem>>, %arg2: memref<1024x16xf32, #tpu.memory_space<vmem>>, %arg3: memref<2x1024xf32, #tpu.memory_space<vmem>>, %arg4: memref<1x16xf32, #tpu.memory_space<vmem>>, %arg5: memref<1024x16xf32, #tpu.memory_space<vmem>>) attributes {dimension_semantics = [#tpu.dimension_semantics<arbitrary>], iteration_bounds = array<i64: 98>, scalar_prefetch = 0 : i64, scratch_operands = 0 : i64, tpu.core_type = #tpu.core_type<tc>, window_params = [{transform_indices = @transform_0, window_bounds = array<i64: 2, 1024, 16>}, {transform_indices = @transform_1, window_bounds = array<i64: 1024, 16>}, {transform_indices = @transform_2, window_bounds = array<i64: 2, 1024>}, {pipeline_mode = #tpu.pipeline_mode<synchronous>, transform_indices = @transform_3, window_bounds = array<i64: 1, 16>}, {transform_indices = @transform_4, window_bounds = array<i64: 1024, 16>}]} {
    %get3A = arith.constant 0 : index
    %get3A_0 = arith.constant 0 : index
    %get3A_1 = vector.load %arg3[%get3A, %get3A_0] : memref<2x1024xf32, #tpu.memory_space<vmem>>, vector<1x1024xf32>
    %get3A_2 = vector.shape_cast %get3A_1 : vector<1x1024xf32> to vector<1024xf32>
    %get3A_3 = arith.constant 1 : index
    %get3A_4 = arith.constant 0 : index
    %get3A_5 = vector.load %arg3[%get3A_3, %get3A_4] : memref<2x1024xf32, #tpu.memory_space<vmem>>, vector<1x1024xf32>
    %get3A_6 = vector.shape_cast %get3A_5 : vector<1x1024xf32> to vector<1024xf32>
    %add3A = arith.addf %get3A_2, %get3A_6 : vector<1024xf32>
    %add3A_7 = arith.constant 1.000000e+00 : f32
    %add3A_8 = vector.broadcast %add3A_7 : f32 to vector<1024xf32>
    %add3A_9 = arith.addf %add3A, %add3A_8 : vector<1024xf32>
    %rsqrt3A = math.rsqrt %add3A_9 : vector<1024xf32>
    %broadcast_in_dim3A = vector.shape_cast %rsqrt3A : vector<1024xf32> to vector<1024x1xf32>
    %get3A_10 = arith.constant 0 : index
    %get3A_11 = arith.constant 0 : index
    %get3A_12 = arith.constant 0 : index
    %get3A_13 = vector.load %arg1[%get3A_10, %get3A_11, %get3A_12] : memref<2x1024x16xf32, #tpu.memory_space<vmem>>, vector<1x1024x16xf32>
    %get3A_14 = vector.shape_cast %get3A_13 : vector<1x1024x16xf32> to vector<1024x16xf32>
    %get3A_15 = arith.constant 1 : index
    %get3A_16 = arith.constant 0 : index
    %get3A_17 = arith.constant 0 : index
    %get3A_18 = vector.load %arg1[%get3A_15, %get3A_16, %get3A_17] : memref<2x1024x16xf32, #tpu.memory_space<vmem>>, vector<1x1024x16xf32>
    %get3A_19 = vector.shape_cast %get3A_18 : vector<1x1024x16xf32> to vector<1024x16xf32>
    %add3A_20 = arith.addf %get3A_14, %get3A_19 : vector<1024x16xf32>
    %get3A_21 = arith.constant 0 : index
    %get3A_22 = arith.constant 0 : index
    %get3A_23 = vector.load %arg2[%get3A_21, %get3A_22] : memref<1024x16xf32, #tpu.memory_space<vmem>>, vector<1024x16xf32>
    %add3A_24 = arith.addf %add3A_20, %get3A_23 : vector<1024x16xf32>
    %mul3A = vector.broadcast %broadcast_in_dim3A : vector<1024x1xf32> to vector<1024x16xf32>
    %mul3A_25 = arith.mulf %mul3A, %add3A_24 : vector<1024x16xf32>
    %get3A_26 = arith.constant 0 : index
    %get3A_27 = arith.constant 0 : index
    %get3A_28 = vector.load %arg4[%get3A_26, %get3A_27] : memref<1x16xf32, #tpu.memory_space<vmem>>, vector<1x16xf32>
    %add3A_29 = vector.broadcast %get3A_28 : vector<1x16xf32> to vector<1024x16xf32>
    %add3A_30 = arith.addf %mul3A_25, %add3A_29 : vector<1024x16xf32>
    %reduce_max3A = arith.constant dense<0xFF800000> : vector<1024xf32>
    %reduce_max3A_31 = vector.multi_reduction <maximumf>, %add3A_30, %reduce_max3A [1] : vector<1024x16xf32> to vector<1024xf32>
    %broadcast_in_dim3A_32 = vector.shape_cast %reduce_max3A_31 : vector<1024xf32> to vector<1024x1xf32>
    %sub3A = vector.broadcast %broadcast_in_dim3A_32 : vector<1024x1xf32> to vector<1024x16xf32>
    %sub3A_33 = arith.subf %add3A_30, %sub3A : vector<1024x16xf32>
    %exp3A = math.exp %sub3A_33 : vector<1024x16xf32>
    %reduce_sum3A = arith.constant dense<0.000000e+00> : vector<1024xf32>
    %reduce_sum3A_34 = vector.multi_reduction <add>, %exp3A, %reduce_sum3A [1] : vector<1024x16xf32> to vector<1024xf32>
    %broadcast_in_dim3A_35 = vector.shape_cast %reduce_sum3A_34 : vector<1024xf32> to vector<1024x1xf32>
    %log3A = math.log %broadcast_in_dim3A_35 : vector<1024x1xf32>
    %add3A_36 = arith.addf %log3A, %broadcast_in_dim3A_32 : vector<1024x1xf32>
    %sub3A_37 = vector.broadcast %add3A_36 : vector<1024x1xf32> to vector<1024x16xf32>
    %sub3A_38 = arith.subf %add3A_30, %sub3A_37 : vector<1024x16xf32>
    %swap3A = arith.constant 0 : index
    %swap3A_39 = arith.constant 0 : index
    %swap3A_40 = vector.load %arg5[%swap3A, %swap3A_39] : memref<1024x16xf32, #tpu.memory_space<vmem>>, vector<1024x16xf32>
    tpu.vector_store %arg5[%swap3A, %swap3A_39], %sub3A_38 {strides = array<i32>} : memref<1024x16xf32, #tpu.memory_space<vmem>>, vector<1024x16xf32>,
    return
  }
  func.func @transform_0(%arg0: i32) -> (i32, i32, i32) {
    %c0_i32 = arith.constant 0 : i32
    %c0_i32_0 = arith.constant 0 : i32
    %c0_i32_1 = arith.constant 0 : i32
    return %c0_i32, %arg0, %c0_i32_0 : i32, i32, i32
  }
  func.func @transform_1(%arg0: i32) -> (i32, i32) {
    %c0_i32 = arith.constant 0 : i32
    %c0_i32_0 = arith.constant 0 : i32
    return %arg0, %c0_i32 : i32, i32
  }
  func.func @transform_2(%arg0: i32) -> (i32, i32) {
    %c0_i32 = arith.constant 0 : i32
    %c0_i32_0 = arith.constant 0 : i32
    return %c0_i32, %arg0 : i32, i32
  }
  func.func @transform_3(%arg0: i32) -> (i32, i32) {
    %c0_i32 = arith.constant 0 : i32
    %c0_i32_0 = arith.constant 0 : i32
    %c0_i32_1 = arith.constant 0 : i32
    return %c0_i32, %c0_i32_0 : i32, i32
  }
  func.func @transform_4(%arg0: i32) -> (i32, i32) {
    %c0_i32 = arith.constant 0 : i32
    %c0_i32_0 = arith.constant 0 : i32
    return %arg0, %c0_i32 : i32, i32
  }
}

</mosaic_0001>

<sc_bundles>
// kernel: kernel.11.cloned.1.call-start
scs
__scs_entry_jumppad:
0x0: {  	(pc) =	sbr.rel $0x88, $3  }
0x1: {  	(tag) =	ssettag $0x0;
	lr =	simm.s32 $0x1  }
0x2: {  	[smem:$0x3F9B] =	sst lr;
	_ =	strace $0xD0000000  }
0x3: {  	_ = 	snop  }
0x4: {  	_ = 	snop  }
0x5: {  	_ = 	snop  }
0x6: {  	_ = 	snop  }
0x7: {  	_ = 	snop  }
__scs_overlays_trampoline_lowered:
0x8: {  	[smem:$0x3FAA] =	sst s0  }
0x9: {  	[smem:$0x3FAB] =	sst s1  }
0xa: {  	[smem:$0x3FAC] =	sst s2  }
0xb: {  	[smem:$0x3FAD] =	sst s3  }
0xc: {  	[smem:$0x3FAE] =	sst s4  }
0xd: {  	[smem:$0x3FAF] =	sst s5  }
0xe: {  	[smem:$0x3FB0] =	sst s6  }
0xf: {  	[smem:$0x3FB1] =	sst s7  }
0x10: {  	[smem:$0x3FB2] =	sst s8  }
0x11: {  	[smem:$0x3FB3] =	sst s9;
	s0 =	simm.s32 @!p0 $0x0  }
0x12: {  	s1 =	sld [smem:$0x3F99];
	s0 =	simm.s32 @p0 $0x1  }
0x13: {  	[smem:$0x3FB4] =	sst s0;
	s0 =	simm.s32 @!p1 $0x0  }
0x14: {  	s2 =	sld [smem:$0x3F98];
	s0 =	simm.s32 @p1 $0x1  }
0x15: {  	[smem:$0x3FB5] =	sst s0;
	s0 =	simm.s32 @!p2 $0x0  }
0x16: {  	s3 =	sld [smem:$0x3FDB];
	s0 =	simm.s32 @p2 $0x1  }
0x17: {  	s4 =	simm.s32 $0x1BF5;
	[smem:$0x3FB7] =	sst s0  }
0x18: {  	s0 =	sld [smem:$0x3F9A];
	_ =	swait.ge [sflag:s4], $0x0  }
0x19: {  	s7 =	sld [smem:$0x3F9B]  }
0x1a: {  	s8 =	sadd.s32 $0xFFFFE003, lr  }
0x1b: {  	s9 =	sadd.s32 $0xFFFFFEF7, lr;
	s5 =	simm.s32 $0xFFFFFFFF;
	p2 =	slt.u32 s8, $0xFFFFF086  }
0x1c: {  	p1 =	slt.u32 s9, $0xF7A;
	s5 =	simm.s32 @!p2 $0x0  }
0x1d: {  	s5 =	simm.s32 @p1 $0x1;
	p0 =	seq.s32 s7, s2  }
0x1e: {  	s7 =	smul.u32 @!p0 $0xF7A, s2;
	p2 =	seq.s32 @!p0 s5, $0x0  }
0x1f: {  	s9 =	smul.u32 $0xF7A, s1;
	s8 =	simm.s32 @!p0 $0x1BF5;
	p2 =	por !p2, p0  }
0x20: {  	[sflag:s8] =	ssyncset.s32 @!p0 $0xFFFFF086;
	s6 =	sadd.s32 @!p0 s3, s7;
	s7 =	simm.s32 @!p0 $0x108  }
0x21: {  	s3 =	sadd.s32 s3, s9;
	s6 =	sadd.s32 @!p0 $0x88, s6;
	s7 =	simm.s32 @p2 $0x1082  }
0x22: {  	[simem:s7], [sflag:s8] =	dma.local @!p0 [hbm:s6], $0xF7A  }
0x23: {  	s9 =	sor.u32 $0xD0000000, s2;
	s6 =	simm.s32 $0x108;
	_ =	swait.ge @!p0 [sflag:s8], $0x0  }
0x24: {  	s3 =	sadd.s32 $0x88, s3;
	s6 =	simm.s32 @!p1 $0x1082;
	[sflag:s4] =	ssyncset.s32 $0xFFFFF086  }
0x25: {  	[simem:s6], [sflag:s4] =	dma.local [hbm:s3], $0xF7A  }
0x26: {  	[smem:$0x3F9B] =	sst s1;
	(tag) =	ssettag s2;
	_ =	strace s9  }
0x27: {  	s1 =	sld [smem:$0x3FAB]  }
0x28: {  	s2 =	sld [smem:$0x3FAC]  }
0x29: {  	s4 =	sld [smem:$0x3FAE]  }
0x2a: {  	p0 =	seq.s32 s5, $0x0;
	s5 =	sld [smem:$0x3FAF]  }
0x2b: {  	s6 =	sld [smem:$0x3FB0]  }
0x2c: {  	s7 =	sld [smem:$0x3FB1]  }
0x2d: {  	s3 =	simm.s32 $0x108;
	s8 =	sld [smem:$0x3FB2]  }
0x2e: {  	s3 =	simm.s32 @!p0 $0x1082;
	s9 =	sld [smem:$0x3FB3]  }
0x2f: {  	lr =	sadd.s32 s0, s3;
	s0 =	sld [smem:$0x3FAA]  }
0x30: {  	s3 =	sld [smem:$0x3FAD]  }
0x31: {  	[smem:$0x3FB6] =	sst s10  }
0x32: {  	s10 =	sld [smem:$0x3FB4];
	_ =	sdelay $0x3  }
0x33: {  	p0 =	seq.s32 s10, $0x1;
	s10 =	sld [smem:$0x3FB6];
	_ =	sdelay $0x3  }
0x34: {  	[smem:$0x3FB6] =	sst s10  }
0x35: {  	s10 =	sld [smem:$0x3FB5];
	_ =	sdelay $0x3  }
0x36: {  	p1 =	seq.s32 s10, $0x1;
	s10 =	sld [smem:$0x3FB6];
	_ =	sdelay $0x3  }
0x37: {  	[smem:$0x3FB6] =	sst s10  }
0x38: {  	s10 =	sld [smem:$0x3FB7]  }
0x39: {  	_ = 	snop;
	(pc) =	sbr.ind lr, $3  }
0x3a: {  	_ = 	snop  }
0x3b: {  	_ = 	snop  }
0x3c: {  	p2 =	seq.s32 s10, $0x1;
	s10 =	sld [smem:$0x3FB6]  }
0x3d: {  	_ =	shalt  }
0x3e: {  	_ =	shalt  }
0x3f: {  	_ =	shalt  }
0x40: {  	_ =	shalt  }
0x41: {  	_ =	shalt  }
0x42: {  	_ =	shalt  }
0x43: {  	_ =	shalt  }
0x44: {  	_ =	shalt  }
0x45: {  	_ =	shalt  }
0x46: {  	_ =	shalt  }
0x47: {  	_ =	shalt  }
0x48: {  	_ =	shalt  }
0x49: {  	_ =	shalt  }
0x4a: {  	_ =	shalt  }
0x4b: {  	_ =	shalt  }
0x4c: {  	_ =	shalt  }
0x4d: {  	_ =	shalt  }
0x4e: {  	_ =	shalt  }
0x4f: {  	_ =	shalt  }
0x50: {  	_ =	shalt  }
0x51: {  	_ =	shalt  }
0x52: {  	_ =	shalt  }
0x53: {  	_ =	shalt  }
0x54: {  	_ =	shalt  }
0x55: {  	_ =	shalt  }
0x56: {  	_ =	shalt  }
0x57: {  	_ =	shalt  }
0x58: {  	_ =	shalt  }
0x59: {  	_ =	shalt  }
0x5a: {  	_ =	shalt  }
0x5b: {  	_ =	shalt  }
0x5c: {  	_ =	shalt  }
0x5d: {  	_ =	shalt  }
0x5e: {  	_ =	shalt  }
0x5f: {  	_ =	shalt  }
0x60: {  	_ =	shalt  }
0x61: {  	_ =	shalt  }
0x62: {  	_ =	shalt  }
0x63: {  	_ =	shalt  }
0x64: {  	_ =	shalt  }
0x65: {  	_ =	shalt  }
0x66: {  	_ =	shalt  }
0x67: {  	_ =	shalt  }
0x68: {  	_ =	shalt  }
0x69: {  	_ =	shalt  }
0x6a: {  	_ =	shalt  }
0x6b: {  	_ =	shalt  }
0x6c: {  	_ =	shalt  }
0x6d: {  	_ =	shalt  }
0x6e: {  	_ =	shalt  }
0x6f: {  	_ =	shalt  }
0x70: {  	_ =	shalt  }
0x71: {  	_ =	shalt  }
0x72: {  	_ =	shalt  }
0x73: {  	_ =	shalt  }
0x74: {  	_ =	shalt  }
0x75: {  	_ =	shalt  }
0x76: {  	_ =	shalt  }
0x77: {  	_ =	shalt  }
0x78: {  	_ =	shalt  }
0x79: {  	_ =	shalt  }
0x7a: {  	_ =	shalt  }
0x7b: {  	_ =	shalt  }
0x7c: {  	_ =	shalt  }
0x7d: {  	_ =	shalt  }
0x7e: {  	_ =	shalt  }
0x7f: {  	_ =	shalt  }
0x80: {  	_ =	shalt  }
0x81: {  	_ =	shalt  }
0x82: {  	_ =	shalt  }
0x83: {  	_ =	shalt  }
0x84: {  	_ =	shalt  }
0x85: {  	_ =	shalt  }
0x86: {  	_ =	shalt  }
0x87: {  	_ =	shalt  }
.Lfunc_end0:
.L_simem_size_0:
called_computation.1_lowered:
.L_overlay_start_0:
0x88: {  	s2 =	sld [smem:$0x3FD9]  }
0x89: {  	s3 =	sld [smem:$0x3FFE];
	_ =	sdelay $0x1  }
0x8a: {  	s1 =	srdreg.scid  }
0x8b: {  	s0 =	sand.u32 $0x1, s1  }
0x8c: {  	s16 =	sshll.u32 s0, $0xA;
	s2 =	sadd.s32 s3, s2  }
0x8d: {  	s2 =	sadd.s32 s2, s16  }
0x8e: {  	[smem:$0x3FC2] =	sst s2  }
0x8f: {  	_ = 	snop  }
0x90: {  	(tm) =	ssettm $0x1  }
0x91: {  	s17 =	sld [smem:$0x3FFB];
	_ =	sdelay $0x3  }
0x92: {  	_ =	strace s17  }
0x93: {  	s2 =	sld [smem:$0x3FFC];
	_ =	sdelay $0x3  }
0x94: {  	_ =	strace s2  }
0x95: {  	s2 =	sld [smem:$0x3FFD];
	_ =	sdelay $0x3  }
0x96: {  	_ =	strace s2  }
0x97: {  	_ =	strace $0x8FFFFFFF  }
0x98: {  	s18 =	sld [smem:$0x3FDB];
	_ =	sdelay $0x1  }
0x99: {  	s19 =	simm.s32 $_scs_section_size  }
0x9a: {  	s4 =	simm.s32 $_size__tile_overlayer_lowered;
	s5 =	simm.s32 $_tile_overlayer_lowered  }
0x9b: {  	s22 =	simm.s32 $0x1BFF;
	s21 =	sshll.u32 s5, $0x1;
	s2 =	sadd.s32 s19, s18  }
0x9c: {  	s6 =	simm.s32 $0x0;
	s20 =	sshll.u32 s4, $0x1;
	s4 =	sadd.s32 s21, s2  }
0x9d: {  	[timem:s6], [sflag:s22] =	dma.local [hbm:s4], s20  }
0x9e: {  	_ =	swait.ge [sflag:s22], s20  }
0x9f: {  	s3 =	ssub.s32 $0x0, s20;
	[sflag:s22] =	ssyncset.done $0x0  }
0xa0: {  	[sflag:s22] =	ssyncadd.s32 s3;
	_ =	sdelay $0x1  }
0xa1: {  	s23 =	simm.s32 $0x1B8B  }
0xa2: {  	_ =	swait.ge [sflag:s23], $0x1  }
0xa3: {  	[sflag:s23] =	ssyncset.done $0x0  }
0xa4: {  	s25 =	simm.s32 $0x1B8E;
	s24 =	sld [smem:$0x3FFE];
	[sflag:s23] =	ssyncadd.s32 $0xFFFFFFFF  }
0xa5: {  	s26 =	simm.s32 $execute0_lowered;
	[smem:$0x3FD2] =	sst s25  }
0xa6: {  	s4 =	sshll.u32 s26, $0x1;
	_ =	strace $0x80000049;
	[dreg:$0x1] =	wrdreg $0xFFFFFFFF  }
0xa7: {  	s28 =	simm.s32 $_size_execute0_lowered;
	s2 =	sadd.s32 s2, s4;
	[dreg:$0x0] =	wrdreg $0x0  }
0xa8: {  	s4 =	sshll.u32 s28, $0x1;
	[dreg:$0x2] =	wrdreg s2  }
0xa9: {  	[dreg:$0x3] =	wrdreg s4  }
0xaa: {  	[dreg:$0x4] =	wrdreg $0xC0  }
0xab: {  	_ =	task [dreg:s6], $0x5FFFF  }
0xac: {  	[dreg:$0x1] =	wrdreg $0xFFFFFFFF  }
0xad: {  	[dreg:$0x0] =	wrdreg $0x60  }
0xae: {  	[dreg:$0x2] =	wrdreg s24  }
0xaf: {  	[dreg:$0x3] =	wrdreg $0x0  }
0xb0: {  	[dreg:$0x4] =	wrdreg $0x9  }
0xb1: {  	_ =	task.clear_ibuf [dreg:s6], $0x5FFFF;
	_ =	strace $0x90000049  }
0xb2: {  	s29 =	simm.s32 $0x9;
	_ =	strace $0x8000004B  }
0xb3: {  	_ =	swait.ge [sflag:s29], $0x1  }
0xb4: {  	[sflag:s29] =	ssyncadd.s32 $0xFFFFFFFF  }
0xb5: {  	_ =	strace $0x9000004B  }
0xb6: {  	_ =	sfence  }
0xb7: {  	s30 =	sld [smem:$0x0];
	_ =	sdelay $0x2  }
0xb8: {  	s31 =	sshll.u32 s1, $0xD;
	s1 =	sshrl.u32 s1, $0x2  }
0xb9: {  	s3 =	sand.u32 $0x4000, s31;
	s1 =	sadd.s32 s1, s30  }
0xba: {  	s0 =	sor.u32 s3, s0;
	s1 =	sshll.u32 s1, $0x11  }
0xbb: {  	s0 =	sor.u32 s1, s0  }
0xbc: {  	s0 =	sadd.s32 $0x8F2B, s0  }
0xbd: {  	[sflag:s0] =	ssyncadd.remote.s32 $0x1  }
0xbe: {  	_ =	sfence.sel $0xFFFF  }
0xbf: {  	[dreg:$0x0] =	wrdreg $0xFFFFFFFF;
	(pc) =	sbr.abs _section_cstart, $3  }
0xc0: {  	[dreg:$0x1] =	wrdreg $0xFFFFFFFF  }
0xc1: {  	_ =	task.clear_ibuf [dreg:s6], $0x2FFFF;
	_ =	strace $0x9FFFFFFF  }
0xc2: {  	(tm) =	ssettm $0x7FFFFFFF  }
0xc3: {  	_ =	shalt  }
tec
execute0_lowered:
.L_overlay_start_1:
0x0: {  	(tag) =	ssettag $0x1  }
0x1: {  	s0 =	rddreg [dreg:$0x0]  }
0x2: {  	s1 =	rddreg [dreg:$0x1]  }
0x3: {  	s2 =	srdreg.scid;
	s3 =	simm.s32 $0x0;
	s13 =	stileid.u32  }
0x4: {  	s14 =	simm.s32 $0x1D000;
	s15 =	simm.s32 $0x3;
	s16 =	simm.s32 $0x19000  }
0x5: {  	s28 =	simm.s32 $0x1A000;
	s30 =	simm.s32 $0x1A800;
	s31 =	simm.s32 $0x1  }
0x6: {  	s29 =	simm.s32 $0x1C000;
	s2 =	sand.u32 $0x1, s2;
	s6 =	smul.u32 $0x18800, s13  }
0x7: {  	[smem:$0x7FF] =	sst s3;
	s4 =	sadd.s32 $0x1A00, s0;
	s11 =	smul.u32 $0x62000, s13  }
0x8: {  	s7 =	sadd.s32 $0xC5A00, s0;
	s8 =	sadd.s32 $0x63A00, s0;
	s24 =	smul.u32 $0x3100, s13  }
0x9: {  	s5 =	smul.u32 $0x188000, s2;
	_ =	strace $0x8000004A;
	s9 =	sshll.u32 s2, $0x4  }
0xa: {  	s10 =	ssub.s32 $0x2, s2;
	s2 =	smul.u32 $0x31000, s2;
	s9 =	sor.u32 s13, s9  }
0xb: {  	s12 =	sshrl.u32 s10, $0x1;
	s19 =	sshrl.u32 s11, $0x2;
	s11 =	simm.s32 $0x18A00  }
0xc: {  	s5 =	sadd.s32 s6, s5;
	s9 =	smul.u32 $0x3100, s9;
	s10 =	ssub.s32 s10, s12  }
0xd: {  	s6 =	sadd.s32 s6, s1;
	s12 =	simm.s32 $0x18E00;
	s5 =	sshrl.u32 s5, $0x3  }
0xe: {  	s25 =	smax.u32 s10, $0x1;
	s10 =	simm.s32 $0x18C00;
	s0 =	sadd.s32 s5, s0  }
0xf: {  	s5 =	sadd.s32 s19, s1;
	s20 =	sadd.s32 s7, s9;
	[dreg:$0x8] =	wrdreg s25  }
0x10: {  	s21 =	sor.u32 $0x40, s9;
	s9 =	sadd.s32 s8, s9;
	[dreg:$0x3] =	wrdreg s20  }
0x11: {  	s25 =	sshrl.u32 s6, $0x3;
	[dreg:$0x4] =	wrdreg s9;
	s22 =	sadd.s32 s7, s21  }
0x12: {  	s23 =	sadd.s32 s8, s21;
	s0 =	sadd.s32 $0x2AFA00, s0;
	[dreg:$0x5] =	wrdreg s22  }
0x13: {  	s8 =	sadd.s32 s2, s8;
	s2 =	sadd.s32 s2, s7;
	[dreg:$0x6] =	wrdreg s23  }
0x14: {  	s20 =	simm.s32 $0x2;
	s21 =	simm.s32 $0x80;
	[dreg:$0x7] =	wrdreg s0  }
0x15: {  	s26 =	sadd.s32 s24, s8;
	s0 =	sadd.s32 s24, s2;
	s24 =	simm.s32 $0x19800  }
0x16: {  	s2 =	simm.s32 $0x1C800;
	s23 =	simm.s32 $0x0;
	s9 =	sadd.s32 $0x80, s26  }
0x17: {  	v0 =	vimm.f32 $0.0e+00;
	s13 =	sadd.s32 $0x80, s0;
	s0 =	simm.s32 $0x1B000;
	s26 =	simm.s32 $0x1B800  }
.LBB2_1:
0x18: {  	s6 =	simm.s32 $0x0  }
.LBB2_2:
0x19: {  	p0 =	sne.s32 s6, $0x1FC0  }
.Ltmp0:
0x1a: {  	_ = 	snop;
	(pc) =	sbr.rel @p0 .LBB2_2-.Ltmp0, $3  }
0x1b: {  	_ =	sdelay $0x1  }
0x1c: {  	s7 =	sshra.s32 s6, $0x2  }
0x1d: {  	s6 =	sadd.s32 $0x40, s6;
	[tilespmem:s7+$0x1D000] =	vst v0  }
0x1e: {  	s6 =	sadd.s32 $0x0, s5  }
0x1f: {  	[spmem:s6] =	stream.linear.scatter [tilespmem:s14], [sflag:$0x3], $0x800, $0x38;
	[tilespmem:$0x1D800] =	vst v63  }
0x20: {  	s6 =	simm.s32 $0x2000;
	_ =	swait.ge [sflag:s15], $0x800  }
.LBB2_4:
0x21: {  	s7 =	sshra.s32 s6, $0x2;
	[sflag:s15] =	ssyncset.done $0x0;
	p0 =	sne.s32 s6, $0x60000  }
.Ltmp1:
0x22: {  	s7 =	sadd.s32 s7, s5;
	[sflag:s15] =	ssyncadd.s32 $0xFFFFF800;
	(pc) =	sbr.rel @p0 .LBB2_4-.Ltmp1, $3  }
0x23: {  	[spmem:s7] =	stream.linear.scatter [tilespmem:s14], [sflag:$0x3], $0x800, $0x38;
	[tilespmem:$0x1D800] =	vst v63  }
0x24: {  	s6 =	sadd.s32 $0x2000, s6;
	_ =	sdelay $0x1  }
0x25: {  	_ =	swait.ge [sflag:s15], $0x800  }
0x26: {  	[sflag:s15] =	ssyncset.done $0x0  }
0x27: {  	[sflag:s15] =	ssyncadd.s32 $0xFFFFF800  }
0x28: {  	[bflag:$0x0] =	sbarrier.arrive $0xFFFF  }
0x29: {  	s6 =	simm.s32 $0x0;
	s8 =	simm.s32 $0x18800;
	s7 =	rddreg [dreg:$0x3]  }
0x2a: {  	[tilespmem:s8], [sflag:$0x2] =	stream.linear.gather [hbm4b:s7+s6], $0x200, $0x38;
	[tilespmem:$0x1D800] =	vst v63  }
0x2b: {  	s22 =	rddreg [dreg:$0x4]  }
0x2c: {  	[tilespmem:s10], [sflag:$0x2] =	stream.linear.gather [hbm4b:s22+s6], $0x200, $0x38;
	[tilespmem:$0x1D800] =	vst v63  }
0x2d: {  	s10 =	rddreg [dreg:$0x5]  }
0x2e: {  	[tilespmem:s11], [sflag:$0x2] =	stream.linear.gather [hbm4b:s10+s6], $0x200, $0x38;
	[tilespmem:$0x1D800] =	vst v63  }
0x2f: {  	s11 =	rddreg [dreg:$0x6]  }
0x30: {  	[tilespmem:s12], [sflag:$0x2] =	stream.linear.gather [hbm4b:s11+s6], $0x200, $0x38;
	[tilespmem:$0x1D800] =	vst v63  }
0x31: {  	_ =	swait.ge [sflag:s20], $0x200  }
0x32: {  	[sflag:s20] =	ssyncset.done $0x0  }
0x33: {  	[sflag:s20] =	ssyncadd.s32 $0xFFFFFE00  }
0x34: {  	_ =	swait.ge [sflag:s20], $0x200  }
0x35: {  	[sflag:s20] =	ssyncset.done $0x0  }
0x36: {  	[sflag:s20] =	ssyncadd.s32 $0xFFFFFE00  }
0x37: {  	[tilespmem:s16], [sflag:$0x1] =	stream.indirect.gather [hbm4b:s4+s21], $0x10, s8, s21, $0xb8;
	[tilespmem:$0x1D800] =	vst v63  }
0x38: {  	s16 =	simm.s32 $0x18880  }
0x39: {  	[tilespmem:s24], [sflag:$0x1] =	stream.indirect.gather [hbm4b:s4+s21], $0x10, s16, s21, $0xb8;
	[tilespmem:$0x1D800] =	vst v63  }
0x3a: {  	s17 =	simm.s32 $0x18900  }
0x3b: {  	[tilespmem:s28], [sflag:$0x1] =	stream.indirect.gather [hbm4b:s4+s21], $0x10, s17, s21, $0xb8;
	[tilespmem:$0x1D800] =	vst v63  }
0x3c: {  	s18 =	simm.s32 $0x18980  }
0x3d: {  	[tilespmem:s30], [sflag:$0x1] =	stream.indirect.gather [hbm4b:s4+s21], $0x10, s18, s21, $0xb8;
	[tilespmem:$0x1D800] =	vst v63  }
0x3e: {  	_ =	swait.ge [sflag:s31], $0x800  }
0x3f: {  	[sflag:s31] =	ssyncset.done $0x0  }
0x40: {  	[sflag:s31] =	ssyncadd.s32 $0xFFFFF800  }
0x41: {  	_ =	swait.ge [sflag:s31], $0x800  }
0x42: {  	[sflag:s31] =	ssyncset.done $0x0  }
0x43: {  	[sflag:s31] =	ssyncadd.s32 $0xFFFFF800  }
0x44: {  	_ =	swait.ge [sflag:s31], $0x800  }
0x45: {  	[sflag:s31] =	ssyncset.done $0x0  }
0x46: {  	[sflag:s31] =	ssyncadd.s32 $0xFFFFF800  }
0x47: {  	_ =	swait.ge [sflag:s31], $0x800  }
0x48: {  	[sflag:s31] =	ssyncset.done $0x0  }
0x49: {  	[sflag:s31] =	ssyncadd.s32 $0xFFFFF800  }
0x4a: {  	_ =	swait.ge [sflag:s20], $0x200  }
0x4b: {  	[sflag:s20] =	ssyncset.done $0x0  }
0x4c: {  	s6 =	sand.u32 $0x1, s6;
	[sflag:s20] =	ssyncadd.s32 $0xFFFFFE00  }
0x4d: {  	s19 =	sxor.u32 $0x1, s6;
	_ =	swait.ge [sflag:s20], $0x200  }
0x4e: {  	s7 =	sshll.u32 s19, $0x9;
	s8 =	sshll.u32 s19, $0xD;
	[sflag:s20] =	ssyncset.done $0x0  }
0x4f: {  	s11 =	sor.u32 $0x18800, s7;
	s22 =	sor.u32 $0x19000, s8;
	[sflag:s20] =	ssyncadd.s32 $0xFFFFFE00  }
0x50: {  	[tilespmem:s22], [sflag:$0x1] =	stream.indirect.gather [hbm4b:s4+s21], $0x10, s11, s21, $0xb8;
	[tilespmem:$0x1D800] =	vst v63  }
0x51: {  	s16 =	sor.u32 $0x19800, s8;
	s17 =	sor.u32 $0x18880, s7  }
0x52: {  	[tilespmem:s16], [sflag:$0x1] =	stream.indirect.gather [hbm4b:s4+s21], $0x10, s17, s21, $0xb8;
	[tilespmem:$0x1D800] =	vst v63  }
0x53: {  	s19 =	sor.u32 $0x18900, s7;
	s7 =	sor.u32 $0x18980, s7;
	s18 =	sadd.s32 $0x1A000, s8  }
0x54: {  	[tilespmem:s18], [sflag:$0x1] =	stream.indirect.gather [hbm4b:s4+s21], $0x10, s19, s21, $0xb8;
	[tilespmem:$0x1D800] =	vst v63  }
0x55: {  	s8 =	sadd.s32 $0x1A800, s8;
	s22 =	sshll.u32 s6, $0xD;
	s6 =	sshll.u32 s6, $0x9  }
0x56: {  	[tilespmem:s8], [sflag:$0x1] =	stream.indirect.gather [hbm4b:s4+s21], $0x10, s7, s21, $0xb8;
	[tilespmem:$0x1D800] =	vst v63  }
0x57: {  	s10 =	sor.u32 $0x18C00, s6;
	s8 =	sor.u32 $0x19000, s22  }
0x58: {  	[spmem:s1] =	stream.indirect.scatter.add.f32 [tilespmem:s8], [sflag:$0x3], $0x10, s10, s21, $0xb8;
	[tilespmem:$0x1D800] =	vst v63  }
0x59: {  	_ =	swait.ge [sflag:s15], $0x800  }
0x5a: {  	[sflag:s15] =	ssyncset.done $0x0  }
0x5b: {  	s11 =	sor.u32 $0x19800, s22;
	s16 =	sor.u32 $0x18C80, s6;
	[sflag:s15] =	ssyncadd.s32 $0xFFFFF800  }
0x5c: {  	[spmem:s1] =	stream.indirect.scatter.add.f32 [tilespmem:s11], [sflag:$0x3], $0x10, s16, s21, $0xb8;
	[tilespmem:$0x1D800] =	vst v63  }
0x5d: {  	_ =	swait.ge [sflag:s15], $0x800  }
0x5e: {  	[sflag:s15] =	ssyncset.done $0x0  }
0x5f: {  	s17 =	sadd.s32 $0x1A000, s22;
	s18 =	sor.u32 $0x18D00, s6;
	[sflag:s15] =	ssyncadd.s32 $0xFFFFF800  }
0x60: {  	[spmem:s1] =	stream.indirect.scatter.add.f32 [tilespmem:s17], [sflag:$0x3], $0x10, s18, s21, $0xb8;
	[tilespmem:$0x1D800] =	vst v63  }
0x61: {  	_ =	swait.ge [sflag:s15], $0x800  }
0x62: {  	[sflag:s15] =	ssyncset.done $0x0  }
0x63: {  	s19 =	sadd.s32 $0x1A800, s22;
	s22 =	sor.u32 $0x18D80, s6;
	[sflag:s15] =	ssyncadd.s32 $0xFFFFF800  }
0x64: {  	[spmem:s1] =	stream.indirect.scatter.add.f32 [tilespmem:s19], [sflag:$0x3], $0x10, s22, s21, $0xb8;
	[tilespmem:$0x1D800] =	vst v63  }
0x65: {  	_ =	swait.ge [sflag:s15], $0x800  }
0x66: {  	[sflag:s15] =	ssyncset.done $0x0  }
0x67: {  	s12 =	smov.u32 s9;
	s6 =	sor.u32 $0x18800, s6;
	[sflag:s15] =	ssyncadd.s32 $0xFFFFF800  }
0x68: {  	[tilespmem:s6], [sflag:$0x2] =	stream.linear.gather [hbm4b:s13+s3], $0x200, $0x38;
	[tilespmem:$0x1D800] =	vst v63  }
0x69: {  	s7 =	sadd.s32 $0x40, s9;
	s8 =	sadd.s32 $0x40, s13;
	s6 =	simm.s32 $0x1  }
.LBB2_6:
0x6a: {  	[tilespmem:s10], [sflag:$0x2] =	stream.linear.gather [hbm4b:s12+s3], $0x200, $0x38;
	[tilespmem:$0x1D800] =	vst v63  }
0x6b: {  	s10 =	smov.u32 s6;
	s12 =	smov.u32 s7  }
0x6c: {  	p0 =	sne.s32 s6, $0xC1;
	s6 =	sadd.s32 $0x1, s6;
	_ =	swait.ge [sflag:s31], $0x800  }
0x6d: {  	[sflag:s31] =	ssyncset.done $0x0  }
0x6e: {  	[sflag:s31] =	ssyncadd.s32 $0xFFFFF800  }
0x6f: {  	_ =	swait.ge [sflag:s31], $0x800  }
0x70: {  	[sflag:s31] =	ssyncset.done $0x0  }
0x71: {  	[sflag:s31] =	ssyncadd.s32 $0xFFFFF800  }
0x72: {  	_ =	swait.ge [sflag:s31], $0x800  }
0x73: {  	[sflag:s31] =	ssyncset.done $0x0  }
0x74: {  	[sflag:s31] =	ssyncadd.s32 $0xFFFFF800  }
0x75: {  	_ =	swait.ge [sflag:s31], $0x800  }
0x76: {  	[sflag:s31] =	ssyncset.done $0x0  }
0x77: {  	[sflag:s31] =	ssyncadd.s32 $0xFFFFF800  }
0x78: {  	_ =	swait.ge [sflag:s20], $0x200  }
0x79: {  	[sflag:s20] =	ssyncset.done $0x0  }
0x7a: {  	s10 =	sand.u32 $0x1, s10;
	[sflag:s20] =	ssyncadd.s32 $0xFFFFFE00  }
0x7b: {  	s11 =	sshll.u32 s10, $0xD;
	s16 =	sxor.u32 $0x1, s10;
	_ =	swait.ge [sflag:s20], $0x200  }
0x7c: {  	s17 =	sshll.u32 s16, $0xD;
	s16 =	sshll.u32 s16, $0x9;
	[sflag:s20] =	ssyncset.done $0x0  }
0x7d: {  	s18 =	sor.u32 $0x19000, s17;
	s19 =	sor.u32 $0x18800, s16;
	[sflag:s20] =	ssyncadd.s32 $0xFFFFFE00  }
0x7e: {  	[tilespmem:s18], [sflag:$0x1] =	stream.indirect.gather [hbm4b:s4+s21], $0x10, s19, s21, $0xb8;
	[tilespmem:$0x1D800] =	vst v63  }
0x7f: {  	s22 =	sshll.u32 s10, $0x9;
	s18 =	sor.u32 $0x19800, s17;
	s19 =	sor.u32 $0x18880, s16  }
0x80: {  	[tilespmem:s18], [sflag:$0x1] =	stream.indirect.gather [hbm4b:s4+s21], $0x10, s19, s21, $0xb8;
	[tilespmem:$0x1D800] =	vst v63  }
0x81: {  	s10 =	sadd.s32 $0x1A000, s17;
	s18 =	sor.u32 $0x18900, s16  }
0x82: {  	[tilespmem:s10], [sflag:$0x1] =	stream.indirect.gather [hbm4b:s4+s21], $0x10, s18, s21, $0xb8;
	[tilespmem:$0x1D800] =	vst v63  }
0x83: {  	s16 =	sor.u32 $0x18980, s16;
	s10 =	sadd.s32 $0x1A800, s17  }
0x84: {  	[tilespmem:s10], [sflag:$0x1] =	stream.indirect.gather [hbm4b:s4+s21], $0x10, s16, s21, $0xb8;
	[tilespmem:$0x1D800] =	vst v63  }
0x85: {  	s16 =	sor.u32 $0x19000, s11;
	s10 =	sor.u32 $0x18C00, s22  }
0x86: {  	[spmem:s1] =	stream.indirect.scatter.add.f32 [tilespmem:s16], [sflag:$0x3], $0x10, s10, s21, $0xb8;
	[tilespmem:$0x1D800] =	vst v63  }
0x87: {  	_ =	swait.ge [sflag:s15], $0x800  }
0x88: {  	[sflag:s15] =	ssyncset.done $0x0  }
0x89: {  	s17 =	sor.u32 $0x18C80, s22;
	s16 =	sor.u32 $0x19800, s11;
	[sflag:s15] =	ssyncadd.s32 $0xFFFFF800  }
0x8a: {  	[spmem:s1] =	stream.indirect.scatter.add.f32 [tilespmem:s16], [sflag:$0x3], $0x10, s17, s21, $0xb8;
	[tilespmem:$0x1D800] =	vst v63  }
0x8b: {  	_ =	swait.ge [sflag:s15], $0x800  }
0x8c: {  	[sflag:s15] =	ssyncset.done $0x0  }
0x8d: {  	s16 =	sadd.s32 $0x1A000, s11;
	s17 =	sor.u32 $0x18D00, s22;
	[sflag:s15] =	ssyncadd.s32 $0xFFFFF800  }
0x8e: {  	[spmem:s1] =	stream.indirect.scatter.add.f32 [tilespmem:s16], [sflag:$0x3], $0x10, s17, s21, $0xb8;
	[tilespmem:$0x1D800] =	vst v63  }
0x8f: {  	_ =	swait.ge [sflag:s15], $0x800  }
0x90: {  	[sflag:s15] =	ssyncset.done $0x0  }
0x91: {  	s11 =	sadd.s32 $0x1A800, s11;
	s16 =	sor.u32 $0x18D80, s22;
	[sflag:s15] =	ssyncadd.s32 $0xFFFFF800  }
0x92: {  	[spmem:s1] =	stream.indirect.scatter.add.f32 [tilespmem:s11], [sflag:$0x3], $0x10, s16, s21, $0xb8;
	[tilespmem:$0x1D800] =	vst v63  }
.Ltmp2:
0x93: {  	_ =	swait.ge [sflag:s15], $0x800;
	(pc) =	sbr.rel @p0 .LBB2_6-.Ltmp2, $4  }
0x94: {  	[sflag:s15] =	ssyncset.done $0x0  }
0x95: {  	s11 =	sor.u32 $0x18800, s22;
	[sflag:s15] =	ssyncadd.s32 $0xFFFFF800  }
0x96: {  	[tilespmem:s11], [sflag:$0x2] =	stream.linear.gather [hbm4b:s8+s3], $0x200, $0x38;
	[tilespmem:$0x1D800] =	vst v63  }
0x97: {  	s7 =	sadd.s32 $0x40, s7;
	s8 =	sadd.s32 $0x40, s8  }
0x98: {  	[tilespmem:s10], [sflag:$0x2] =	stream.linear.gather [hbm4b:s12+s3], $0x200, $0x38;
	[tilespmem:$0x1D800] =	vst v63  }
0x99: {  	_ =	swait.ge [sflag:s31], $0x800  }
0x9a: {  	[sflag:s31] =	ssyncset.done $0x0  }
0x9b: {  	[sflag:s31] =	ssyncadd.s32 $0xFFFFF800  }
0x9c: {  	_ =	swait.ge [sflag:s31], $0x800  }
0x9d: {  	[sflag:s31] =	ssyncset.done $0x0  }
0x9e: {  	[sflag:s31] =	ssyncadd.s32 $0xFFFFF800  }
0x9f: {  	_ =	swait.ge [sflag:s31], $0x800  }
0xa0: {  	[sflag:s31] =	ssyncset.done $0x0  }
0xa1: {  	[sflag:s31] =	ssyncadd.s32 $0xFFFFF800  }
0xa2: {  	_ =	swait.ge [sflag:s31], $0x800  }
0xa3: {  	[sflag:s31] =	ssyncset.done $0x0  }
0xa4: {  	[sflag:s31] =	ssyncadd.s32 $0xFFFFF800  }
0xa5: {  	_ =	swait.ge [sflag:s20], $0x200  }
0xa6: {  	[sflag:s20] =	ssyncset.done $0x0  }
0xa7: {  	[sflag:s20] =	ssyncadd.s32 $0xFFFFFE00  }
0xa8: {  	_ =	swait.ge [sflag:s20], $0x200  }
0xa9: {  	[sflag:s20] =	ssyncset.done $0x0  }
0xaa: {  	s11 =	simm.s32 $0x18A00;
	[sflag:s20] =	ssyncadd.s32 $0xFFFFFE00  }
0xab: {  	[tilespmem:s0], [sflag:$0x1] =	stream.indirect.gather [hbm4b:s4+s21], $0x10, s11, s21, $0xb8;
	[tilespmem:$0x1D800] =	vst v63  }
0xac: {  	s6 =	simm.s32 $0x18A80  }
0xad: {  	[tilespmem:s26], [sflag:$0x1] =	stream.indirect.gather [hbm4b:s4+s21], $0x10, s6, s21, $0xb8;
	[tilespmem:$0x1D800] =	vst v63  }
0xae: {  	s17 =	simm.s32 $0x18B00  }
0xaf: {  	[tilespmem:s29], [sflag:$0x1] =	stream.indirect.gather [hbm4b:s4+s21], $0x10, s17, s21, $0xb8;
	[tilespmem:$0x1D800] =	vst v63  }
0xb0: {  	s18 =	simm.s32 $0x18B80  }
0xb1: {  	[tilespmem:s2], [sflag:$0x1] =	stream.indirect.gather [hbm4b:s4+s21], $0x10, s18, s21, $0xb8;
	[tilespmem:$0x1D800] =	vst v63  }
0xb2: {  	s10 =	simm.s32 $0x18C00;
	s16 =	simm.s32 $0x19000  }
0xb3: {  	[spmem:s1] =	stream.indirect.scatter.add.f32 [tilespmem:s16], [sflag:$0x3], $0x10, s10, s21, $0xb8;
	[tilespmem:$0x1D800] =	vst v63  }
0xb4: {  	_ =	swait.ge [sflag:s15], $0x800  }
0xb5: {  	[sflag:s15] =	ssyncset.done $0x0  }
0xb6: {  	s19 =	simm.s32 $0x18C80;
	[sflag:s15] =	ssyncadd.s32 $0xFFFFF800  }
0xb7: {  	[spmem:s1] =	stream.indirect.scatter.add.f32 [tilespmem:s24], [sflag:$0x3], $0x10, s19, s21, $0xb8;
	[tilespmem:$0x1D800] =	vst v63  }
0xb8: {  	_ =	swait.ge [sflag:s15], $0x800  }
0xb9: {  	[sflag:s15] =	ssyncset.done $0x0  }
0xba: {  	s22 =	simm.s32 $0x18D00;
	[sflag:s15] =	ssyncadd.s32 $0xFFFFF800  }
0xbb: {  	[spmem:s1] =	stream.indirect.scatter.add.f32 [tilespmem:s28], [sflag:$0x3], $0x10, s22, s21, $0xb8;
	[tilespmem:$0x1D800] =	vst v63  }
0xbc: {  	_ =	swait.ge [sflag:s15], $0x800  }
0xbd: {  	[sflag:s15] =	ssyncset.done $0x0  }
0xbe: {  	s7 =	simm.s32 $0x18D80;
	[sflag:s15] =	ssyncadd.s32 $0xFFFFF800  }
0xbf: {  	[spmem:s1] =	stream.indirect.scatter.add.f32 [tilespmem:s30], [sflag:$0x3], $0x10, s7, s21, $0xb8;
	[tilespmem:$0x1D800] =	vst v63  }
0xc0: {  	_ =	swait.ge [sflag:s15], $0x800  }
0xc1: {  	[sflag:s15] =	ssyncset.done $0x0  }
0xc2: {  	[sflag:s15] =	ssyncadd.s32 $0xFFFFF800  }
0xc3: {  	_ =	swait.ge [sflag:s31], $0x800  }
0xc4: {  	[sflag:s31] =	ssyncset.done $0x0  }
0xc5: {  	[sflag:s31] =	ssyncadd.s32 $0xFFFFF800  }
0xc6: {  	_ =	swait.ge [sflag:s31], $0x800  }
0xc7: {  	[sflag:s31] =	ssyncset.done $0x0  }
0xc8: {  	[sflag:s31] =	ssyncadd.s32 $0xFFFFF800  }
0xc9: {  	_ =	swait.ge [sflag:s31], $0x800  }
0xca: {  	[sflag:s31] =	ssyncset.done $0x0  }
0xcb: {  	[sflag:s31] =	ssyncadd.s32 $0xFFFFF800  }
0xcc: {  	_ =	swait.ge [sflag:s31], $0x800  }
0xcd: {  	[sflag:s31] =	ssyncset.done $0x0  }
0xce: {  	s12 =	simm.s32 $0x18E00;
	[sflag:s31] =	ssyncadd.s32 $0xFFFFF800  }
0xcf: {  	[spmem:s1] =	stream.indirect.scatter.add.f32 [tilespmem:s0], [sflag:$0x3], $0x10, s12, s21, $0xb8;
	[tilespmem:$0x1D800] =	vst v63  }
0xd0: {  	_ =	swait.ge [sflag:s15], $0x800  }
0xd1: {  	[sflag:s15] =	ssyncset.done $0x0  }
0xd2: {  	s8 =	simm.s32 $0x18E80;
	[sflag:s15] =	ssyncadd.s32 $0xFFFFF800  }
0xd3: {  	[spmem:s1] =	stream.indirect.scatter.add.f32 [tilespmem:s26], [sflag:$0x3], $0x10, s8, s21, $0xb8;
	[tilespmem:$0x1D800] =	vst v63  }
0xd4: {  	_ =	swait.ge [sflag:s15], $0x800  }
0xd5: {  	[sflag:s15] =	ssyncset.done $0x0  }
0xd6: {  	s17 =	simm.s32 $0x18F00;
	[sflag:s15] =	ssyncadd.s32 $0xFFFFF800  }
0xd7: {  	[spmem:s1] =	stream.indirect.scatter.add.f32 [tilespmem:s29], [sflag:$0x3], $0x10, s17, s21, $0xb8;
	[tilespmem:$0x1D800] =	vst v63  }
0xd8: {  	_ =	swait.ge [sflag:s15], $0x800  }
0xd9: {  	[sflag:s15] =	ssyncset.done $0x0  }
0xda: {  	s18 =	simm.s32 $0x18F80;
	[sflag:s15] =	ssyncadd.s32 $0xFFFFF800  }
0xdb: {  	[spmem:s1] =	stream.indirect.scatter.add.f32 [tilespmem:s2], [sflag:$0x3], $0x10, s18, s21, $0xb8;
	[tilespmem:$0x1D800] =	vst v63  }
0xdc: {  	_ =	swait.ge [sflag:s15], $0x800  }
0xdd: {  	[sflag:s15] =	ssyncset.done $0x0  }
0xde: {  	s19 =	stileid.u32;
	[sflag:s15] =	ssyncadd.s32 $0xFFFFF800  }
0xdf: {  	s6 =	sshll.u32 s19, $0x6;
	[bflag:$0x0] =	sbarrier.arrive $0xFFFF  }
0xe0: {  	s6 =	sor.u32 $0x1C03, s6;
	s7 =	rddreg [dreg:$0x7]  }
0xe1: {  	[hbm:s7], [sflag:s6] =	dma.local [spmem:s25], $0x3100  }
0xe2: {  	_ =	swait.ge [sflag:s15], $0x3100  }
0xe3: {  	s23 =	sadd.s32 $0x1, s23;
	s22 =	rddreg [dreg:$0x8]  }
0xe4: {  	p0 =	sne.s32 s23, s22  }
.Ltmp3:
0xe5: {  	_ = 	snop;
	(pc) =	sbr.rel @p0 .LBB2_1-.Ltmp3, $3  }
0xe6: {  	_ =	sdelay $0x1  }
0xe7: {  	[sflag:s15] =	ssyncset.done $0x0  }
0xe8: {  	[sflag:s15] =	ssyncadd.s32 $0xFFFFCF00  }
0xe9: {  	_ =	sfence.sel $0x180000  }
0xea: {  	[bflag:$0x0] =	sbarrier.arrive $0xFFFF  }
0xeb: {  	_ =	strace $0x9000004A  }
0xec: {  	s0 =	stileid.u32;
	[bflag:$0x2] =	sbarrier.arrive $0xFFFF  }
0xed: {  	p0 =	sne.s32 s0, $0x0;
	s0 =	rddreg [dreg:$0x2]  }
0xee: {  	s0 =	sadd.s32 @!p0 $0x100000, s0  }
0xef: {  	[sflag:s0] =	ssyncadd.tile.s32 @!p0 $0x1;
	_ =	shalt  }
.Lfunc_end2:
_tile_overlayer_lowered:
.L_overlay_start_2:
0xf0: {  	(tag) =	ssettag $0x2  }
0xf1: {  	s0 =	rddreg [dreg:$0x0];
	s2 =	stileid.u32  }
0xf2: {  	s1 =	rddreg [dreg:$0x1];
	p0 =	sne.s32 s2, $0x0  }
0xf3: {  	s3 =	rddreg [dreg:$0x2];
	[bflag:$0x3] =	sbarrier.arrive $0xFFFF;
	s2 =	simm.s32 @!p0 $0x1C03  }
0xf4: {  	[timem:s3], [sflag:s2] =	dma.local @!p0 [hbm:s0], s1  }
0xf5: {  	s0 =	simm.s32 @!p0 $0x3  }
0xf6: {  	_ =	swait.ge @!p0 [sflag:s0], s1  }
0xf7: {  	s1 =	ssub.s32 @!p0 $0x0, s1;
	[sflag:s0] =	ssyncset.done @!p0 $0x0  }
0xf8: {  	[sflag:s0] =	ssyncadd.s32 @!p0 s1  }
0xf9: {  	[bflag:$0x3] =	sbarrier.arrive $0xFFFF  }
0xfa: {  	_ =	shalt  }

// kernel: kernel.14.cloned.1.call-start
scs
__scs_entry_jumppad:
0x0: {  	(pc) =	sbr.rel $0x88, $3  }
0x1: {  	(tag) =	ssettag $0x0;
	lr =	simm.s32 $0x1  }
0x2: {  	[smem:$0x3F9B] =	sst lr;
	_ =	strace $0xD0000000  }
0x3: {  	_ = 	snop  }
0x4: {  	_ = 	snop  }
0x5: {  	_ = 	snop  }
0x6: {  	_ = 	snop  }
0x7: {  	_ = 	snop  }
__scs_overlays_trampoline_lowered:
0x8: {  	[smem:$0x3FAA] =	sst s0  }
0x9: {  	[smem:$0x3FAB] =	sst s1  }
0xa: {  	[smem:$0x3FAC] =	sst s2  }
0xb: {  	[smem:$0x3FAD] =	sst s3  }
0xc: {  	[smem:$0x3FAE] =	sst s4  }
0xd: {  	[smem:$0x3FAF] =	sst s5  }
0xe: {  	[smem:$0x3FB0] =	sst s6  }
0xf: {  	[smem:$0x3FB1] =	sst s7  }
0x10: {  	[smem:$0x3FB2] =	sst s8  }
0x11: {  	[smem:$0x3FB3] =	sst s9;
	s0 =	simm.s32 @!p0 $0x0  }
0x12: {  	s1 =	sld [smem:$0x3F99];
	s0 =	simm.s32 @p0 $0x1  }
0x13: {  	[smem:$0x3FB4] =	sst s0;
	s0 =	simm.s32 @!p1 $0x0  }
0x14: {  	s2 =	sld [smem:$0x3F98];
	s0 =	simm.s32 @p1 $0x1  }
0x15: {  	[smem:$0x3FB5] =	sst s0;
	s0 =	simm.s32 @!p2 $0x0  }
0x16: {  	s3 =	sld [smem:$0x3FDB];
	s0 =	simm.s32 @p2 $0x1  }
0x17: {  	s4 =	simm.s32 $0x1BF5;
	[smem:$0x3FB7] =	sst s0  }
0x18: {  	s0 =	sld [smem:$0x3F9A];
	_ =	swait.ge [sflag:s4], $0x0  }
0x19: {  	s7 =	sld [smem:$0x3F9B]  }
0x1a: {  	s8 =	sadd.s32 $0xFFFFE003, lr  }
0x1b: {  	s9 =	sadd.s32 $0xFFFFFEF7, lr;
	s5 =	simm.s32 $0xFFFFFFFF;
	p2 =	slt.u32 s8, $0xFFFFF086  }
0x1c: {  	p1 =	slt.u32 s9, $0xF7A;
	s5 =	simm.s32 @!p2 $0x0  }
0x1d: {  	s5 =	simm.s32 @p1 $0x1;
	p0 =	seq.s32 s7, s2  }
0x1e: {  	s7 =	smul.u32 @!p0 $0xF7A, s2;
	p2 =	seq.s32 @!p0 s5, $0x0  }
0x1f: {  	s9 =	smul.u32 $0xF7A, s1;
	s8 =	simm.s32 @!p0 $0x1BF5;
	p2 =	por !p2, p0  }
0x20: {  	[sflag:s8] =	ssyncset.s32 @!p0 $0xFFFFF086;
	s6 =	sadd.s32 @!p0 s3, s7;
	s7 =	simm.s32 @!p0 $0x108  }
0x21: {  	s3 =	sadd.s32 s3, s9;
	s6 =	sadd.s32 @!p0 $0x88, s6;
	s7 =	simm.s32 @p2 $0x1082  }
0x22: {  	[simem:s7], [sflag:s8] =	dma.local @!p0 [hbm:s6], $0xF7A  }
0x23: {  	s9 =	sor.u32 $0xD0000000, s2;
	s6 =	simm.s32 $0x108;
	_ =	swait.ge @!p0 [sflag:s8], $0x0  }
0x24: {  	s3 =	sadd.s32 $0x88, s3;
	s6 =	simm.s32 @!p1 $0x1082;
	[sflag:s4] =	ssyncset.s32 $0xFFFFF086  }
0x25: {  	[simem:s6], [sflag:s4] =	dma.local [hbm:s3], $0xF7A  }
0x26: {  	[smem:$0x3F9B] =	sst s1;
	(tag) =	ssettag s2;
	_ =	strace s9  }
0x27: {  	s1 =	sld [smem:$0x3FAB]  }
0x28: {  	s2 =	sld [smem:$0x3FAC]  }
0x29: {  	s4 =	sld [smem:$0x3FAE]  }
0x2a: {  	p0 =	seq.s32 s5, $0x0;
	s5 =	sld [smem:$0x3FAF]  }
0x2b: {  	s6 =	sld [smem:$0x3FB0]  }
0x2c: {  	s7 =	sld [smem:$0x3FB1]  }
0x2d: {  	s3 =	simm.s32 $0x108;
	s8 =	sld [smem:$0x3FB2]  }
0x2e: {  	s3 =	simm.s32 @!p0 $0x1082;
	s9 =	sld [smem:$0x3FB3]  }
0x2f: {  	lr =	sadd.s32 s0, s3;
	s0 =	sld [smem:$0x3FAA]  }
0x30: {  	s3 =	sld [smem:$0x3FAD]  }
0x31: {  	[smem:$0x3FB6] =	sst s10  }
0x32: {  	s10 =	sld [smem:$0x3FB4];
	_ =	sdelay $0x3  }
0x33: {  	p0 =	seq.s32 s10, $0x1;
	s10 =	sld [smem:$0x3FB6];
	_ =	sdelay $0x3  }
0x34: {  	[smem:$0x3FB6] =	sst s10  }
0x35: {  	s10 =	sld [smem:$0x3FB5];
	_ =	sdelay $0x3  }
0x36: {  	p1 =	seq.s32 s10, $0x1;
	s10 =	sld [smem:$0x3FB6];
	_ =	sdelay $0x3  }
0x37: {  	[smem:$0x3FB6] =	sst s10  }
0x38: {  	s10 =	sld [smem:$0x3FB7]  }
0x39: {  	_ = 	snop;
	(pc) =	sbr.ind lr, $3  }
0x3a: {  	_ = 	snop  }
0x3b: {  	_ = 	snop  }
0x3c: {  	p2 =	seq.s32 s10, $0x1;
	s10 =	sld [smem:$0x3FB6]  }
0x3d: {  	_ =	shalt  }
0x3e: {  	_ =	shalt  }
0x3f: {  	_ =	shalt  }
0x40: {  	_ =	shalt  }
0x41: {  	_ =	shalt  }
0x42: {  	_ =	shalt  }
0x43: {  	_ =	shalt  }
0x44: {  	_ =	shalt  }
0x45: {  	_ =	shalt  }
0x46: {  	_ =	shalt  }
0x47: {  	_ =	shalt  }
0x48: {  	_ =	shalt  }
0x49: {  	_ =	shalt  }
0x4a: {  	_ =	shalt  }
0x4b: {  	_ =	shalt  }
0x4c: {  	_ =	shalt  }
0x4d: {  	_ =	shalt  }
0x4e: {  	_ =	shalt  }
0x4f: {  	_ =	shalt  }
0x50: {  	_ =	shalt  }
0x51: {  	_ =	shalt  }
0x52: {  	_ =	shalt  }
0x53: {  	_ =	shalt  }
0x54: {  	_ =	shalt  }
0x55: {  	_ =	shalt  }
0x56: {  	_ =	shalt  }
0x57: {  	_ =	shalt  }
0x58: {  	_ =	shalt  }
0x59: {  	_ =	shalt  }
0x5a: {  	_ =	shalt  }
0x5b: {  	_ =	shalt  }
0x5c: {  	_ =	shalt  }
0x5d: {  	_ =	shalt  }
0x5e: {  	_ =	shalt  }
0x5f: {  	_ =	shalt  }
0x60: {  	_ =	shalt  }
0x61: {  	_ =	shalt  }
0x62: {  	_ =	shalt  }
0x63: {  	_ =	shalt  }
0x64: {  	_ =	shalt  }
0x65: {  	_ =	shalt  }
0x66: {  	_ =	shalt  }
0x67: {  	_ =	shalt  }
0x68: {  	_ =	shalt  }
0x69: {  	_ =	shalt  }
0x6a: {  	_ =	shalt  }
0x6b: {  	_ =	shalt  }
0x6c: {  	_ =	shalt  }
0x6d: {  	_ =	shalt  }
0x6e: {  	_ =	shalt  }
0x6f: {  	_ =	shalt  }
0x70: {  	_ =	shalt  }
0x71: {  	_ =	shalt  }
0x72: {  	_ =	shalt  }
0x73: {  	_ =	shalt  }
0x74: {  	_ =	shalt  }
0x75: {  	_ =	shalt  }
0x76: {  	_ =	shalt  }
0x77: {  	_ =	shalt  }
0x78: {  	_ =	shalt  }
0x79: {  	_ =	shalt  }
0x7a: {  	_ =	shalt  }
0x7b: {  	_ =	shalt  }
0x7c: {  	_ =	shalt  }
0x7d: {  	_ =	shalt  }
0x7e: {  	_ =	shalt  }
0x7f: {  	_ =	shalt  }
0x80: {  	_ =	shalt  }
0x81: {  	_ =	shalt  }
0x82: {  	_ =	shalt  }
0x83: {  	_ =	shalt  }
0x84: {  	_ =	shalt  }
0x85: {  	_ =	shalt  }
0x86: {  	_ =	shalt  }
0x87: {  	_ =	shalt  }
.Lfunc_end0:
.L_simem_size_0:
called_computation.2_lowered:
.L_overlay_start_0:
0x88: {  	s2 =	sld [smem:$0x3FD9]  }
0x89: {  	s3 =	sld [smem:$0x3FFE];
	_ =	sdelay $0x1  }
0x8a: {  	s1 =	srdreg.scid  }
0x8b: {  	s0 =	sand.u32 $0x1, s1  }
0x8c: {  	s16 =	sshll.u32 s0, $0xA;
	s2 =	sadd.s32 s3, s2  }
0x8d: {  	s2 =	sadd.s32 s2, s16  }
0x8e: {  	[smem:$0x3FC2] =	sst s2  }
0x8f: {  	_ = 	snop  }
0x90: {  	(tm) =	ssettm $0x1  }
0x91: {  	s17 =	sld [smem:$0x3FFB];
	_ =	sdelay $0x3  }
0x92: {  	_ =	strace s17  }
0x93: {  	s2 =	sld [smem:$0x3FFC];
	_ =	sdelay $0x3  }
0x94: {  	_ =	strace s2  }
0x95: {  	s2 =	sld [smem:$0x3FFD];
	_ =	sdelay $0x3  }
0x96: {  	_ =	strace s2  }
0x97: {  	_ =	strace $0x8FFFFFFF  }
0x98: {  	s18 =	sld [smem:$0x3FDB];
	_ =	sdelay $0x1  }
0x99: {  	s19 =	simm.s32 $_scs_section_size  }
0x9a: {  	s4 =	simm.s32 $_size__tile_overlayer_lowered;
	s5 =	simm.s32 $_tile_overlayer_lowered  }
0x9b: {  	s22 =	simm.s32 $0x1BFF;
	s21 =	sshll.u32 s5, $0x1;
	s2 =	sadd.s32 s19, s18  }
0x9c: {  	s6 =	simm.s32 $0x0;
	s20 =	sshll.u32 s4, $0x1;
	s4 =	sadd.s32 s21, s2  }
0x9d: {  	[timem:s6], [sflag:s22] =	dma.local [hbm:s4], s20  }
0x9e: {  	_ =	swait.ge [sflag:s22], s20  }
0x9f: {  	s3 =	ssub.s32 $0x0, s20;
	[sflag:s22] =	ssyncset.done $0x0  }
0xa0: {  	[sflag:s22] =	ssyncadd.s32 s3;
	_ =	sdelay $0x1  }
0xa1: {  	s23 =	simm.s32 $0x1B8B  }
0xa2: {  	_ =	swait.ge [sflag:s23], $0x1  }
0xa3: {  	[sflag:s23] =	ssyncset.done $0x0  }
0xa4: {  	s25 =	simm.s32 $0x1B8E;
	s24 =	sld [smem:$0x3FFE];
	[sflag:s23] =	ssyncadd.s32 $0xFFFFFFFF  }
0xa5: {  	s26 =	simm.s32 $execute0_lowered;
	[smem:$0x3FD2] =	sst s25  }
0xa6: {  	s4 =	sshll.u32 s26, $0x1;
	_ =	strace $0x8000004C;
	[dreg:$0x1] =	wrdreg $0xFFFFFFFF  }
0xa7: {  	s28 =	simm.s32 $_size_execute0_lowered;
	s2 =	sadd.s32 s2, s4;
	[dreg:$0x0] =	wrdreg $0x0  }
0xa8: {  	s4 =	sshll.u32 s28, $0x1;
	[dreg:$0x2] =	wrdreg s2  }
0xa9: {  	[dreg:$0x3] =	wrdreg s4  }
0xaa: {  	[dreg:$0x4] =	wrdreg $0xC0  }
0xab: {  	_ =	task [dreg:s6], $0x5FFFF  }
0xac: {  	[dreg:$0x1] =	wrdreg $0xFFFFFFFF  }
0xad: {  	[dreg:$0x0] =	wrdreg $0x60  }
0xae: {  	[dreg:$0x2] =	wrdreg s24  }
0xaf: {  	[dreg:$0x3] =	wrdreg $0x0  }
0xb0: {  	[dreg:$0x4] =	wrdreg $0x9  }
0xb1: {  	_ =	task.clear_ibuf [dreg:s6], $0x5FFFF;
	_ =	strace $0x9000004C  }
0xb2: {  	s29 =	simm.s32 $0x9;
	_ =	strace $0x8000004E  }
0xb3: {  	_ =	swait.ge [sflag:s29], $0x1  }
0xb4: {  	[sflag:s29] =	ssyncadd.s32 $0xFFFFFFFF  }
0xb5: {  	_ =	strace $0x9000004E  }
0xb6: {  	_ =	sfence  }
0xb7: {  	s30 =	sld [smem:$0x0];
	_ =	sdelay $0x2  }
0xb8: {  	s31 =	sshll.u32 s1, $0xD;
	s1 =	sshrl.u32 s1, $0x2  }
0xb9: {  	s3 =	sand.u32 $0x4000, s31;
	s1 =	sadd.s32 s1, s30  }
0xba: {  	s0 =	sor.u32 s3, s0;
	s1 =	sshll.u32 s1, $0x11  }
0xbb: {  	s0 =	sor.u32 s1, s0  }
0xbc: {  	s0 =	sadd.s32 $0x8F2B, s0  }
0xbd: {  	[sflag:s0] =	ssyncadd.remote.s32 $0x1  }
0xbe: {  	_ =	sfence.sel $0xFFFF  }
0xbf: {  	[dreg:$0x0] =	wrdreg $0xFFFFFFFF;
	(pc) =	sbr.abs _section_cstart, $3  }
0xc0: {  	[dreg:$0x1] =	wrdreg $0xFFFFFFFF  }
0xc1: {  	_ =	task.clear_ibuf [dreg:s6], $0x2FFFF;
	_ =	strace $0x9FFFFFFF  }
0xc2: {  	(tm) =	ssettm $0x7FFFFFFF  }
0xc3: {  	_ =	shalt  }
tec
execute0_lowered:
.L_overlay_start_1:
0x0: {  	(tag) =	ssettag $0x1  }
0x1: {  	s0 =	rddreg [dreg:$0x0]  }
0x2: {  	s1 =	rddreg [dreg:$0x1]  }
0x3: {  	s2 =	srdreg.scid;
	s3 =	simm.s32 $0x0;
	s13 =	stileid.u32  }
0x4: {  	s14 =	simm.s32 $0x1D000;
	s15 =	simm.s32 $0x3;
	s16 =	simm.s32 $0x19000  }
0x5: {  	s28 =	simm.s32 $0x1A000;
	s30 =	simm.s32 $0x1A800;
	s31 =	simm.s32 $0x1  }
0x6: {  	s29 =	simm.s32 $0x1C000;
	s2 =	sand.u32 $0x1, s2;
	s6 =	smul.u32 $0x18800, s13  }
0x7: {  	[smem:$0x7FF] =	sst s3;
	s4 =	sadd.s32 $0x1A00, s0;
	s11 =	smul.u32 $0x62000, s13  }
0x8: {  	s7 =	sadd.s32 $0xC5A00, s0;
	s8 =	sadd.s32 $0x63A00, s0;
	s24 =	smul.u32 $0x3100, s13  }
0x9: {  	s5 =	smul.u32 $0x188000, s2;
	_ =	strace $0x8000004D;
	s9 =	sshll.u32 s2, $0x4  }
0xa: {  	s10 =	ssub.s32 $0x2, s2;
	s2 =	smul.u32 $0x31000, s2;
	s9 =	sor.u32 s13, s9  }
0xb: {  	s12 =	sshrl.u32 s10, $0x1;
	s19 =	sshrl.u32 s11, $0x2;
	s11 =	simm.s32 $0x18A00  }
0xc: {  	s5 =	sadd.s32 s6, s5;
	s9 =	smul.u32 $0x3100, s9;
	s10 =	ssub.s32 s10, s12  }
0xd: {  	s6 =	sadd.s32 s6, s1;
	s12 =	simm.s32 $0x18E00;
	s5 =	sshrl.u32 s5, $0x3  }
0xe: {  	s25 =	smax.u32 s10, $0x1;
	s10 =	simm.s32 $0x18C00;
	s0 =	sadd.s32 s5, s0  }
0xf: {  	s5 =	sadd.s32 s19, s1;
	s20 =	sadd.s32 s7, s9;
	[dreg:$0x8] =	wrdreg s25  }
0x10: {  	s21 =	sor.u32 $0x40, s9;
	s9 =	sadd.s32 s8, s9;
	[dreg:$0x3] =	wrdreg s20  }
0x11: {  	s25 =	sshrl.u32 s6, $0x3;
	[dreg:$0x4] =	wrdreg s9;
	s22 =	sadd.s32 s7, s21  }
0x12: {  	s23 =	sadd.s32 s8, s21;
	s0 =	sadd.s32 $0x127A00, s0;
	[dreg:$0x5] =	wrdreg s22  }
0x13: {  	s8 =	sadd.s32 s2, s8;
	s2 =	sadd.s32 s2, s7;
	[dreg:$0x6] =	wrdreg s23  }
0x14: {  	s20 =	simm.s32 $0x2;
	s21 =	simm.s32 $0x80;
	[dreg:$0x7] =	wrdreg s0  }
0x15: {  	s26 =	sadd.s32 s24, s8;
	s0 =	sadd.s32 s24, s2;
	s24 =	simm.s32 $0x19800  }
0x16: {  	s2 =	simm.s32 $0x1C800;
	s23 =	simm.s32 $0x0;
	s9 =	sadd.s32 $0x80, s26  }
0x17: {  	v0 =	vimm.f32 $0.0e+00;
	s13 =	sadd.s32 $0x80, s0;
	s0 =	simm.s32 $0x1B000;
	s26 =	simm.s32 $0x1B800  }
.LBB2_1:
0x18: {  	s6 =	simm.s32 $0x0  }
.LBB2_2:
0x19: {  	p0 =	sne.s32 s6, $0x1FC0  }
.Ltmp0:
0x1a: {  	_ = 	snop;
	(pc) =	sbr.rel @p0 .LBB2_2-.Ltmp0, $3  }
0x1b: {  	_ =	sdelay $0x1  }
0x1c: {  	s7 =	sshra.s32 s6, $0x2  }
0x1d: {  	s6 =	sadd.s32 $0x40, s6;
	[tilespmem:s7+$0x1D000] =	vst v0  }
0x1e: {  	s6 =	sadd.s32 $0x0, s5  }
0x1f: {  	[spmem:s6] =	stream.linear.scatter [tilespmem:s14], [sflag:$0x3], $0x800, $0x38;
	[tilespmem:$0x1D800] =	vst v63  }
0x20: {  	s6 =	simm.s32 $0x2000;
	_ =	swait.ge [sflag:s15], $0x800  }
.LBB2_4:
0x21: {  	s7 =	sshra.s32 s6, $0x2;
	[sflag:s15] =	ssyncset.done $0x0;
	p0 =	sne.s32 s6, $0x60000  }
.Ltmp1:
0x22: {  	s7 =	sadd.s32 s7, s5;
	[sflag:s15] =	ssyncadd.s32 $0xFFFFF800;
	(pc) =	sbr.rel @p0 .LBB2_4-.Ltmp1, $3  }
0x23: {  	[spmem:s7] =	stream.linear.scatter [tilespmem:s14], [sflag:$0x3], $0x800, $0x38;
	[tilespmem:$0x1D800] =	vst v63  }
0x24: {  	s6 =	sadd.s32 $0x2000, s6;
	_ =	sdelay $0x1  }
0x25: {  	_ =	swait.ge [sflag:s15], $0x800  }
0x26: {  	[sflag:s15] =	ssyncset.done $0x0  }
0x27: {  	[sflag:s15] =	ssyncadd.s32 $0xFFFFF800  }
0x28: {  	[bflag:$0x0] =	sbarrier.arrive $0xFFFF  }
0x29: {  	s6 =	simm.s32 $0x0;
	s8 =	simm.s32 $0x18800;
	s7 =	rddreg [dreg:$0x3]  }
0x2a: {  	[tilespmem:s8], [sflag:$0x2] =	stream.linear.gather [hbm4b:s7+s6], $0x200, $0x38;
	[tilespmem:$0x1D800] =	vst v63  }
0x2b: {  	s22 =	rddreg [dreg:$0x4]  }
0x2c: {  	[tilespmem:s10], [sflag:$0x2] =	stream.linear.gather [hbm4b:s22+s6], $0x200, $0x38;
	[tilespmem:$0x1D800] =	vst v63  }
0x2d: {  	s10 =	rddreg [dreg:$0x5]  }
0x2e: {  	[tilespmem:s11], [sflag:$0x2] =	stream.linear.gather [hbm4b:s10+s6], $0x200, $0x38;
	[tilespmem:$0x1D800] =	vst v63  }
0x2f: {  	s11 =	rddreg [dreg:$0x6]  }
0x30: {  	[tilespmem:s12], [sflag:$0x2] =	stream.linear.gather [hbm4b:s11+s6], $0x200, $0x38;
	[tilespmem:$0x1D800] =	vst v63  }
0x31: {  	_ =	swait.ge [sflag:s20], $0x200  }
0x32: {  	[sflag:s20] =	ssyncset.done $0x0  }
0x33: {  	[sflag:s20] =	ssyncadd.s32 $0xFFFFFE00  }
0x34: {  	_ =	swait.ge [sflag:s20], $0x200  }
0x35: {  	[sflag:s20] =	ssyncset.done $0x0  }
0x36: {  	[sflag:s20] =	ssyncadd.s32 $0xFFFFFE00  }
0x37: {  	[tilespmem:s16], [sflag:$0x1] =	stream.indirect.gather [hbm4b:s4+s21], $0x10, s8, s21, $0xb8;
	[tilespmem:$0x1D800] =	vst v63  }
0x38: {  	s16 =	simm.s32 $0x18880  }
0x39: {  	[tilespmem:s24], [sflag:$0x1] =	stream.indirect.gather [hbm4b:s4+s21], $0x10, s16, s21, $0xb8;
	[tilespmem:$0x1D800] =	vst v63  }
0x3a: {  	s17 =	simm.s32 $0x18900  }
0x3b: {  	[tilespmem:s28], [sflag:$0x1] =	stream.indirect.gather [hbm4b:s4+s21], $0x10, s17, s21, $0xb8;
	[tilespmem:$0x1D800] =	vst v63  }
0x3c: {  	s18 =	simm.s32 $0x18980  }
0x3d: {  	[tilespmem:s30], [sflag:$0x1] =	stream.indirect.gather [hbm4b:s4+s21], $0x10, s18, s21, $0xb8;
	[tilespmem:$0x1D800] =	vst v63  }
0x3e: {  	_ =	swait.ge [sflag:s31], $0x800  }
0x3f: {  	[sflag:s31] =	ssyncset.done $0x0  }
0x40: {  	[sflag:s31] =	ssyncadd.s32 $0xFFFFF800  }
0x41: {  	_ =	swait.ge [sflag:s31], $0x800  }
0x42: {  	[sflag:s31] =	ssyncset.done $0x0  }
0x43: {  	[sflag:s31] =	ssyncadd.s32 $0xFFFFF800  }
0x44: {  	_ =	swait.ge [sflag:s31], $0x800  }
0x45: {  	[sflag:s31] =	ssyncset.done $0x0  }
0x46: {  	[sflag:s31] =	ssyncadd.s32 $0xFFFFF800  }
0x47: {  	_ =	swait.ge [sflag:s31], $0x800  }
0x48: {  	[sflag:s31] =	ssyncset.done $0x0  }
0x49: {  	[sflag:s31] =	ssyncadd.s32 $0xFFFFF800  }
0x4a: {  	_ =	swait.ge [sflag:s20], $0x200  }
0x4b: {  	[sflag:s20] =	ssyncset.done $0x0  }
0x4c: {  	s6 =	sand.u32 $0x1, s6;
	[sflag:s20] =	ssyncadd.s32 $0xFFFFFE00  }
0x4d: {  	s19 =	sxor.u32 $0x1, s6;
	_ =	swait.ge [sflag:s20], $0x200  }
0x4e: {  	s7 =	sshll.u32 s19, $0x9;
	s8 =	sshll.u32 s19, $0xD;
	[sflag:s20] =	ssyncset.done $0x0  }
0x4f: {  	s11 =	sor.u32 $0x18800, s7;
	s22 =	sor.u32 $0x19000, s8;
	[sflag:s20] =	ssyncadd.s32 $0xFFFFFE00  }
0x50: {  	[tilespmem:s22], [sflag:$0x1] =	stream.indirect.gather [hbm4b:s4+s21], $0x10, s11, s21, $0xb8;
	[tilespmem:$0x1D800] =	vst v63  }
0x51: {  	s16 =	sor.u32 $0x19800, s8;
	s17 =	sor.u32 $0x18880, s7  }
0x52: {  	[tilespmem:s16], [sflag:$0x1] =	stream.indirect.gather [hbm4b:s4+s21], $0x10, s17, s21, $0xb8;
	[tilespmem:$0x1D800] =	vst v63  }
0x53: {  	s19 =	sor.u32 $0x18900, s7;
	s7 =	sor.u32 $0x18980, s7;
	s18 =	sadd.s32 $0x1A000, s8  }
0x54: {  	[tilespmem:s18], [sflag:$0x1] =	stream.indirect.gather [hbm4b:s4+s21], $0x10, s19, s21, $0xb8;
	[tilespmem:$0x1D800] =	vst v63  }
0x55: {  	s8 =	sadd.s32 $0x1A800, s8;
	s22 =	sshll.u32 s6, $0xD;
	s6 =	sshll.u32 s6, $0x9  }
0x56: {  	[tilespmem:s8], [sflag:$0x1] =	stream.indirect.gather [hbm4b:s4+s21], $0x10, s7, s21, $0xb8;
	[tilespmem:$0x1D800] =	vst v63  }
0x57: {  	s10 =	sor.u32 $0x18C00, s6;
	s8 =	sor.u32 $0x19000, s22  }
0x58: {  	[spmem:s1] =	stream.indirect.scatter.add.f32 [tilespmem:s8], [sflag:$0x3], $0x10, s10, s21, $0xb8;
	[tilespmem:$0x1D800] =	vst v63  }
0x59: {  	_ =	swait.ge [sflag:s15], $0x800  }
0x5a: {  	[sflag:s15] =	ssyncset.done $0x0  }
0x5b: {  	s11 =	sor.u32 $0x19800, s22;
	s16 =	sor.u32 $0x18C80, s6;
	[sflag:s15] =	ssyncadd.s32 $0xFFFFF800  }
0x5c: {  	[spmem:s1] =	stream.indirect.scatter.add.f32 [tilespmem:s11], [sflag:$0x3], $0x10, s16, s21, $0xb8;
	[tilespmem:$0x1D800] =	vst v63  }
0x5d: {  	_ =	swait.ge [sflag:s15], $0x800  }
0x5e: {  	[sflag:s15] =	ssyncset.done $0x0  }
0x5f: {  	s17 =	sadd.s32 $0x1A000, s22;
	s18 =	sor.u32 $0x18D00, s6;
	[sflag:s15] =	ssyncadd.s32 $0xFFFFF800  }
0x60: {  	[spmem:s1] =	stream.indirect.scatter.add.f32 [tilespmem:s17], [sflag:$0x3], $0x10, s18, s21, $0xb8;
	[tilespmem:$0x1D800] =	vst v63  }
0x61: {  	_ =	swait.ge [sflag:s15], $0x800  }
0x62: {  	[sflag:s15] =	ssyncset.done $0x0  }
0x63: {  	s19 =	sadd.s32 $0x1A800, s22;
	s22 =	sor.u32 $0x18D80, s6;
	[sflag:s15] =	ssyncadd.s32 $0xFFFFF800  }
0x64: {  	[spmem:s1] =	stream.indirect.scatter.add.f32 [tilespmem:s19], [sflag:$0x3], $0x10, s22, s21, $0xb8;
	[tilespmem:$0x1D800] =	vst v63  }
0x65: {  	_ =	swait.ge [sflag:s15], $0x800  }
0x66: {  	[sflag:s15] =	ssyncset.done $0x0  }
0x67: {  	s12 =	smov.u32 s9;
	s6 =	sor.u32 $0x18800, s6;
	[sflag:s15] =	ssyncadd.s32 $0xFFFFF800  }
0x68: {  	[tilespmem:s6], [sflag:$0x2] =	stream.linear.gather [hbm4b:s13+s3], $0x200, $0x38;
	[tilespmem:$0x1D800] =	vst v63  }
0x69: {  	s7 =	sadd.s32 $0x40, s9;
	s8 =	sadd.s32 $0x40, s13;
	s6 =	simm.s32 $0x1  }
.LBB2_6:
0x6a: {  	[tilespmem:s10], [sflag:$0x2] =	stream.linear.gather [hbm4b:s12+s3], $0x200, $0x38;
	[tilespmem:$0x1D800] =	vst v63  }
0x6b: {  	s10 =	smov.u32 s6;
	s12 =	smov.u32 s7  }
0x6c: {  	p0 =	sne.s32 s6, $0xC1;
	s6 =	sadd.s32 $0x1, s6;
	_ =	swait.ge [sflag:s31], $0x800  }
0x6d: {  	[sflag:s31] =	ssyncset.done $0x0  }
0x6e: {  	[sflag:s31] =	ssyncadd.s32 $0xFFFFF800  }
0x6f: {  	_ =	swait.ge [sflag:s31], $0x800  }
0x70: {  	[sflag:s31] =	ssyncset.done $0x0  }
0x71: {  	[sflag:s31] =	ssyncadd.s32 $0xFFFFF800  }
0x72: {  	_ =	swait.ge [sflag:s31], $0x800  }
0x73: {  	[sflag:s31] =	ssyncset.done $0x0  }
0x74: {  	[sflag:s31] =	ssyncadd.s32 $0xFFFFF800  }
0x75: {  	_ =	swait.ge [sflag:s31], $0x800  }
0x76: {  	[sflag:s31] =	ssyncset.done $0x0  }
0x77: {  	[sflag:s31] =	ssyncadd.s32 $0xFFFFF800  }
0x78: {  	_ =	swait.ge [sflag:s20], $0x200  }
0x79: {  	[sflag:s20] =	ssyncset.done $0x0  }
0x7a: {  	s10 =	sand.u32 $0x1, s10;
	[sflag:s20] =	ssyncadd.s32 $0xFFFFFE00  }
0x7b: {  	s11 =	sshll.u32 s10, $0xD;
	s16 =	sxor.u32 $0x1, s10;
	_ =	swait.ge [sflag:s20], $0x200  }
0x7c: {  	s17 =	sshll.u32 s16, $0xD;
	s16 =	sshll.u32 s16, $0x9;
	[sflag:s20] =	ssyncset.done $0x0  }
0x7d: {  	s18 =	sor.u32 $0x19000, s17;
	s19 =	sor.u32 $0x18800, s16;
	[sflag:s20] =	ssyncadd.s32 $0xFFFFFE00  }
0x7e: {  	[tilespmem:s18], [sflag:$0x1] =	stream.indirect.gather [hbm4b:s4+s21], $0x10, s19, s21, $0xb8;
	[tilespmem:$0x1D800] =	vst v63  }
0x7f: {  	s22 =	sshll.u32 s10, $0x9;
	s18 =	sor.u32 $0x19800, s17;
	s19 =	sor.u32 $0x18880, s16  }
0x80: {  	[tilespmem:s18], [sflag:$0x1] =	stream.indirect.gather [hbm4b:s4+s21], $0x10, s19, s21, $0xb8;
	[tilespmem:$0x1D800] =	vst v63  }
0x81: {  	s10 =	sadd.s32 $0x1A000, s17;
	s18 =	sor.u32 $0x18900, s16  }
0x82: {  	[tilespmem:s10], [sflag:$0x1] =	stream.indirect.gather [hbm4b:s4+s21], $0x10, s18, s21, $0xb8;
	[tilespmem:$0x1D800] =	vst v63  }
0x83: {  	s16 =	sor.u32 $0x18980, s16;
	s10 =	sadd.s32 $0x1A800, s17  }
0x84: {  	[tilespmem:s10], [sflag:$0x1] =	stream.indirect.gather [hbm4b:s4+s21], $0x10, s16, s21, $0xb8;
	[tilespmem:$0x1D800] =	vst v63  }
0x85: {  	s16 =	sor.u32 $0x19000, s11;
	s10 =	sor.u32 $0x18C00, s22  }
0x86: {  	[spmem:s1] =	stream.indirect.scatter.add.f32 [tilespmem:s16], [sflag:$0x3], $0x10, s10, s21, $0xb8;
	[tilespmem:$0x1D800] =	vst v63  }
0x87: {  	_ =	swait.ge [sflag:s15], $0x800  }
0x88: {  	[sflag:s15] =	ssyncset.done $0x0  }
0x89: {  	s17 =	sor.u32 $0x18C80, s22;
	s16 =	sor.u32 $0x19800, s11;
	[sflag:s15] =	ssyncadd.s32 $0xFFFFF800  }
0x8a: {  	[spmem:s1] =	stream.indirect.scatter.add.f32 [tilespmem:s16], [sflag:$0x3], $0x10, s17, s21, $0xb8;
	[tilespmem:$0x1D800] =	vst v63  }
0x8b: {  	_ =	swait.ge [sflag:s15], $0x800  }
0x8c: {  	[sflag:s15] =	ssyncset.done $0x0  }
0x8d: {  	s16 =	sadd.s32 $0x1A000, s11;
	s17 =	sor.u32 $0x18D00, s22;
	[sflag:s15] =	ssyncadd.s32 $0xFFFFF800  }
0x8e: {  	[spmem:s1] =	stream.indirect.scatter.add.f32 [tilespmem:s16], [sflag:$0x3], $0x10, s17, s21, $0xb8;
	[tilespmem:$0x1D800] =	vst v63  }
0x8f: {  	_ =	swait.ge [sflag:s15], $0x800  }
0x90: {  	[sflag:s15] =	ssyncset.done $0x0  }
0x91: {  	s11 =	sadd.s32 $0x1A800, s11;
	s16 =	sor.u32 $0x18D80, s22;
	[sflag:s15] =	ssyncadd.s32 $0xFFFFF800  }
0x92: {  	[spmem:s1] =	stream.indirect.scatter.add.f32 [tilespmem:s11], [sflag:$0x3], $0x10, s16, s21, $0xb8;
	[tilespmem:$0x1D800] =	vst v63  }
.Ltmp2:
0x93: {  	_ =	swait.ge [sflag:s15], $0x800;
	(pc) =	sbr.rel @p0 .LBB2_6-.Ltmp2, $4  }
0x94: {  	[sflag:s15] =	ssyncset.done $0x0  }
0x95: {  	s11 =	sor.u32 $0x18800, s22;
	[sflag:s15] =	ssyncadd.s32 $0xFFFFF800  }
0x96: {  	[tilespmem:s11], [sflag:$0x2] =	stream.linear.gather [hbm4b:s8+s3], $0x200, $0x38;
	[tilespmem:$0x1D800] =	vst v63  }
0x97: {  	s7 =	sadd.s32 $0x40, s7;
	s8 =	sadd.s32 $0x40, s8  }
0x98: {  	[tilespmem:s10], [sflag:$0x2] =	stream.linear.gather [hbm4b:s12+s3], $0x200, $0x38;
	[tilespmem:$0x1D800] =	vst v63  }
0x99: {  	_ =	swait.ge [sflag:s31], $0x800  }
0x9a: {  	[sflag:s31] =	ssyncset.done $0x0  }
0x9b: {  	[sflag:s31] =	ssyncadd.s32 $0xFFFFF800  }
0x9c: {  	_ =	swait.ge [sflag:s31], $0x800  }
0x9d: {  	[sflag:s31] =	ssyncset.done $0x0  }
0x9e: {  	[sflag:s31] =	ssyncadd.s32 $0xFFFFF800  }
0x9f: {  	_ =	swait.ge [sflag:s31], $0x800  }
0xa0: {  	[sflag:s31] =	ssyncset.done $0x0  }
0xa1: {  	[sflag:s31] =	ssyncadd.s32 $0xFFFFF800  }
0xa2: {  	_ =	swait.ge [sflag:s31], $0x800  }
0xa3: {  	[sflag:s31] =	ssyncset.done $0x0  }
0xa4: {  	[sflag:s31] =	ssyncadd.s32 $0xFFFFF800  }
0xa5: {  	_ =	swait.ge [sflag:s20], $0x200  }
0xa6: {  	[sflag:s20] =	ssyncset.done $0x0  }
0xa7: {  	[sflag:s20] =	ssyncadd.s32 $0xFFFFFE00  }
0xa8: {  	_ =	swait.ge [sflag:s20], $0x200  }
0xa9: {  	[sflag:s20] =	ssyncset.done $0x0  }
0xaa: {  	s11 =	simm.s32 $0x18A00;
	[sflag:s20] =	ssyncadd.s32 $0xFFFFFE00  }
0xab: {  	[tilespmem:s0], [sflag:$0x1] =	stream.indirect.gather [hbm4b:s4+s21], $0x10, s11, s21, $0xb8;
	[tilespmem:$0x1D800] =	vst v63  }
0xac: {  	s6 =	simm.s32 $0x18A80  }
0xad: {  	[tilespmem:s26], [sflag:$0x1] =	stream.indirect.gather [hbm4b:s4+s21], $0x10, s6, s21, $0xb8;
	[tilespmem:$0x1D800] =	vst v63  }
0xae: {  	s17 =	simm.s32 $0x18B00  }
0xaf: {  	[tilespmem:s29], [sflag:$0x1] =	stream.indirect.gather [hbm4b:s4+s21], $0x10, s17, s21, $0xb8;
	[tilespmem:$0x1D800] =	vst v63  }
0xb0: {  	s18 =	simm.s32 $0x18B80  }
0xb1: {  	[tilespmem:s2], [sflag:$0x1] =	stream.indirect.gather [hbm4b:s4+s21], $0x10, s18, s21, $0xb8;
	[tilespmem:$0x1D800] =	vst v63  }
0xb2: {  	s10 =	simm.s32 $0x18C00;
	s16 =	simm.s32 $0x19000  }
0xb3: {  	[spmem:s1] =	stream.indirect.scatter.add.f32 [tilespmem:s16], [sflag:$0x3], $0x10, s10, s21, $0xb8;
	[tilespmem:$0x1D800] =	vst v63  }
0xb4: {  	_ =	swait.ge [sflag:s15], $0x800  }
0xb5: {  	[sflag:s15] =	ssyncset.done $0x0  }
0xb6: {  	s19 =	simm.s32 $0x18C80;
	[sflag:s15] =	ssyncadd.s32 $0xFFFFF800  }
0xb7: {  	[spmem:s1] =	stream.indirect.scatter.add.f32 [tilespmem:s24], [sflag:$0x3], $0x10, s19, s21, $0xb8;
	[tilespmem:$0x1D800] =	vst v63  }
0xb8: {  	_ =	swait.ge [sflag:s15], $0x800  }
0xb9: {  	[sflag:s15] =	ssyncset.done $0x0  }
0xba: {  	s22 =	simm.s32 $0x18D00;
	[sflag:s15] =	ssyncadd.s32 $0xFFFFF800  }
0xbb: {  	[spmem:s1] =	stream.indirect.scatter.add.f32 [tilespmem:s28], [sflag:$0x3], $0x10, s22, s21, $0xb8;
	[tilespmem:$0x1D800] =	vst v63  }
0xbc: {  	_ =	swait.ge [sflag:s15], $0x800  }
0xbd: {  	[sflag:s15] =	ssyncset.done $0x0  }
0xbe: {  	s7 =	simm.s32 $0x18D80;
	[sflag:s15] =	ssyncadd.s32 $0xFFFFF800  }
0xbf: {  	[spmem:s1] =	stream.indirect.scatter.add.f32 [tilespmem:s30], [sflag:$0x3], $0x10, s7, s21, $0xb8;
	[tilespmem:$0x1D800] =	vst v63  }
0xc0: {  	_ =	swait.ge [sflag:s15], $0x800  }
0xc1: {  	[sflag:s15] =	ssyncset.done $0x0  }
0xc2: {  	[sflag:s15] =	ssyncadd.s32 $0xFFFFF800  }
0xc3: {  	_ =	swait.ge [sflag:s31], $0x800  }
0xc4: {  	[sflag:s31] =	ssyncset.done $0x0  }
0xc5: {  	[sflag:s31] =	ssyncadd.s32 $0xFFFFF800  }
0xc6: {  	_ =	swait.ge [sflag:s31], $0x800  }
0xc7: {  	[sflag:s31] =	ssyncset.done $0x0  }
0xc8: {  	[sflag:s31] =	ssyncadd.s32 $0xFFFFF800  }
0xc9: {  	_ =	swait.ge [sflag:s31], $0x800  }
0xca: {  	[sflag:s31] =	ssyncset.done $0x0  }
0xcb: {  	[sflag:s31] =	ssyncadd.s32 $0xFFFFF800  }
0xcc: {  	_ =	swait.ge [sflag:s31], $0x800  }
0xcd: {  	[sflag:s31] =	ssyncset.done $0x0  }
0xce: {  	s12 =	simm.s32 $0x18E00;
	[sflag:s31] =	ssyncadd.s32 $0xFFFFF800  }
0xcf: {  	[spmem:s1] =	stream.indirect.scatter.add.f32 [tilespmem:s0], [sflag:$0x3], $0x10, s12, s21, $0xb8;
	[tilespmem:$0x1D800] =	vst v63  }
0xd0: {  	_ =	swait.ge [sflag:s15], $0x800  }
0xd1: {  	[sflag:s15] =	ssyncset.done $0x0  }
0xd2: {  	s8 =	simm.s32 $0x18E80;
	[sflag:s15] =	ssyncadd.s32 $0xFFFFF800  }
0xd3: {  	[spmem:s1] =	stream.indirect.scatter.add.f32 [tilespmem:s26], [sflag:$0x3], $0x10, s8, s21, $0xb8;
	[tilespmem:$0x1D800] =	vst v63  }
0xd4: {  	_ =	swait.ge [sflag:s15], $0x800  }
0xd5: {  	[sflag:s15] =	ssyncset.done $0x0  }
0xd6: {  	s17 =	simm.s32 $0x18F00;
	[sflag:s15] =	ssyncadd.s32 $0xFFFFF800  }
0xd7: {  	[spmem:s1] =	stream.indirect.scatter.add.f32 [tilespmem:s29], [sflag:$0x3], $0x10, s17, s21, $0xb8;
	[tilespmem:$0x1D800] =	vst v63  }
0xd8: {  	_ =	swait.ge [sflag:s15], $0x800  }
0xd9: {  	[sflag:s15] =	ssyncset.done $0x0  }
0xda: {  	s18 =	simm.s32 $0x18F80;
	[sflag:s15] =	ssyncadd.s32 $0xFFFFF800  }
0xdb: {  	[spmem:s1] =	stream.indirect.scatter.add.f32 [tilespmem:s2], [sflag:$0x3], $0x10, s18, s21, $0xb8;
	[tilespmem:$0x1D800] =	vst v63  }
0xdc: {  	_ =	swait.ge [sflag:s15], $0x800  }
0xdd: {  	[sflag:s15] =	ssyncset.done $0x0  }
0xde: {  	s19 =	stileid.u32;
	[sflag:s15] =	ssyncadd.s32 $0xFFFFF800  }
0xdf: {  	s6 =	sshll.u32 s19, $0x6;
	[bflag:$0x0] =	sbarrier.arrive $0xFFFF  }
0xe0: {  	s6 =	sor.u32 $0x1C03, s6;
	s7 =	rddreg [dreg:$0x7]  }
0xe1: {  	[hbm:s7], [sflag:s6] =	dma.local [spmem:s25], $0x3100  }
0xe2: {  	_ =	swait.ge [sflag:s15], $0x3100  }
0xe3: {  	s23 =	sadd.s32 $0x1, s23;
	s22 =	rddreg [dreg:$0x8]  }
0xe4: {  	p0 =	sne.s32 s23, s22  }
.Ltmp3:
0xe5: {  	_ = 	snop;
	(pc) =	sbr.rel @p0 .LBB2_1-.Ltmp3, $3  }
0xe6: {  	_ =	sdelay $0x1  }
0xe7: {  	[sflag:s15] =	ssyncset.done $0x0  }
0xe8: {  	[sflag:s15] =	ssyncadd.s32 $0xFFFFCF00  }
0xe9: {  	_ =	sfence.sel $0x180000  }
0xea: {  	[bflag:$0x0] =	sbarrier.arrive $0xFFFF  }
0xeb: {  	_ =	strace $0x9000004D  }
0xec: {  	s0 =	stileid.u32;
	[bflag:$0x2] =	sbarrier.arrive $0xFFFF  }
0xed: {  	p0 =	sne.s32 s0, $0x0;
	s0 =	rddreg [dreg:$0x2]  }
0xee: {  	s0 =	sadd.s32 @!p0 $0x100000, s0  }
0xef: {  	[sflag:s0] =	ssyncadd.tile.s32 @!p0 $0x1;
	_ =	shalt  }
.Lfunc_end2:
_tile_overlayer_lowered:
.L_overlay_start_2:
0xf0: {  	(tag) =	ssettag $0x2  }
0xf1: {  	s0 =	rddreg [dreg:$0x0];
	s2 =	stileid.u32  }
0xf2: {  	s1 =	rddreg [dreg:$0x1];
	p0 =	sne.s32 s2, $0x0  }
0xf3: {  	s3 =	rddreg [dreg:$0x2];
	[bflag:$0x3] =	sbarrier.arrive $0xFFFF;
	s2 =	simm.s32 @!p0 $0x1C03  }
0xf4: {  	[timem:s3], [sflag:s2] =	dma.local @!p0 [hbm:s0], s1  }
0xf5: {  	s0 =	simm.s32 @!p0 $0x3  }
0xf6: {  	_ =	swait.ge @!p0 [sflag:s0], s1  }
0xf7: {  	s1 =	ssub.s32 @!p0 $0x0, s1;
	[sflag:s0] =	ssyncset.done @!p0 $0x0  }
0xf8: {  	[sflag:s0] =	ssyncadd.s32 @!p0 s1  }
0xf9: {  	[bflag:$0x3] =	sbarrier.arrive $0xFFFF  }
0xfa: {  	_ =	shalt  }

// kernel: kernel.8.cloned.1.call-start
scs
__scs_entry_jumppad:
0x0: {  	(pc) =	sbr.rel $0x88, $3  }
0x1: {  	(tag) =	ssettag $0x0;
	lr =	simm.s32 $0x1  }
0x2: {  	[smem:$0x3F9B] =	sst lr;
	_ =	strace $0xD0000000  }
0x3: {  	_ = 	snop  }
0x4: {  	_ = 	snop  }
0x5: {  	_ = 	snop  }
0x6: {  	_ = 	snop  }
0x7: {  	_ = 	snop  }
__scs_overlays_trampoline_lowered:
0x8: {  	[smem:$0x3FAA] =	sst s0  }
0x9: {  	[smem:$0x3FAB] =	sst s1  }
0xa: {  	[smem:$0x3FAC] =	sst s2  }
0xb: {  	[smem:$0x3FAD] =	sst s3  }
0xc: {  	[smem:$0x3FAE] =	sst s4  }
0xd: {  	[smem:$0x3FAF] =	sst s5  }
0xe: {  	[smem:$0x3FB0] =	sst s6  }
0xf: {  	[smem:$0x3FB1] =	sst s7  }
0x10: {  	[smem:$0x3FB2] =	sst s8  }
0x11: {  	[smem:$0x3FB3] =	sst s9;
	s0 =	simm.s32 @!p0 $0x0  }
0x12: {  	s1 =	sld [smem:$0x3F99];
	s0 =	simm.s32 @p0 $0x1  }
0x13: {  	[smem:$0x3FB4] =	sst s0;
	s0 =	simm.s32 @!p1 $0x0  }
0x14: {  	s2 =	sld [smem:$0x3F98];
	s0 =	simm.s32 @p1 $0x1  }
0x15: {  	[smem:$0x3FB5] =	sst s0;
	s0 =	simm.s32 @!p2 $0x0  }
0x16: {  	s3 =	sld [smem:$0x3FDB];
	s0 =	simm.s32 @p2 $0x1  }
0x17: {  	s4 =	simm.s32 $0x1BF5;
	[smem:$0x3FB7] =	sst s0  }
0x18: {  	s0 =	sld [smem:$0x3F9A];
	_ =	swait.ge [sflag:s4], $0x0  }
0x19: {  	s7 =	sld [smem:$0x3F9B]  }
0x1a: {  	s8 =	sadd.s32 $0xFFFFE003, lr  }
0x1b: {  	s9 =	sadd.s32 $0xFFFFFEF7, lr;
	s5 =	simm.s32 $0xFFFFFFFF;
	p2 =	slt.u32 s8, $0xFFFFF086  }
0x1c: {  	p1 =	slt.u32 s9, $0xF7A;
	s5 =	simm.s32 @!p2 $0x0  }
0x1d: {  	s5 =	simm.s32 @p1 $0x1;
	p0 =	seq.s32 s7, s2  }
0x1e: {  	s7 =	smul.u32 @!p0 $0xF7A, s2;
	p2 =	seq.s32 @!p0 s5, $0x0  }
0x1f: {  	s9 =	smul.u32 $0xF7A, s1;
	s8 =	simm.s32 @!p0 $0x1BF5;
	p2 =	por !p2, p0  }
0x20: {  	[sflag:s8] =	ssyncset.s32 @!p0 $0xFFFFF086;
	s6 =	sadd.s32 @!p0 s3, s7;
	s7 =	simm.s32 @!p0 $0x108  }
0x21: {  	s3 =	sadd.s32 s3, s9;
	s6 =	sadd.s32 @!p0 $0x88, s6;
	s7 =	simm.s32 @p2 $0x1082  }
0x22: {  	[simem:s7], [sflag:s8] =	dma.local @!p0 [hbm:s6], $0xF7A  }
0x23: {  	s9 =	sor.u32 $0xD0000000, s2;
	s6 =	simm.s32 $0x108;
	_ =	swait.ge @!p0 [sflag:s8], $0x0  }
0x24: {  	s3 =	sadd.s32 $0x88, s3;
	s6 =	simm.s32 @!p1 $0x1082;
	[sflag:s4] =	ssyncset.s32 $0xFFFFF086  }
0x25: {  	[simem:s6], [sflag:s4] =	dma.local [hbm:s3], $0xF7A  }
0x26: {  	[smem:$0x3F9B] =	sst s1;
	(tag) =	ssettag s2;
	_ =	strace s9  }
0x27: {  	s1 =	sld [smem:$0x3FAB]  }
0x28: {  	s2 =	sld [smem:$0x3FAC]  }
0x29: {  	s4 =	sld [smem:$0x3FAE]  }
0x2a: {  	p0 =	seq.s32 s5, $0x0;
	s5 =	sld [smem:$0x3FAF]  }
0x2b: {  	s6 =	sld [smem:$0x3FB0]  }
0x2c: {  	s7 =	sld [smem:$0x3FB1]  }
0x2d: {  	s3 =	simm.s32 $0x108;
	s8 =	sld [smem:$0x3FB2]  }
0x2e: {  	s3 =	simm.s32 @!p0 $0x1082;
	s9 =	sld [smem:$0x3FB3]  }
0x2f: {  	lr =	sadd.s32 s0, s3;
	s0 =	sld [smem:$0x3FAA]  }
0x30: {  	s3 =	sld [smem:$0x3FAD]  }
0x31: {  	[smem:$0x3FB6] =	sst s10  }
0x32: {  	s10 =	sld [smem:$0x3FB4];
	_ =	sdelay $0x3  }
0x33: {  	p0 =	seq.s32 s10, $0x1;
	s10 =	sld [smem:$0x3FB6];
	_ =	sdelay $0x3  }
0x34: {  	[smem:$0x3FB6] =	sst s10  }
0x35: {  	s10 =	sld [smem:$0x3FB5];
	_ =	sdelay $0x3  }
0x36: {  	p1 =	seq.s32 s10, $0x1;
	s10 =	sld [smem:$0x3FB6];
	_ =	sdelay $0x3  }
0x37: {  	[smem:$0x3FB6] =	sst s10  }
0x38: {  	s10 =	sld [smem:$0x3FB7]  }
0x39: {  	_ = 	snop;
	(pc) =	sbr.ind lr, $3  }
0x3a: {  	_ = 	snop  }
0x3b: {  	_ = 	snop  }
0x3c: {  	p2 =	seq.s32 s10, $0x1;
	s10 =	sld [smem:$0x3FB6]  }
0x3d: {  	_ =	shalt  }
0x3e: {  	_ =	shalt  }
0x3f: {  	_ =	shalt  }
0x40: {  	_ =	shalt  }
0x41: {  	_ =	shalt  }
0x42: {  	_ =	shalt  }
0x43: {  	_ =	shalt  }
0x44: {  	_ =	shalt  }
0x45: {  	_ =	shalt  }
0x46: {  	_ =	shalt  }
0x47: {  	_ =	shalt  }
0x48: {  	_ =	shalt  }
0x49: {  	_ =	shalt  }
0x4a: {  	_ =	shalt  }
0x4b: {  	_ =	shalt  }
0x4c: {  	_ =	shalt  }
0x4d: {  	_ =	shalt  }
0x4e: {  	_ =	shalt  }
0x4f: {  	_ =	shalt  }
0x50: {  	_ =	shalt  }
0x51: {  	_ =	shalt  }
0x52: {  	_ =	shalt  }
0x53: {  	_ =	shalt  }
0x54: {  	_ =	shalt  }
0x55: {  	_ =	shalt  }
0x56: {  	_ =	shalt  }
0x57: {  	_ =	shalt  }
0x58: {  	_ =	shalt  }
0x59: {  	_ =	shalt  }
0x5a: {  	_ =	shalt  }
0x5b: {  	_ =	shalt  }
0x5c: {  	_ =	shalt  }
0x5d: {  	_ =	shalt  }
0x5e: {  	_ =	shalt  }
0x5f: {  	_ =	shalt  }
0x60: {  	_ =	shalt  }
0x61: {  	_ =	shalt  }
0x62: {  	_ =	shalt  }
0x63: {  	_ =	shalt  }
0x64: {  	_ =	shalt  }
0x65: {  	_ =	shalt  }
0x66: {  	_ =	shalt  }
0x67: {  	_ =	shalt  }
0x68: {  	_ =	shalt  }
0x69: {  	_ =	shalt  }
0x6a: {  	_ =	shalt  }
0x6b: {  	_ =	shalt  }
0x6c: {  	_ =	shalt  }
0x6d: {  	_ =	shalt  }
0x6e: {  	_ =	shalt  }
0x6f: {  	_ =	shalt  }
0x70: {  	_ =	shalt  }
0x71: {  	_ =	shalt  }
0x72: {  	_ =	shalt  }
0x73: {  	_ =	shalt  }
0x74: {  	_ =	shalt  }
0x75: {  	_ =	shalt  }
0x76: {  	_ =	shalt  }
0x77: {  	_ =	shalt  }
0x78: {  	_ =	shalt  }
0x79: {  	_ =	shalt  }
0x7a: {  	_ =	shalt  }
0x7b: {  	_ =	shalt  }
0x7c: {  	_ =	shalt  }
0x7d: {  	_ =	shalt  }
0x7e: {  	_ =	shalt  }
0x7f: {  	_ =	shalt  }
0x80: {  	_ =	shalt  }
0x81: {  	_ =	shalt  }
0x82: {  	_ =	shalt  }
0x83: {  	_ =	shalt  }
0x84: {  	_ =	shalt  }
0x85: {  	_ =	shalt  }
0x86: {  	_ =	shalt  }
0x87: {  	_ =	shalt  }
.Lfunc_end0:
.L_simem_size_0:
called_computation_lowered:
.L_overlay_start_0:
0x88: {  	s2 =	sld [smem:$0x3FD9]  }
0x89: {  	s3 =	sld [smem:$0x3FFE];
	_ =	sdelay $0x1  }
0x8a: {  	s1 =	srdreg.scid  }
0x8b: {  	s0 =	sand.u32 $0x1, s1  }
0x8c: {  	s17 =	sshll.u32 s0, $0xA;
	s2 =	sadd.s32 s3, s2  }
0x8d: {  	s2 =	sadd.s32 s2, s17  }
0x8e: {  	[smem:$0x3FC2] =	sst s2  }
0x8f: {  	_ = 	snop  }
0x90: {  	s2 =	sld [smem:$0x3FD0];
	(tm) =	ssettm $0x1  }
0x91: {  	s18 =	sld [smem:$0x3FFB];
	_ =	sdelay $0x3  }
0x92: {  	_ =	strace s18  }
0x93: {  	s3 =	sld [smem:$0x3FFC];
	_ =	sdelay $0x3  }
0x94: {  	_ =	strace s3  }
0x95: {  	s3 =	sld [smem:$0x3FFD];
	_ =	sdelay $0x3  }
0x96: {  	_ =	strace s3  }
0x97: {  	_ =	strace $0x8FFFFFFF  }
0x98: {  	s19 =	sld [smem:$0x3FDB];
	_ =	sdelay $0x1  }
0x99: {  	s4 =	simm.s32 $_scs_section_size  }
0x9a: {  	s5 =	simm.s32 $_size__tile_overlayer_lowered;
	s6 =	simm.s32 $_tile_overlayer_lowered  }
0x9b: {  	s22 =	simm.s32 $0x1BFF;
	s21 =	sshll.u32 s6, $0x1;
	s3 =	sadd.s32 s4, s19  }
0x9c: {  	s7 =	simm.s32 $0x0;
	s20 =	sshll.u32 s5, $0x1;
	s5 =	sadd.s32 s21, s3  }
0x9d: {  	[timem:s7], [sflag:s22] =	dma.local [hbm:s5], s20  }
0x9e: {  	_ =	swait.ge [sflag:s22], s20  }
0x9f: {  	s4 =	ssub.s32 $0x0, s20;
	[sflag:s22] =	ssyncset.done $0x0  }
0xa0: {  	[sflag:s22] =	ssyncadd.s32 s4;
	_ =	sdelay $0x1  }
0xa1: {  	s23 =	simm.s32 $0x1B8B  }
0xa2: {  	_ =	swait.ge [sflag:s23], $0x1  }
0xa3: {  	[sflag:s23] =	ssyncset.done $0x0  }
0xa4: {  	s25 =	simm.s32 $0x1B8E;
	s24 =	sld [smem:$0x3FFE];
	[sflag:s23] =	ssyncadd.s32 $0xFFFFFFFF  }
0xa5: {  	s26 =	simm.s32 $execute0_lowered;
	[smem:$0x3FD2] =	sst s25  }
0xa6: {  	s5 =	sshll.u32 s26, $0x1;
	_ =	strace $0x80000046;
	[dreg:$0x1] =	wrdreg $0xFFFFFFFF  }
0xa7: {  	s28 =	simm.s32 $_size_execute0_lowered;
	s3 =	sadd.s32 s3, s5;
	[dreg:$0x0] =	wrdreg $0x0  }
0xa8: {  	s5 =	sshll.u32 s28, $0x1;
	[dreg:$0x2] =	wrdreg s3  }
0xa9: {  	[dreg:$0x3] =	wrdreg s5  }
0xaa: {  	[dreg:$0x4] =	wrdreg $0xC0  }
0xab: {  	_ =	task [dreg:s7], $0x5FFFF  }
0xac: {  	[dreg:$0x1] =	wrdreg $0xFFFFFFFF  }
0xad: {  	[dreg:$0x0] =	wrdreg $0x60  }
0xae: {  	[dreg:$0x2] =	wrdreg s24  }
0xaf: {  	[dreg:$0x3] =	wrdreg s2  }
0xb0: {  	[dreg:$0x4] =	wrdreg $0x0  }
0xb1: {  	[dreg:$0x5] =	wrdreg $0x9  }
0xb2: {  	_ =	task.clear_ibuf [dreg:s7], $0x6FFFF;
	_ =	strace $0x90000046  }
0xb3: {  	s29 =	simm.s32 $0x9;
	_ =	strace $0x80000048  }
0xb4: {  	_ =	swait.ge [sflag:s29], $0x1  }
0xb5: {  	[sflag:s29] =	ssyncadd.s32 $0xFFFFFFFF  }
0xb6: {  	_ =	strace $0x90000048  }
0xb7: {  	_ =	sfence  }
0xb8: {  	s30 =	sld [smem:$0x0];
	_ =	sdelay $0x2  }
0xb9: {  	s31 =	sshll.u32 s1, $0xD;
	s1 =	sshrl.u32 s1, $0x2  }
0xba: {  	s3 =	sand.u32 $0x4000, s31;
	s1 =	sadd.s32 s1, s30  }
0xbb: {  	s0 =	sor.u32 s3, s0;
	s1 =	sshll.u32 s1, $0x11  }
0xbc: {  	s0 =	sor.u32 s1, s0  }
0xbd: {  	s0 =	sadd.s32 $0x8F2B, s0  }
0xbe: {  	[sflag:s0] =	ssyncadd.remote.s32 $0x1  }
0xbf: {  	_ =	sfence.sel $0xFFFF  }
0xc0: {  	[dreg:$0x0] =	wrdreg $0xFFFFFFFF;
	(pc) =	sbr.abs _section_cstart, $3  }
0xc1: {  	[dreg:$0x1] =	wrdreg $0xFFFFFFFF  }
0xc2: {  	_ =	task.clear_ibuf [dreg:s7], $0x2FFFF;
	_ =	strace $0x9FFFFFFF  }
0xc3: {  	(tm) =	ssettm $0x7FFFFFFF  }
tec
execute0_lowered:
.L_overlay_start_1:
0x0: {  	(tag) =	ssettag $0x1  }
0x1: {  	s4 =	rddreg [dreg:$0x0]  }
0x2: {  	s5 =	rddreg [dreg:$0x1]  }
0x3: {  	s1 =	rddreg [dreg:$0x2]  }
0x4: {  	s2 =	srdreg.scid;
	s0 =	rddreg [dreg:$0x3]  }
0x5: {  	s3 =	simm.s32 $0x0;
	s11 =	simm.s32 $0x80;
	s12 =	simm.s32 $0x1C80  }
0x6: {  	s13 =	simm.s32 $0x1900;
	s14 =	simm.s32 $0x1980;
	s15 =	simm.s32 $0x1A00  }
0x7: {  	s16 =	simm.s32 $0x1A80;
	s17 =	simm.s32 $0x1B00;
	s18 =	simm.s32 $0x1B80  }
0x8: {  	s19 =	simm.s32 $0x1C00;
	s22 =	simm.s32 $0x20;
	s6 =	sand.u32 $0x1, s2  }
0x9: {  	s23 =	simm.s32 $0x10;
	s2 =	stileid.u32;
	s7 =	smul.u32 $0x31000, s6  }
0xa: {  	s24 =	simm.s32 $0x0;
	[smem:$0x7FF] =	sst s3;
	s8 =	smul.u32 $0x6200, s2  }
0xb: {  	_ =	strace $0x80000047;
	s9 =	ssub.s32 $0x2, s6;
	s10 =	smul.u32 $0x3100, s2  }
0xc: {  	s6 =	sshll.u32 s6, $0x7;
	s20 =	sshll.u32 s2, $0x6;
	s30 =	sshrl.u32 s9, $0x1  }
0xd: {  	s20 =	sor.u32 $0x1C01, s20;
	s7 =	sadd.s32 s7, s4;
	s9 =	ssub.s32 s9, s30  }
0xe: {  	s31 =	sshrl.u32 s8, $0x2;
	s6 =	sor.u32 s6, s10;
	s8 =	simm.s32 $0x1D00  }
0xf: {  	s4 =	sadd.s32 s31, s1;
	s6 =	sshrl.u32 s6, $0x3;
	s7 =	sadd.s32 s10, s7  }
0x10: {  	s10 =	simm.s32 $0x1880;
	s5 =	sadd.s32 s5, s6;
	s6 =	smax.u32 s9, $0x1  }
0x11: {  	v0 =	vimm.f32 $1.000000000e+00;
	v1 =	vimm.f32 $0.0e+00;
	s7 =	sadd.s32 $0x1A00, s7;
	s9 =	simm.s32 $0x1;
	s21 =	sshrl.u32 s4, $0x3  }
.LBB2_1:
0x12: {  	[tilespmem:$0x1C80] =	vst v0  }
0x13: {  	[tilespmem:$0x1D00] =	vst v1  }
0x14: {  	[tilespmem:$0x1C90] =	vst v0  }
0x15: {  	[tilespmem:$0x1D10] =	vst v1  }
0x16: {  	[tilespmem:$0x1CA0] =	vst v0  }
0x17: {  	[tilespmem:$0x1D20] =	vst v1  }
0x18: {  	[tilespmem:$0x1CB0] =	vst v0  }
0x19: {  	[tilespmem:$0x1D30] =	vst v1  }
0x1a: {  	[tilespmem:$0x1CC0] =	vst v0  }
0x1b: {  	[tilespmem:$0x1D40] =	vst v1  }
0x1c: {  	[tilespmem:$0x1CD0] =	vst v0  }
0x1d: {  	[tilespmem:$0x1D50] =	vst v1  }
0x1e: {  	[tilespmem:$0x1CE0] =	vst v0  }
0x1f: {  	[tilespmem:$0x1D60] =	vst v1  }
0x20: {  	[tilespmem:$0x1CF0] =	vst v0  }
0x21: {  	[tilespmem:$0x1D70] =	vst v1;
	s25 =	sadd.s32 $0x0, s4  }
0x22: {  	[spmem:s25] =	stream.linear.scatter [tilespmem:s8], [sflag:$0x1], $0x80, $0x38;
	[tilespmem:$0x1D80] =	vst v63  }
0x23: {  	s25 =	simm.s32 $0x200;
	_ =	swait.ge [sflag:s9], $0x80  }
.LBB2_2:
0x24: {  	s26 =	sshra.s32 s25, $0x2;
	[sflag:s9] =	ssyncset.done $0x0;
	p0 =	sne.s32 s25, $0x6000  }
.Ltmp0:
0x25: {  	s26 =	sadd.s32 s26, s4;
	[sflag:s9] =	ssyncadd.s32 $0xFFFFFF80;
	(pc) =	sbr.rel @p0 .LBB2_2-.Ltmp0, $3  }
0x26: {  	[spmem:s26] =	stream.linear.scatter [tilespmem:s8], [sflag:$0x1], $0x80, $0x38;
	[tilespmem:$0x1D80] =	vst v63  }
0x27: {  	s25 =	sadd.s32 $0x200, s25;
	_ =	sdelay $0x1  }
0x28: {  	_ =	swait.ge [sflag:s9], $0x80  }
0x29: {  	[sflag:s9] =	ssyncset.done $0x0  }
0x2a: {  	[sflag:s9] =	ssyncadd.s32 $0xFFFFFF80  }
0x2b: {  	s25 =	sadd.s32 $0x0, s7;
	[bflag:$0x0] =	sbarrier.arrive $0xFFFF  }
0x2c: {  	[tilespmem:s10], [sflag:$0x1] =	stream.linear.gather [hbm4b:s25+s3], $0x400, $0x38;
	[tilespmem:$0x1D80] =	vst v63  }
0x2d: {  	_ =	swait.ge [sflag:s9], $0x400  }
0x2e: {  	[sflag:s9] =	ssyncset.done $0x0  }
0x2f: {  	[sflag:s9] =	ssyncadd.s32 $0xFFFFFC00  }
0x30: {  	[spmem:s1] =	stream.indirect.scatter.add.f32 [tilespmem:s12], [sflag:$0x1], $0x1, s10, s11, $0xb8;
	[tilespmem:$0x1D80] =	vst v63  }
0x31: {  	_ =	swait.ge [sflag:s9], $0x80  }
0x32: {  	[sflag:s9] =	ssyncset.done $0x0  }
0x33: {  	[sflag:s9] =	ssyncadd.s32 $0xFFFFFF80  }
0x34: {  	[spmem:s1] =	stream.indirect.scatter.add.f32 [tilespmem:s12], [sflag:$0x1], $0x1, s13, s11, $0xb8;
	[tilespmem:$0x1D80] =	vst v63  }
0x35: {  	_ =	swait.ge [sflag:s9], $0x80  }
0x36: {  	[sflag:s9] =	ssyncset.done $0x0  }
0x37: {  	[sflag:s9] =	ssyncadd.s32 $0xFFFFFF80  }
0x38: {  	[spmem:s1] =	stream.indirect.scatter.add.f32 [tilespmem:s12], [sflag:$0x1], $0x1, s14, s11, $0xb8;
	[tilespmem:$0x1D80] =	vst v63  }
0x39: {  	_ =	swait.ge [sflag:s9], $0x80  }
0x3a: {  	[sflag:s9] =	ssyncset.done $0x0  }
0x3b: {  	[sflag:s9] =	ssyncadd.s32 $0xFFFFFF80  }
0x3c: {  	[spmem:s1] =	stream.indirect.scatter.add.f32 [tilespmem:s12], [sflag:$0x1], $0x1, s15, s11, $0xb8;
	[tilespmem:$0x1D80] =	vst v63  }
0x3d: {  	_ =	swait.ge [sflag:s9], $0x80  }
0x3e: {  	[sflag:s9] =	ssyncset.done $0x0  }
0x3f: {  	[sflag:s9] =	ssyncadd.s32 $0xFFFFFF80  }
0x40: {  	[spmem:s1] =	stream.indirect.scatter.add.f32 [tilespmem:s12], [sflag:$0x1], $0x1, s16, s11, $0xb8;
	[tilespmem:$0x1D80] =	vst v63  }
0x41: {  	_ =	swait.ge [sflag:s9], $0x80  }
0x42: {  	[sflag:s9] =	ssyncset.done $0x0  }
0x43: {  	[sflag:s9] =	ssyncadd.s32 $0xFFFFFF80  }
0x44: {  	[spmem:s1] =	stream.indirect.scatter.add.f32 [tilespmem:s12], [sflag:$0x1], $0x1, s17, s11, $0xb8;
	[tilespmem:$0x1D80] =	vst v63  }
0x45: {  	_ =	swait.ge [sflag:s9], $0x80  }
0x46: {  	[sflag:s9] =	ssyncset.done $0x0  }
0x47: {  	[sflag:s9] =	ssyncadd.s32 $0xFFFFFF80  }
0x48: {  	[spmem:s1] =	stream.indirect.scatter.add.f32 [tilespmem:s12], [sflag:$0x1], $0x1, s18, s11, $0xb8;
	[tilespmem:$0x1D80] =	vst v63  }
0x49: {  	_ =	swait.ge [sflag:s9], $0x80  }
0x4a: {  	[sflag:s9] =	ssyncset.done $0x0  }
0x4b: {  	[sflag:s9] =	ssyncadd.s32 $0xFFFFFF80  }
0x4c: {  	[spmem:s1] =	stream.indirect.scatter.add.f32 [tilespmem:s12], [sflag:$0x1], $0x1, s19, s11, $0xb8;
	[tilespmem:$0x1D80] =	vst v63  }
0x4d: {  	_ =	swait.ge [sflag:s9], $0x80  }
0x4e: {  	s28 =	simm.s32 $0x100;
	s25 =	simm.s32 $0x80;
	[sflag:s9] =	ssyncset.done $0x0  }
.LBB2_4:
0x4f: {  	s29 =	sadd.s32 s25, s7  }
0x50: {  	[sflag:s9] =	ssyncadd.s32 $0xFFFFFF80;
	s25 =	smov.u32 s28;
	s26 =	sadd.s32 $0x80, s28  }
0x51: {  	[tilespmem:s10], [sflag:$0x1] =	stream.linear.gather [hbm4b:s29+s3], $0x400, $0x38;
	[tilespmem:$0x1D80] =	vst v63  }
0x52: {  	p0 =	sne.s32 s28, $0x3080;
	_ =	swait.ge [sflag:s9], $0x400  }
0x53: {  	[sflag:s9] =	ssyncset.done $0x0  }
0x54: {  	[sflag:s9] =	ssyncadd.s32 $0xFFFFFC00  }
0x55: {  	[spmem:s1] =	stream.indirect.scatter.add.f32 [tilespmem:s12], [sflag:$0x1], $0x1, s10, s11, $0xb8;
	[tilespmem:$0x1D80] =	vst v63  }
0x56: {  	_ =	swait.ge [sflag:s9], $0x80  }
0x57: {  	[sflag:s9] =	ssyncset.done $0x0  }
0x58: {  	[sflag:s9] =	ssyncadd.s32 $0xFFFFFF80  }
0x59: {  	[spmem:s1] =	stream.indirect.scatter.add.f32 [tilespmem:s12], [sflag:$0x1], $0x1, s13, s11, $0xb8;
	[tilespmem:$0x1D80] =	vst v63  }
0x5a: {  	_ =	swait.ge [sflag:s9], $0x80  }
0x5b: {  	[sflag:s9] =	ssyncset.done $0x0  }
0x5c: {  	[sflag:s9] =	ssyncadd.s32 $0xFFFFFF80  }
0x5d: {  	[spmem:s1] =	stream.indirect.scatter.add.f32 [tilespmem:s12], [sflag:$0x1], $0x1, s14, s11, $0xb8;
	[tilespmem:$0x1D80] =	vst v63  }
0x5e: {  	_ =	swait.ge [sflag:s9], $0x80  }
0x5f: {  	[sflag:s9] =	ssyncset.done $0x0  }
0x60: {  	[sflag:s9] =	ssyncadd.s32 $0xFFFFFF80  }
0x61: {  	[spmem:s1] =	stream.indirect.scatter.add.f32 [tilespmem:s12], [sflag:$0x1], $0x1, s15, s11, $0xb8;
	[tilespmem:$0x1D80] =	vst v63  }
0x62: {  	_ =	swait.ge [sflag:s9], $0x80  }
0x63: {  	[sflag:s9] =	ssyncset.done $0x0  }
0x64: {  	[sflag:s9] =	ssyncadd.s32 $0xFFFFFF80  }
0x65: {  	[spmem:s1] =	stream.indirect.scatter.add.f32 [tilespmem:s12], [sflag:$0x1], $0x1, s16, s11, $0xb8;
	[tilespmem:$0x1D80] =	vst v63  }
0x66: {  	_ =	swait.ge [sflag:s9], $0x80  }
0x67: {  	[sflag:s9] =	ssyncset.done $0x0  }
0x68: {  	[sflag:s9] =	ssyncadd.s32 $0xFFFFFF80  }
0x69: {  	[spmem:s1] =	stream.indirect.scatter.add.f32 [tilespmem:s12], [sflag:$0x1], $0x1, s17, s11, $0xb8;
	[tilespmem:$0x1D80] =	vst v63  }
0x6a: {  	_ =	swait.ge [sflag:s9], $0x80  }
0x6b: {  	[sflag:s9] =	ssyncset.done $0x0  }
0x6c: {  	[sflag:s9] =	ssyncadd.s32 $0xFFFFFF80  }
0x6d: {  	[spmem:s1] =	stream.indirect.scatter.add.f32 [tilespmem:s12], [sflag:$0x1], $0x1, s18, s11, $0xb8;
	[tilespmem:$0x1D80] =	vst v63  }
0x6e: {  	_ =	swait.ge [sflag:s9], $0x80  }
.Ltmp1:
0x6f: {  	[sflag:s9] =	ssyncset.done $0x0;
	(pc) =	sbr.rel @p0 .LBB2_4-.Ltmp1, $4  }
0x70: {  	[sflag:s9] =	ssyncadd.s32 $0xFFFFFF80  }
0x71: {  	[spmem:s1] =	stream.indirect.scatter.add.f32 [tilespmem:s12], [sflag:$0x1], $0x1, s19, s11, $0xb8;
	[tilespmem:$0x1D80] =	vst v63  }
0x72: {  	_ =	swait.ge [sflag:s9], $0x80  }
0x73: {  	s28 =	smov.u32 s26;
	[sflag:s9] =	ssyncset.done $0x0  }
0x74: {  	s25 =	sadd.s32 s25, s7;
	[sflag:s9] =	ssyncadd.s32 $0xFFFFFF80  }
0x75: {  	[tilespmem:s10], [sflag:$0x1] =	stream.linear.gather [hbm4b:s25+s3], $0x400, $0x38;
	[tilespmem:$0x1D80] =	vst v63  }
0x76: {  	_ =	swait.ge [sflag:s9], $0x400  }
0x77: {  	[sflag:s9] =	ssyncset.done $0x0  }
0x78: {  	[sflag:s9] =	ssyncadd.s32 $0xFFFFFC00  }
0x79: {  	[spmem:s1] =	stream.indirect.scatter.add.f32 [tilespmem:s12], [sflag:$0x1], $0x1, s10, s11, $0xb8;
	[tilespmem:$0x1D80] =	vst v63  }
0x7a: {  	_ =	swait.ge [sflag:s9], $0x80  }
0x7b: {  	[sflag:s9] =	ssyncset.done $0x0  }
0x7c: {  	[sflag:s9] =	ssyncadd.s32 $0xFFFFFF80  }
0x7d: {  	[spmem:s1] =	stream.indirect.scatter.add.f32 [tilespmem:s12], [sflag:$0x1], $0x1, s13, s11, $0xb8;
	[tilespmem:$0x1D80] =	vst v63  }
0x7e: {  	_ =	swait.ge [sflag:s9], $0x80  }
0x7f: {  	[sflag:s9] =	ssyncset.done $0x0  }
0x80: {  	[sflag:s9] =	ssyncadd.s32 $0xFFFFFF80  }
0x81: {  	[spmem:s1] =	stream.indirect.scatter.add.f32 [tilespmem:s12], [sflag:$0x1], $0x1, s14, s11, $0xb8;
	[tilespmem:$0x1D80] =	vst v63  }
0x82: {  	_ =	swait.ge [sflag:s9], $0x80  }
0x83: {  	[sflag:s9] =	ssyncset.done $0x0  }
0x84: {  	[sflag:s9] =	ssyncadd.s32 $0xFFFFFF80  }
0x85: {  	[spmem:s1] =	stream.indirect.scatter.add.f32 [tilespmem:s12], [sflag:$0x1], $0x1, s15, s11, $0xb8;
	[tilespmem:$0x1D80] =	vst v63  }
0x86: {  	_ =	swait.ge [sflag:s9], $0x80  }
0x87: {  	[sflag:s9] =	ssyncset.done $0x0  }
0x88: {  	[sflag:s9] =	ssyncadd.s32 $0xFFFFFF80  }
0x89: {  	[spmem:s1] =	stream.indirect.scatter.add.f32 [tilespmem:s12], [sflag:$0x1], $0x1, s16, s11, $0xb8;
	[tilespmem:$0x1D80] =	vst v63  }
0x8a: {  	_ =	swait.ge [sflag:s9], $0x80  }
0x8b: {  	[sflag:s9] =	ssyncset.done $0x0  }
0x8c: {  	[sflag:s9] =	ssyncadd.s32 $0xFFFFFF80  }
0x8d: {  	[spmem:s1] =	stream.indirect.scatter.add.f32 [tilespmem:s12], [sflag:$0x1], $0x1, s17, s11, $0xb8;
	[tilespmem:$0x1D80] =	vst v63  }
0x8e: {  	_ =	swait.ge [sflag:s9], $0x80  }
0x8f: {  	[sflag:s9] =	ssyncset.done $0x0  }
0x90: {  	[sflag:s9] =	ssyncadd.s32 $0xFFFFFF80  }
0x91: {  	[spmem:s1] =	stream.indirect.scatter.add.f32 [tilespmem:s12], [sflag:$0x1], $0x1, s18, s11, $0xb8;
	[tilespmem:$0x1D80] =	vst v63  }
0x92: {  	_ =	swait.ge [sflag:s9], $0x80  }
0x93: {  	[sflag:s9] =	ssyncset.done $0x0  }
0x94: {  	[sflag:s9] =	ssyncadd.s32 $0xFFFFFF80  }
0x95: {  	[spmem:s1] =	stream.indirect.scatter.add.f32 [tilespmem:s12], [sflag:$0x1], $0x1, s19, s11, $0xb8;
	[tilespmem:$0x1D80] =	vst v63  }
0x96: {  	_ =	swait.ge [sflag:s9], $0x80  }
0x97: {  	s24 =	sadd.s32 $0x1, s24;
	[sflag:s9] =	ssyncset.done $0x0  }
0x98: {  	p0 =	sne.s32 s24, s6;
	[sflag:s9] =	ssyncadd.s32 $0xFFFFFF80  }
.Ltmp2:
0x99: {  	[bflag:$0x0] =	sbarrier.arrive $0xFFFF;
	(pc) =	sbr.rel @p0 .LBB2_1-.Ltmp2, $4  }
0x9a: {  	[hbm:s5@s22], [sflag:s20] =	dma.strided [spmem:s21@s23], $0x310, s9, $0x10   }
0x9b: {  	_ =	swait.ge [sflag:s9], $0x310  }
0x9c: {  	[sflag:s9] =	ssyncset.done $0x0  }
0x9d: {  	[sflag:s9] =	ssyncadd.s32 $0xFFFFFCF0  }
0x9e: {  	_ =	sfence.sel $0x180000  }
0x9f: {  	[bflag:$0x0] =	sbarrier.arrive $0xFFFF  }
0xa0: {  	p0 =	sne.s32 s2, $0x0;
	_ =	strace $0x90000047  }
0xa1: {  	s0 =	sadd.s32 @!p0 $0x100000, s0;
	[bflag:$0x2] =	sbarrier.arrive $0xFFFF  }
0xa2: {  	[sflag:s0] =	ssyncadd.tile.s32 @!p0 $0x1;
	_ =	shalt  }
.Lfunc_end2:
_tile_overlayer_lowered:
.L_overlay_start_2:
0xa3: {  	(tag) =	ssettag $0x2  }
0xa4: {  	s0 =	rddreg [dreg:$0x0];
	s2 =	stileid.u32  }
0xa5: {  	s1 =	rddreg [dreg:$0x1];
	p0 =	sne.s32 s2, $0x0  }
0xa6: {  	s3 =	rddreg [dreg:$0x2];
	[bflag:$0x3] =	sbarrier.arrive $0xFFFF;
	s2 =	simm.s32 @!p0 $0x1C01  }
0xa7: {  	[timem:s3], [sflag:s2] =	dma.local @!p0 [hbm:s0], s1  }
0xa8: {  	s0 =	simm.s32 @!p0 $0x1  }
0xa9: {  	_ =	swait.ge @!p0 [sflag:s0], s1  }
0xaa: {  	s1 =	ssub.s32 @!p0 $0x0, s1;
	[sflag:s0] =	ssyncset.done @!p0 $0x0  }
0xab: {  	[sflag:s0] =	ssyncadd.s32 @!p0 s1  }
0xac: {  	[bflag:$0x3] =	sbarrier.arrive $0xFFFF  }
0xad: {  	_ =	shalt  }

</sc_bundles>
